<compile_context>
chip_gen: v7x
topology: tpu7x:2x2x1
jax: 0.10.2.dev20260603
libtpu: 0.0.44.dev20260713+nightly
codegen_flags: <defaults>
</compile_context>

<pallas_src>
import functools

import jax
import jax.numpy as jnp
from jax import lax
from jax.experimental import pallas as pl
from jax.experimental.pallas import tpu as pltpu
from jax.experimental.pallas import tpu_sc as plsc

_NUM_NODES = 10000
_FEAT_DIM = 1433
_K_PAD = 1536
_EMB = 512
_B = 1024
_NUM_SAMPLE = 48
_TOTAL_NEIGHS = _B * _NUM_SAMPLE
_U = 16384

_NC = 2
_NS = 16
_NW = _NC * _NS
_RPW = _TOTAL_NEIGHS // _NW
_NPW = _B // _NW
_CH = 96
_NCH = _RPW // _CH


def _matmul_body(xt_ref, w_ref, b_ref, o_ref):
    o_ref[:, :] = (
        lax.dot_general(
            xt_ref[:, :],
            w_ref[:, :],
            (((0,), (0,)), ((), ())),
            preferred_element_type=jnp.float32,
        )
        + b_ref[:, :]
    )


def _project_features(features_t, w, b_in):
    bm = 1024
    grid = (_NUM_NODES + bm - 1) // bm
    return pl.pallas_call(
        _matmul_body,
        grid=(grid,),
        in_specs=[
            pl.BlockSpec((_FEAT_DIM, bm), lambda i: (0, i)),
            pl.BlockSpec((_FEAT_DIM, _EMB), lambda i: (0, 0)),
            pl.BlockSpec((1, _EMB), lambda i: (0, 0)),
        ],
        out_specs=pl.BlockSpec((bm, _EMB), lambda i: (i, 0)),
        out_shape=jax.ShapeDtypeStruct((_NUM_NODES, _EMB), jnp.float32),
    )(features_t, w, b_in.reshape(1, _EMB))


def _mask_body(seq_ref, m_ref):
    pos = lax.broadcasted_iota(jnp.int32, (_B, _NUM_SAMPLE), 1) + 1
    m_ref[:, :] = pos > seq_ref[:, :]


def _padding_mask(seq_length):
    return pl.pallas_call(
        _mask_body,
        in_specs=[pl.BlockSpec((_B, 1), lambda: (0, 0))],
        out_specs=pl.BlockSpec((_B, _NUM_SAMPLE), lambda: (0, 0)),
        out_shape=jax.ShapeDtypeStruct((_B, _NUM_SAMPLE), jnp.bool_),
    )(seq_length.astype(jnp.int32).reshape(_B, 1))


def _compose_body(samp_hbm, unique_hbm, cidx_out, sidx_v, cidx_v, sem):
    wid = lax.axis_index("s") * _NC + lax.axis_index("c")
    base = wid * _RPW
    pltpu.sync_copy(samp_hbm.at[pl.ds(base, _RPW)], sidx_v)
    pltpu.async_copy(unique_hbm.at[sidx_v], cidx_v, sem).wait()
    pltpu.sync_copy(cidx_v, cidx_out.at[pl.ds(base, _RPW)])


def _sc_compose(samp_flat, unique_nodes_list):
    mesh = plsc.VectorSubcoreMesh(core_axis_name="c", subcore_axis_name="s")
    f = functools.partial(
        pl.kernel,
        mesh=mesh,
        out_type=[jax.ShapeDtypeStruct((_TOTAL_NEIGHS,), jnp.int32)],
        scratch_types=[
            pltpu.VMEM((_RPW,), jnp.int32),
            pltpu.VMEM((_RPW,), jnp.int32),
            pltpu.SemaphoreType.DMA,
        ],
    )(_compose_body)
    (cidx,) = f(samp_flat, unique_nodes_list)
    return cidx


def _gather_body(
    nodes_hbm,
    cidx_hbm,
    proj_hbm,
    nodes_out,
    neighs_out,
    cidx_v,
    nidx_v,
    nrows_v,
    rows0_v,
    rows1_v,
    sem,
    nsem,
    gsem0,
    gsem1,
    osem0,
    osem1,
):
    wid = lax.axis_index("s") * _NC + lax.axis_index("c")
    base = wid * _RPW

    pltpu.sync_copy(cidx_hbm.at[pl.ds(base, _RPW)], cidx_v)

    bufs = (rows0_v, rows1_v)
    gsems = (gsem0, gsem1)
    osems = (osem0, osem1)

    def cidx_at(c):
        return cidx_v.at[pl.ds(c * _CH, _CH)]

    nbase = wid * _NPW
    pltpu.sync_copy(nodes_hbm.at[pl.ds(nbase, _NPW)], nidx_v)
    nh = pltpu.async_copy(proj_hbm.at[nidx_v], nrows_v, nsem)

    gh = [None, None]
    oh = [None, None]
    gh[0] = pltpu.async_copy(proj_hbm.at[cidx_at(0)], bufs[0], gsems[0])
    for c in range(_NCH):
        b = c & 1
        nb = 1 - b
        if c + 1 < _NCH:
            if oh[nb] is not None:
                oh[nb].wait()
            gh[nb] = pltpu.async_copy(
                proj_hbm.at[cidx_at(c + 1)], bufs[nb], gsems[nb]
            )
        gh[b].wait()
        oh[b] = pltpu.async_copy(
            bufs[b], neighs_out.at[pl.ds(base + c * _CH, _CH)], osems[b]
        )
    oh[0].wait()
    oh[1].wait()

    nh.wait()
    pltpu.sync_copy(nrows_v, nodes_out.at[pl.ds(nbase, _NPW)])


def _sc_gather(nodes, cidx, proj):
    mesh = plsc.VectorSubcoreMesh(core_axis_name="c", subcore_axis_name="s")
    f = functools.partial(
        pl.kernel,
        mesh=mesh,
        out_type=[
            jax.ShapeDtypeStruct((_B, _EMB), jnp.float32),
            jax.ShapeDtypeStruct((_TOTAL_NEIGHS, _EMB), jnp.float32),
        ],
        scratch_types=[
            pltpu.VMEM((_RPW,), jnp.int32),
            pltpu.VMEM((_NPW,), jnp.int32),
            pltpu.VMEM((_NPW, _EMB), jnp.float32),
            pltpu.VMEM((_CH, _EMB), jnp.float32),
            pltpu.VMEM((_CH, _EMB), jnp.float32),
            pltpu.SemaphoreType.DMA,
            pltpu.SemaphoreType.DMA,
            pltpu.SemaphoreType.DMA,
            pltpu.SemaphoreType.DMA,
            pltpu.SemaphoreType.DMA,
            pltpu.SemaphoreType.DMA,
        ],
    )(_gather_body)
    return f(nodes, cidx, proj)


def kernel(nodes, unique_nodes_list, samp_neighs_t, seq_length, features, W_in, b_in):
    samp_flat = samp_neighs_t.reshape(-1).astype(jnp.int32)
    cidx = _sc_compose(samp_flat, unique_nodes_list.astype(jnp.int32))
    proj = _project_features(features.T, W_in, b_in)
    nodes_emb, neighs_flat = _sc_gather(nodes.astype(jnp.int32), cidx, proj)
    neighs_emb = neighs_flat.reshape(_B, _NUM_SAMPLE, _EMB)
    padding_mask = _padding_mask(seq_length)
    return (nodes_emb, neighs_emb, samp_neighs_t, padding_mask)

# --- scband reference (transcript-rebuilt; emitter-appended) ---
"""Pipeline reference for scband-node2-vec-sampler-16320875725120 (READ-ONLY COPY).

The authoritative reference and input builder live on the scoring server;
editing this copy changes nothing except your own understanding.
"""

import jax, jax.numpy as jnp
import numpy as np

NUM_NODES = 10000
FEAT_DIM = 1433
EMB_SIZE = 512
B = 1024
U = 16384
NUM_SAMPLE = 48


def setup_inputs(seed: int = 0) -> dict:
    key = jax.random.key(seed)
    k = jax.random.split(key, 8)
    nodes = jax.random.randint(k[0], (B,), 0, NUM_NODES)
    unique_nodes_list = jax.random.randint(k[1], (U,), 0, NUM_NODES)
    samp_neighs_t = jax.random.randint(k[2], (B, NUM_SAMPLE), 0, U)
    seq_length = jax.random.randint(k[3], (B,), 1, NUM_SAMPLE + 1)
    features = jax.random.normal(k[4], (NUM_NODES, FEAT_DIM), dtype=jnp.float32)
    W_in = jax.random.normal(k[5], (FEAT_DIM, EMB_SIZE), dtype=jnp.float32) * (1.0 / np.sqrt(FEAT_DIM))
    b_in = jnp.zeros((EMB_SIZE,), dtype=jnp.float32)
    return {
        "nodes": nodes,
        "unique_nodes_list": unique_nodes_list,
        "samp_neighs_t": samp_neighs_t,
        "seq_length": seq_length,
        "features": features,
        "W_in": W_in,
        "b_in": b_in,
    }


def reference(nodes, unique_nodes_list, samp_neighs_t, seq_length, features, W_in, b_in):
    # Embedding-style feature lookup for the union of walk-visited nodes (gather)
    embed_matrix = jnp.take(features, unique_nodes_list, axis=0).astype(jnp.float32)
    nodes_emb = jnp.take(features, nodes, axis=0).astype(jnp.float32)
    # input_l=True path: dense input projection (Linear(1433, emb_size)), lap_enc is None
    embed_matrix = embed_matrix @ W_in + b_in
    nodes_emb = nodes_emb @ W_in + b_in
    # gather padded walk-union neighborhoods from the unique-node embedding matrix
    neighs_emb = jnp.take(embed_matrix, samp_neighs_t.reshape(-1), axis=0).reshape(-1, NUM_SAMPLE, EMB_SIZE)
    # padding mask: positions beyond each ragged sequence length are masked
    padding_mask = jnp.arange(1, NUM_SAMPLE + 1, dtype=seq_length.dtype)[None, :] > seq_length[:, None]
    return (nodes_emb, neighs_emb, samp_neighs_t, padding_mask)

if __name__ == "__main__":
    import jax
    _d = setup_inputs()
    print(jax.jit(kernel)(*tuple(_d.values())))

</pallas_src>

<mosaic_0001>
#map = affine_map<(d0, d1) -> (0)>
module attributes {stable_mosaic.version = 14 : i64} {
  func.func @_compose_body(%arg0: i32, %arg1: i32, %arg2: memref<49152xi32, #tpu.memory_space<hbm>>, %arg3: memref<16384xi32, #tpu.memory_space<hbm>>, %arg4: memref<49152xi32, #tpu.memory_space<hbm>>, %arg5: memref<1536xi32, #tpu.memory_space<vmem>>, %arg6: memref<1536xi32, #tpu.memory_space<vmem>>, %arg7: memref<!tpu.dma_semaphore, #tpu.memory_space<semaphore_mem>>) attributes {dimension_semantics = [#tpu.dimension_semantics<core_parallel>, #tpu.dimension_semantics<subcore_parallel>], iteration_bounds = array<i64: 2, 16>, scalar_prefetch = 0 : i64, scratch_operands = 3 : i64, tpu.core_type = #tpu.core_type<sc_vector_subcore>, window_params = [{transform_indices = #map}, {transform_indices = #map}, {transform_indices = #map}]} {
    %mul3A = arith.constant 2 : i32
    %mul3A_0 = arith.muli %arg1, %mul3A : i32
    %add3A = arith.addi %mul3A_0, %arg0 : i32
    %mul3A_1 = arith.constant 1536 : i32
    %mul3A_2 = arith.muli %add3A, %mul3A_1 : i32
    "tpu.region"() ({
      %run_scoped3A = tpu.sem_alloc : memref<!tpu.dma_semaphore, #tpu.memory_space<semaphore_mem>>
      %dma_start3A_5 = tpu.memref_slice %arg2[%mul3A_2] : memref<49152xi32, #tpu.memory_space<hbm>> -> memref<1536xi32, #tpu.memory_space<hbm>>
      %dma_start3A_6 = tpu.memref_slice %arg2[%mul3A_2] : memref<49152xi32, #tpu.memory_space<hbm>> -> memref<1536xi32, #tpu.memory_space<hbm>>
      tpu.enqueue_dma source(%dma_start3A_6 : memref<1536xi32, #tpu.memory_space<hbm>>) target(%arg5 : memref<1536xi32, #tpu.memory_space<vmem>>) target_semaphore(%run_scoped3A : memref<!tpu.dma_semaphore, #tpu.memory_space<semaphore_mem>>)
      %dma_wait3A_7 = tpu.memref_slice %arg2[%mul3A_2] : memref<49152xi32, #tpu.memory_space<hbm>> -> memref<1536xi32, #tpu.memory_space<hbm>>
      %dma_wait3A_8 = tpu.memref_slice %arg2[%mul3A_2] : memref<49152xi32, #tpu.memory_space<hbm>> -> memref<1536xi32, #tpu.memory_space<hbm>>
      tpu.wait_dma2 semaphore(%run_scoped3A : memref<!tpu.dma_semaphore, #tpu.memory_space<semaphore_mem>>) src(%dma_wait3A_8 : memref<1536xi32, #tpu.memory_space<hbm>>) dst(%arg5 : memref<1536xi32, #tpu.memory_space<vmem>>)
      tpu.yield
    }) : () -> ()
    %dma_start3A = arith.constant 0 : i32
    %dma_start3A_3 = tpu.memref_slice %arg3[%dma_start3A] : memref<16384xi32, #tpu.memory_space<hbm>> -> memref<16384xi32, #tpu.memory_space<hbm>>
    tpu.enqueue_indirect_dma source(%dma_start3A_3 : memref<16384xi32, #tpu.memory_space<hbm>>) target(%arg6 : memref<1536xi32, #tpu.memory_space<vmem>>) offsets(%arg5 : memref<1536xi32, #tpu.memory_space<vmem>>) semaphore(%arg7 : memref<!tpu.dma_semaphore, #tpu.memory_space<semaphore_mem>>)
    %dma_wait3A = arith.constant 0 : i32
    %dma_wait3A_4 = tpu.memref_slice %arg3[%dma_wait3A] : memref<16384xi32, #tpu.memory_space<hbm>> -> memref<16384xi32, #tpu.memory_space<hbm>>
    tpu.wait_indirect_dma semaphore(%arg7 : memref<!tpu.dma_semaphore, #tpu.memory_space<semaphore_mem>>) src(%dma_wait3A_4 : memref<16384xi32, #tpu.memory_space<hbm>>) dst(%arg6 : memref<1536xi32, #tpu.memory_space<vmem>>)
    "tpu.region"() ({
      %run_scoped3A = tpu.sem_alloc : memref<!tpu.dma_semaphore, #tpu.memory_space<semaphore_mem>>
      %dma_start3A_5 = tpu.memref_slice %arg4[%mul3A_2] : memref<49152xi32, #tpu.memory_space<hbm>> -> memref<1536xi32, #tpu.memory_space<hbm>>
      %dma_start3A_6 = tpu.memref_slice %arg4[%mul3A_2] : memref<49152xi32, #tpu.memory_space<hbm>> -> memref<1536xi32, #tpu.memory_space<hbm>>
      tpu.enqueue_dma source(%arg6 : memref<1536xi32, #tpu.memory_space<vmem>>) target(%dma_start3A_6 : memref<1536xi32, #tpu.memory_space<hbm>>) target_semaphore(%run_scoped3A : memref<!tpu.dma_semaphore, #tpu.memory_space<semaphore_mem>>)
      %dma_wait3A_7 = tpu.memref_slice %arg4[%mul3A_2] : memref<49152xi32, #tpu.memory_space<hbm>> -> memref<1536xi32, #tpu.memory_space<hbm>>
      %dma_wait3A_8 = tpu.memref_slice %arg4[%mul3A_2] : memref<49152xi32, #tpu.memory_space<hbm>> -> memref<1536xi32, #tpu.memory_space<hbm>>
      tpu.wait_dma2 semaphore(%run_scoped3A : memref<!tpu.dma_semaphore, #tpu.memory_space<semaphore_mem>>) src(%arg6 : memref<1536xi32, #tpu.memory_space<vmem>>) dst(%dma_wait3A_8 : memref<1536xi32, #tpu.memory_space<hbm>>)
      tpu.yield
    }) : () -> ()
    return
  }
}

#map = affine_map<(d0, d1) -> (0)>
#map1 = affine_map<(d0, d1) -> (0, 0)>
module attributes {stable_mosaic.version = 14 : i64} {
  func.func @_gather_body(%arg0: i32, %arg1: i32, %arg2: memref<1024xi32, #tpu.memory_space<hbm>>, %arg3: memref<49152xi32, #tpu.memory_space<hbm>>, %arg4: memref<10000x512xf32, #tpu.memory_space<hbm>>, %arg5: memref<1024x512xf32, #tpu.memory_space<hbm>>, %arg6: memref<49152x512xf32, #tpu.memory_space<hbm>>, %arg7: memref<1536xi32, #tpu.memory_space<vmem>>, %arg8: memref<32xi32, #tpu.memory_space<vmem>>, %arg9: memref<32x512xf32, #tpu.memory_space<vmem>>, %arg10: memref<96x512xf32, #tpu.memory_space<vmem>>, %arg11: memref<96x512xf32, #tpu.memory_space<vmem>>, %arg12: memref<!tpu.dma_semaphore, #tpu.memory_space<semaphore_mem>>, %arg13: memref<!tpu.dma_semaphore, #tpu.memory_space<semaphore_mem>>, %arg14: memref<!tpu.dma_semaphore, #tpu.memory_space<semaphore_mem>>, %arg15: memref<!tpu.dma_semaphore, #tpu.memory_space<semaphore_mem>>, %arg16: memref<!tpu.dma_semaphore, #tpu.memory_space<semaphore_mem>>, %arg17: memref<!tpu.dma_semaphore, #tpu.memory_space<semaphore_mem>>) attributes {dimension_semantics = [#tpu.dimension_semantics<core_parallel>, #tpu.dimension_semantics<subcore_parallel>], iteration_bounds = array<i64: 2, 16>, scalar_prefetch = 0 : i64, scratch_operands = 11 : i64, tpu.core_type = #tpu.core_type<sc_vector_subcore>, window_params = [{transform_indices = #map}, {transform_indices = #map}, {transform_indices = #map1}, {transform_indices = #map1}, {transform_indices = #map1}]} {
    %mul3A = arith.constant 2 : i32
    %mul3A_0 = arith.muli %arg1, %mul3A : i32
    %add3A = arith.addi %mul3A_0, %arg0 : i32
    %mul3A_1 = arith.constant 1536 : i32
    %mul3A_2 = arith.muli %add3A, %mul3A_1 : i32
    "tpu.region"() ({
      %run_scoped3A = tpu.sem_alloc : memref<!tpu.dma_semaphore, #tpu.memory_space<semaphore_mem>>
      %dma_start3A_329 = tpu.memref_slice %arg3[%mul3A_2] : memref<49152xi32, #tpu.memory_space<hbm>> -> memref<1536xi32, #tpu.memory_space<hbm>>
      %dma_start3A_330 = tpu.memref_slice %arg3[%mul3A_2] : memref<49152xi32, #tpu.memory_space<hbm>> -> memref<1536xi32, #tpu.memory_space<hbm>>
      tpu.enqueue_dma source(%dma_start3A_330 : memref<1536xi32, #tpu.memory_space<hbm>>) target(%arg7 : memref<1536xi32, #tpu.memory_space<vmem>>) target_semaphore(%run_scoped3A : memref<!tpu.dma_semaphore, #tpu.memory_space<semaphore_mem>>)
      %dma_wait3A_331 = tpu.memref_slice %arg3[%mul3A_2] : memref<49152xi32, #tpu.memory_space<hbm>> -> memref<1536xi32, #tpu.memory_space<hbm>>
      %dma_wait3A_332 = tpu.memref_slice %arg3[%mul3A_2] : memref<49152xi32, #tpu.memory_space<hbm>> -> memref<1536xi32, #tpu.memory_space<hbm>>
      tpu.wait_dma2 semaphore(%run_scoped3A : memref<!tpu.dma_semaphore, #tpu.memory_space<semaphore_mem>>) src(%dma_wait3A_332 : memref<1536xi32, #tpu.memory_space<hbm>>) dst(%arg7 : memref<1536xi32, #tpu.memory_space<vmem>>)
      tpu.yield
    }) : () -> ()
    %mul3A_3 = arith.constant 32 : i32
    %mul3A_4 = arith.muli %add3A, %mul3A_3 : i32
    "tpu.region"() ({
      %run_scoped3A = tpu.sem_alloc : memref<!tpu.dma_semaphore, #tpu.memory_space<semaphore_mem>>
      %dma_start3A_329 = tpu.memref_slice %arg2[%mul3A_4] : memref<1024xi32, #tpu.memory_space<hbm>> -> memref<32xi32, #tpu.memory_space<hbm>>
      %dma_start3A_330 = tpu.memref_slice %arg2[%mul3A_4] : memref<1024xi32, #tpu.memory_space<hbm>> -> memref<32xi32, #tpu.memory_space<hbm>>
      tpu.enqueue_dma source(%dma_start3A_330 : memref<32xi32, #tpu.memory_space<hbm>>) target(%arg8 : memref<32xi32, #tpu.memory_space<vmem>>) target_semaphore(%run_scoped3A : memref<!tpu.dma_semaphore, #tpu.memory_space<semaphore_mem>>)
      %dma_wait3A_331 = tpu.memref_slice %arg2[%mul3A_4] : memref<1024xi32, #tpu.memory_space<hbm>> -> memref<32xi32, #tpu.memory_space<hbm>>
      %dma_wait3A_332 = tpu.memref_slice %arg2[%mul3A_4] : memref<1024xi32, #tpu.memory_space<hbm>> -> memref<32xi32, #tpu.memory_space<hbm>>
      tpu.wait_dma2 semaphore(%run_scoped3A : memref<!tpu.dma_semaphore, #tpu.memory_space<semaphore_mem>>) src(%dma_wait3A_332 : memref<32xi32, #tpu.memory_space<hbm>>) dst(%arg8 : memref<32xi32, #tpu.memory_space<vmem>>)
      tpu.yield
    }) : () -> ()
    %dma_start3A = arith.constant 0 : i32
    %dma_start3A_5 = arith.constant 0 : i32
    %dma_start3A_6 = tpu.memref_slice %arg4[%dma_start3A, %dma_start3A_5] : memref<10000x512xf32, #tpu.memory_space<hbm>> -> memref<10000x512xf32, #tpu.memory_space<hbm>>
    tpu.enqueue_indirect_dma source(%dma_start3A_6 : memref<10000x512xf32, #tpu.memory_space<hbm>>) target(%arg9 : memref<32x512xf32, #tpu.memory_space<vmem>>) offsets(%arg8 : memref<32xi32, #tpu.memory_space<vmem>>) semaphore(%arg13 : memref<!tpu.dma_semaphore, #tpu.memory_space<semaphore_mem>>)
    %dma_start3A_7 = arith.constant 0 : i32
    %dma_start3A_8 = tpu.memref_slice %arg7[%dma_start3A_7] : memref<1536xi32, #tpu.memory_space<vmem>> -> memref<96xi32, #tpu.memory_space<vmem>>
    %dma_start3A_9 = arith.constant 0 : i32
    %dma_start3A_10 = arith.constant 0 : i32
    %dma_start3A_11 = tpu.memref_slice %arg4[%dma_start3A_9, %dma_start3A_10] : memref<10000x512xf32, #tpu.memory_space<hbm>> -> memref<10000x512xf32, #tpu.memory_space<hbm>>
    tpu.enqueue_indirect_dma source(%dma_start3A_11 : memref<10000x512xf32, #tpu.memory_space<hbm>>) target(%arg10 : memref<96x512xf32, #tpu.memory_space<vmem>>) offsets(%dma_start3A_8 : memref<96xi32, #tpu.memory_space<vmem>>) semaphore(%arg14 : memref<!tpu.dma_semaphore, #tpu.memory_space<semaphore_mem>>)
    %dma_start3A_12 = arith.constant 96 : i32
    %dma_start3A_13 = tpu.memref_slice %arg7[%dma_start3A_12] : memref<1536xi32, #tpu.memory_space<vmem>> -> memref<96xi32, #tpu.memory_space<vmem>>
    %dma_start3A_14 = arith.constant 0 : i32
    %dma_start3A_15 = arith.constant 0 : i32
    %dma_start3A_16 = tpu.memref_slice %arg4[%dma_start3A_14, %dma_start3A_15] : memref<10000x512xf32, #tpu.memory_space<hbm>> -> memref<10000x512xf32, #tpu.memory_space<hbm>>
    tpu.enqueue_indirect_dma source(%dma_start3A_16 : memref<10000x512xf32, #tpu.memory_space<hbm>>) target(%arg11 : memref<96x512xf32, #tpu.memory_space<vmem>>) offsets(%dma_start3A_13 : memref<96xi32, #tpu.memory_space<vmem>>) semaphore(%arg15 : memref<!tpu.dma_semaphore, #tpu.memory_space<semaphore_mem>>)
    %dma_wait3A = arith.constant 0 : i32
    %dma_wait3A_17 = tpu.memref_slice %arg7[%dma_wait3A] : memref<1536xi32, #tpu.memory_space<vmem>> -> memref<96xi32, #tpu.memory_space<vmem>>
    %dma_wait3A_18 = arith.constant 0 : i32
    %dma_wait3A_19 = arith.constant 0 : i32
    %dma_wait3A_20 = tpu.memref_slice %arg4[%dma_wait3A_18, %dma_wait3A_19] : memref<10000x512xf32, #tpu.memory_space<hbm>> -> memref<10000x512xf32, #tpu.memory_space<hbm>>
    tpu.wait_indirect_dma semaphore(%arg14 : memref<!tpu.dma_semaphore, #tpu.memory_space<semaphore_mem>>) src(%dma_wait3A_20 : memref<10000x512xf32, #tpu.memory_space<hbm>>) dst(%arg10 : memref<96x512xf32, #tpu.memory_space<vmem>>)
    %add3A_21 = arith.constant 0 : i32
    %add3A_22 = arith.addi %mul3A_2, %add3A_21 : i32
    %dma_start3A_23 = arith.constant 0 : i32
    %dma_start3A_24 = tpu.memref_slice %arg6[%add3A_22, %dma_start3A_23] : memref<49152x512xf32, #tpu.memory_space<hbm>> -> memref<96x512xf32, #tpu.memory_space<hbm>>
    %dma_start3A_25 = arith.constant 0 : i32
    %dma_start3A_26 = tpu.memref_slice %arg6[%add3A_22, %dma_start3A_25] : memref<49152x512xf32, #tpu.memory_space<hbm>> -> memref<96x512xf32, #tpu.memory_space<hbm>>
    tpu.enqueue_dma source(%arg10 : memref<96x512xf32, #tpu.memory_space<vmem>>) target(%dma_start3A_26 : memref<96x512xf32, #tpu.memory_space<hbm>>) target_semaphore(%arg16 : memref<!tpu.dma_semaphore, #tpu.memory_space<semaphore_mem>>)
    %dma_wait3A_27 = arith.constant 0 : i32
    %dma_wait3A_28 = tpu.memref_slice %arg6[%add3A_22, %dma_wait3A_27] : memref<49152x512xf32, #tpu.memory_space<hbm>> -> memref<96x512xf32, #tpu.memory_space<hbm>>
    %dma_wait3A_29 = arith.constant 0 : i32
    %dma_wait3A_30 = tpu.memref_slice %arg6[%add3A_22, %dma_wait3A_29] : memref<49152x512xf32, #tpu.memory_space<hbm>> -> memref<96x512xf32, #tpu.memory_space<hbm>>
    tpu.wait_dma2 semaphore(%arg16 : memref<!tpu.dma_semaphore, #tpu.memory_space<semaphore_mem>>) src(%arg10 : memref<96x512xf32, #tpu.memory_space<vmem>>) dst(%dma_wait3A_30 : memref<96x512xf32, #tpu.memory_space<hbm>>)
    %dma_start3A_31 = arith.constant 192 : i32
    %dma_start3A_32 = tpu.memref_slice %arg7[%dma_start3A_31] : memref<1536xi32, #tpu.memory_space<vmem>> -> memref<96xi32, #tpu.memory_space<vmem>>
    %dma_start3A_33 = arith.constant 0 : i32
    %dma_start3A_34 = arith.constant 0 : i32
    %dma_start3A_35 = tpu.memref_slice %arg4[%dma_start3A_33, %dma_start3A_34] : memref<10000x512xf32, #tpu.memory_space<hbm>> -> memref<10000x512xf32, #tpu.memory_space<hbm>>
    tpu.enqueue_indirect_dma source(%dma_start3A_35 : memref<10000x512xf32, #tpu.memory_space<hbm>>) target(%arg10 : memref<96x512xf32, #tpu.memory_space<vmem>>) offsets(%dma_start3A_32 : memref<96xi32, #tpu.memory_space<vmem>>) semaphore(%arg14 : memref<!tpu.dma_semaphore, #tpu.memory_space<semaphore_mem>>)
    %dma_wait3A_36 = arith.constant 96 : i32
    %dma_wait3A_37 = tpu.memref_slice %arg7[%dma_wait3A_36] : memref<1536xi32, #tpu.memory_space<vmem>> -> memref<96xi32, #tpu.memory_space<vmem>>
    %dma_wait3A_38 = arith.constant 0 : i32
    %dma_wait3A_39 = arith.constant 0 : i32
    %dma_wait3A_40 = tpu.memref_slice %arg4[%dma_wait3A_38, %dma_wait3A_39] : memref<10000x512xf32, #tpu.memory_space<hbm>> -> memref<10000x512xf32, #tpu.memory_space<hbm>>
    tpu.wait_indirect_dma semaphore(%arg15 : memref<!tpu.dma_semaphore, #tpu.memory_space<semaphore_mem>>) src(%dma_wait3A_40 : memref<10000x512xf32, #tpu.memory_space<hbm>>) dst(%arg11 : memref<96x512xf32, #tpu.memory_space<vmem>>)
    %add3A_41 = arith.constant 96 : i32
    %add3A_42 = arith.addi %mul3A_2, %add3A_41 : i32
    %dma_start3A_43 = arith.constant 0 : i32
    %dma_start3A_44 = tpu.memref_slice %arg6[%add3A_42, %dma_start3A_43] : memref<49152x512xf32, #tpu.memory_space<hbm>> -> memref<96x512xf32, #tpu.memory_space<hbm>>
    %dma_start3A_45 = arith.constant 0 : i32
    %dma_start3A_46 = tpu.memref_slice %arg6[%add3A_42, %dma_start3A_45] : memref<49152x512xf32, #tpu.memory_space<hbm>> -> memref<96x512xf32, #tpu.memory_space<hbm>>
    tpu.enqueue_dma source(%arg11 : memref<96x512xf32, #tpu.memory_space<vmem>>) target(%dma_start3A_46 : memref<96x512xf32, #tpu.memory_space<hbm>>) target_semaphore(%arg17 : memref<!tpu.dma_semaphore, #tpu.memory_space<semaphore_mem>>)
    %dma_wait3A_47 = arith.constant 0 : i32
    %dma_wait3A_48 = tpu.memref_slice %arg6[%add3A_42, %dma_wait3A_47] : memref<49152x512xf32, #tpu.memory_space<hbm>> -> memref<96x512xf32, #tpu.memory_space<hbm>>
    %dma_wait3A_49 = arith.constant 0 : i32
    %dma_wait3A_50 = tpu.memref_slice %arg6[%add3A_42, %dma_wait3A_49] : memref<49152x512xf32, #tpu.memory_space<hbm>> -> memref<96x512xf32, #tpu.memory_space<hbm>>
    tpu.wait_dma2 semaphore(%arg17 : memref<!tpu.dma_semaphore, #tpu.memory_space<semaphore_mem>>) src(%arg11 : memref<96x512xf32, #tpu.memory_space<vmem>>) dst(%dma_wait3A_50 : memref<96x512xf32, #tpu.memory_space<hbm>>)
    %dma_start3A_51 = arith.constant 288 : i32
    %dma_start3A_52 = tpu.memref_slice %arg7[%dma_start3A_51] : memref<1536xi32, #tpu.memory_space<vmem>> -> memref<96xi32, #tpu.memory_space<vmem>>
    %dma_start3A_53 = arith.constant 0 : i32
    %dma_start3A_54 = arith.constant 0 : i32
    %dma_start3A_55 = tpu.memref_slice %arg4[%dma_start3A_53, %dma_start3A_54] : memref<10000x512xf32, #tpu.memory_space<hbm>> -> memref<10000x512xf32, #tpu.memory_space<hbm>>
    tpu.enqueue_indirect_dma source(%dma_start3A_55 : memref<10000x512xf32, #tpu.memory_space<hbm>>) target(%arg11 : memref<96x512xf32, #tpu.memory_space<vmem>>) offsets(%dma_start3A_52 : memref<96xi32, #tpu.memory_space<vmem>>) semaphore(%arg15 : memref<!tpu.dma_semaphore, #tpu.memory_space<semaphore_mem>>)
    %dma_wait3A_56 = arith.constant 192 : i32
    %dma_wait3A_57 = tpu.memref_slice %arg7[%dma_wait3A_56] : memref<1536xi32, #tpu.memory_space<vmem>> -> memref<96xi32, #tpu.memory_space<vmem>>
    %dma_wait3A_58 = arith.constant 0 : i32
    %dma_wait3A_59 = arith.constant 0 : i32
    %dma_wait3A_60 = tpu.memref_slice %arg4[%dma_wait3A_58, %dma_wait3A_59] : memref<10000x512xf32, #tpu.memory_space<hbm>> -> memref<10000x512xf32, #tpu.memory_space<hbm>>
    tpu.wait_indirect_dma semaphore(%arg14 : memref<!tpu.dma_semaphore, #tpu.memory_space<semaphore_mem>>) src(%dma_wait3A_60 : memref<10000x512xf32, #tpu.memory_space<hbm>>) dst(%arg10 : memref<96x512xf32, #tpu.memory_space<vmem>>)
    %add3A_61 = arith.constant 192 : i32
    %add3A_62 = arith.addi %mul3A_2, %add3A_61 : i32
    %dma_start3A_63 = arith.constant 0 : i32
    %dma_start3A_64 = tpu.memref_slice %arg6[%add3A_62, %dma_start3A_63] : memref<49152x512xf32, #tpu.memory_space<hbm>> -> memref<96x512xf32, #tpu.memory_space<hbm>>
    %dma_start3A_65 = arith.constant 0 : i32
    %dma_start3A_66 = tpu.memref_slice %arg6[%add3A_62, %dma_start3A_65] : memref<49152x512xf32, #tpu.memory_space<hbm>> -> memref<96x512xf32, #tpu.memory_space<hbm>>
    tpu.enqueue_dma source(%arg10 : memref<96x512xf32, #tpu.memory_space<vmem>>) target(%dma_start3A_66 : memref<96x512xf32, #tpu.memory_space<hbm>>) target_semaphore(%arg16 : memref<!tpu.dma_semaphore, #tpu.memory_space<semaphore_mem>>)
    %dma_wait3A_67 = arith.constant 0 : i32
    %dma_wait3A_68 = tpu.memref_slice %arg6[%add3A_62, %dma_wait3A_67] : memref<49152x512xf32, #tpu.memory_space<hbm>> -> memref<96x512xf32, #tpu.memory_space<hbm>>
    %dma_wait3A_69 = arith.constant 0 : i32
    %dma_wait3A_70 = tpu.memref_slice %arg6[%add3A_62, %dma_wait3A_69] : memref<49152x512xf32, #tpu.memory_space<hbm>> -> memref<96x512xf32, #tpu.memory_space<hbm>>
    tpu.wait_dma2 semaphore(%arg16 : memref<!tpu.dma_semaphore, #tpu.memory_space<semaphore_mem>>) src(%arg10 : memref<96x512xf32, #tpu.memory_space<vmem>>) dst(%dma_wait3A_70 : memref<96x512xf32, #tpu.memory_space<hbm>>)
    %dma_start3A_71 = arith.constant 384 : i32
    %dma_start3A_72 = tpu.memref_slice %arg7[%dma_start3A_71] : memref<1536xi32, #tpu.memory_space<vmem>> -> memref<96xi32, #tpu.memory_space<vmem>>
    %dma_start3A_73 = arith.constant 0 : i32
    %dma_start3A_74 = arith.constant 0 : i32
    %dma_start3A_75 = tpu.memref_slice %arg4[%dma_start3A_73, %dma_start3A_74] : memref<10000x512xf32, #tpu.memory_space<hbm>> -> memref<10000x512xf32, #tpu.memory_space<hbm>>
    tpu.enqueue_indirect_dma source(%dma_start3A_75 : memref<10000x512xf32, #tpu.memory_space<hbm>>) target(%arg10 : memref<96x512xf32, #tpu.memory_space<vmem>>) offsets(%dma_start3A_72 : memref<96xi32, #tpu.memory_space<vmem>>) semaphore(%arg14 : memref<!tpu.dma_semaphore, #tpu.memory_space<semaphore_mem>>)
    %dma_wait3A_76 = arith.constant 288 : i32
    %dma_wait3A_77 = tpu.memref_slice %arg7[%dma_wait3A_76] : memref<1536xi32, #tpu.memory_space<vmem>> -> memref<96xi32, #tpu.memory_space<vmem>>
    %dma_wait3A_78 = arith.constant 0 : i32
    %dma_wait3A_79 = arith.constant 0 : i32
    %dma_wait3A_80 = tpu.memref_slice %arg4[%dma_wait3A_78, %dma_wait3A_79] : memref<10000x512xf32, #tpu.memory_space<hbm>> -> memref<10000x512xf32, #tpu.memory_space<hbm>>
    tpu.wait_indirect_dma semaphore(%arg15 : memref<!tpu.dma_semaphore, #tpu.memory_space<semaphore_mem>>) src(%dma_wait3A_80 : memref<10000x512xf32, #tpu.memory_space<hbm>>) dst(%arg11 : memref<96x512xf32, #tpu.memory_space<vmem>>)
    %add3A_81 = arith.constant 288 : i32
    %add3A_82 = arith.addi %mul3A_2, %add3A_81 : i32
    %dma_start3A_83 = arith.constant 0 : i32
    %dma_start3A_84 = tpu.memref_slice %arg6[%add3A_82, %dma_start3A_83] : memref<49152x512xf32, #tpu.memory_space<hbm>> -> memref<96x512xf32, #tpu.memory_space<hbm>>
    %dma_start3A_85 = arith.constant 0 : i32
    %dma_start3A_86 = tpu.memref_slice %arg6[%add3A_82, %dma_start3A_85] : memref<49152x512xf32, #tpu.memory_space<hbm>> -> memref<96x512xf32, #tpu.memory_space<hbm>>
    tpu.enqueue_dma source(%arg11 : memref<96x512xf32, #tpu.memory_space<vmem>>) target(%dma_start3A_86 : memref<96x512xf32, #tpu.memory_space<hbm>>) target_semaphore(%arg17 : memref<!tpu.dma_semaphore, #tpu.memory_space<semaphore_mem>>)
    %dma_wait3A_87 = arith.constant 0 : i32
    %dma_wait3A_88 = tpu.memref_slice %arg6[%add3A_82, %dma_wait3A_87] : memref<49152x512xf32, #tpu.memory_space<hbm>> -> memref<96x512xf32, #tpu.memory_space<hbm>>
    %dma_wait3A_89 = arith.constant 0 : i32
    %dma_wait3A_90 = tpu.memref_slice %arg6[%add3A_82, %dma_wait3A_89] : memref<49152x512xf32, #tpu.memory_space<hbm>> -> memref<96x512xf32, #tpu.memory_space<hbm>>
    tpu.wait_dma2 semaphore(%arg17 : memref<!tpu.dma_semaphore, #tpu.memory_space<semaphore_mem>>) src(%arg11 : memref<96x512xf32, #tpu.memory_space<vmem>>) dst(%dma_wait3A_90 : memref<96x512xf32, #tpu.memory_space<hbm>>)
    %dma_start3A_91 = arith.constant 480 : i32
    %dma_start3A_92 = tpu.memref_slice %arg7[%dma_start3A_91] : memref<1536xi32, #tpu.memory_space<vmem>> -> memref<96xi32, #tpu.memory_space<vmem>>
    %dma_start3A_93 = arith.constant 0 : i32
    %dma_start3A_94 = arith.constant 0 : i32
    %dma_start3A_95 = tpu.memref_slice %arg4[%dma_start3A_93, %dma_start3A_94] : memref<10000x512xf32, #tpu.memory_space<hbm>> -> memref<10000x512xf32, #tpu.memory_space<hbm>>
    tpu.enqueue_indirect_dma source(%dma_start3A_95 : memref<10000x512xf32, #tpu.memory_space<hbm>>) target(%arg11 : memref<96x512xf32, #tpu.memory_space<vmem>>) offsets(%dma_start3A_92 : memref<96xi32, #tpu.memory_space<vmem>>) semaphore(%arg15 : memref<!tpu.dma_semaphore, #tpu.memory_space<semaphore_mem>>)
    %dma_wait3A_96 = arith.constant 384 : i32
    %dma_wait3A_97 = tpu.memref_slice %arg7[%dma_wait3A_96] : memref<1536xi32, #tpu.memory_space<vmem>> -> memref<96xi32, #tpu.memory_space<vmem>>
    %dma_wait3A_98 = arith.constant 0 : i32
    %dma_wait3A_99 = arith.constant 0 : i32
    %dma_wait3A_100 = tpu.memref_slice %arg4[%dma_wait3A_98, %dma_wait3A_99] : memref<10000x512xf32, #tpu.memory_space<hbm>> -> memref<10000x512xf32, #tpu.memory_space<hbm>>
    tpu.wait_indirect_dma semaphore(%arg14 : memref<!tpu.dma_semaphore, #tpu.memory_space<semaphore_mem>>) src(%dma_wait3A_100 : memref<10000x512xf32, #tpu.memory_space<hbm>>) dst(%arg10 : memref<96x512xf32, #tpu.memory_space<vmem>>)
    %add3A_101 = arith.constant 384 : i32
    %add3A_102 = arith.addi %mul3A_2, %add3A_101 : i32
    %dma_start3A_103 = arith.constant 0 : i32
    %dma_start3A_104 = tpu.memref_slice %arg6[%add3A_102, %dma_start3A_103] : memref<49152x512xf32, #tpu.memory_space<hbm>> -> memref<96x512xf32, #tpu.memory_space<hbm>>
    %dma_start3A_105 = arith.constant 0 : i32
    %dma_start3A_106 = tpu.memref_slice %arg6[%add3A_102, %dma_start3A_105] : memref<49152x512xf32, #tpu.memory_space<hbm>> -> memref<96x512xf32, #tpu.memory_space<hbm>>
    tpu.enqueue_dma source(%arg10 : memref<96x512xf32, #tpu.memory_space<vmem>>) target(%dma_start3A_106 : memref<96x512xf32, #tpu.memory_space<hbm>>) target_semaphore(%arg16 : memref<!tpu.dma_semaphore, #tpu.memory_space<semaphore_mem>>)
    %dma_wait3A_107 = arith.constant 0 : i32
    %dma_wait3A_108 = tpu.memref_slice %arg6[%add3A_102, %dma_wait3A_107] : memref<49152x512xf32, #tpu.memory_space<hbm>> -> memref<96x512xf32, #tpu.memory_space<hbm>>
    %dma_wait3A_109 = arith.constant 0 : i32
    %dma_wait3A_110 = tpu.memref_slice %arg6[%add3A_102, %dma_wait3A_109] : memref<49152x512xf32, #tpu.memory_space<hbm>> -> memref<96x512xf32, #tpu.memory_space<hbm>>
    tpu.wait_dma2 semaphore(%arg16 : memref<!tpu.dma_semaphore, #tpu.memory_space<semaphore_mem>>) src(%arg10 : memref<96x512xf32, #tpu.memory_space<vmem>>) dst(%dma_wait3A_110 : memref<96x512xf32, #tpu.memory_space<hbm>>)
    %dma_start3A_111 = arith.constant 576 : i32
    %dma_start3A_112 = tpu.memref_slice %arg7[%dma_start3A_111] : memref<1536xi32, #tpu.memory_space<vmem>> -> memref<96xi32, #tpu.memory_space<vmem>>
    %dma_start3A_113 = arith.constant 0 : i32
    %dma_start3A_114 = arith.constant 0 : i32
    %dma_start3A_115 = tpu.memref_slice %arg4[%dma_start3A_113, %dma_start3A_114] : memref<10000x512xf32, #tpu.memory_space<hbm>> -> memref<10000x512xf32, #tpu.memory_space<hbm>>
    tpu.enqueue_indirect_dma source(%dma_start3A_115 : memref<10000x512xf32, #tpu.memory_space<hbm>>) target(%arg10 : memref<96x512xf32, #tpu.memory_space<vmem>>) offsets(%dma_start3A_112 : memref<96xi32, #tpu.memory_space<vmem>>) semaphore(%arg14 : memref<!tpu.dma_semaphore, #tpu.memory_space<semaphore_mem>>)
    %dma_wait3A_116 = arith.constant 480 : i32
    %dma_wait3A_117 = tpu.memref_slice %arg7[%dma_wait3A_116] : memref<1536xi32, #tpu.memory_space<vmem>> -> memref<96xi32, #tpu.memory_space<vmem>>
    %dma_wait3A_118 = arith.constant 0 : i32
    %dma_wait3A_119 = arith.constant 0 : i32
    %dma_wait3A_120 = tpu.memref_slice %arg4[%dma_wait3A_118, %dma_wait3A_119] : memref<10000x512xf32, #tpu.memory_space<hbm>> -> memref<10000x512xf32, #tpu.memory_space<hbm>>
    tpu.wait_indirect_dma semaphore(%arg15 : memref<!tpu.dma_semaphore, #tpu.memory_space<semaphore_mem>>) src(%dma_wait3A_120 : memref<10000x512xf32, #tpu.memory_space<hbm>>) dst(%arg11 : memref<96x512xf32, #tpu.memory_space<vmem>>)
    %add3A_121 = arith.constant 480 : i32
    %add3A_122 = arith.addi %mul3A_2, %add3A_121 : i32
    %dma_start3A_123 = arith.constant 0 : i32
    %dma_start3A_124 = tpu.memref_slice %arg6[%add3A_122, %dma_start3A_123] : memref<49152x512xf32, #tpu.memory_space<hbm>> -> memref<96x512xf32, #tpu.memory_space<hbm>>
    %dma_start3A_125 = arith.constant 0 : i32
    %dma_start3A_126 = tpu.memref_slice %arg6[%add3A_122, %dma_start3A_125] : memref<49152x512xf32, #tpu.memory_space<hbm>> -> memref<96x512xf32, #tpu.memory_space<hbm>>
    tpu.enqueue_dma source(%arg11 : memref<96x512xf32, #tpu.memory_space<vmem>>) target(%dma_start3A_126 : memref<96x512xf32, #tpu.memory_space<hbm>>) target_semaphore(%arg17 : memref<!tpu.dma_semaphore, #tpu.memory_space<semaphore_mem>>)
    %dma_wait3A_127 = arith.constant 0 : i32
    %dma_wait3A_128 = tpu.memref_slice %arg6[%add3A_122, %dma_wait3A_127] : memref<49152x512xf32, #tpu.memory_space<hbm>> -> memref<96x512xf32, #tpu.memory_space<hbm>>
    %dma_wait3A_129 = arith.constant 0 : i32
    %dma_wait3A_130 = tpu.memref_slice %arg6[%add3A_122, %dma_wait3A_129] : memref<49152x512xf32, #tpu.memory_space<hbm>> -> memref<96x512xf32, #tpu.memory_space<hbm>>
    tpu.wait_dma2 semaphore(%arg17 : memref<!tpu.dma_semaphore, #tpu.memory_space<semaphore_mem>>) src(%arg11 : memref<96x512xf32, #tpu.memory_space<vmem>>) dst(%dma_wait3A_130 : memref<96x512xf32, #tpu.memory_space<hbm>>)
    %dma_start3A_131 = arith.constant 672 : i32
    %dma_start3A_132 = tpu.memref_slice %arg7[%dma_start3A_131] : memref<1536xi32, #tpu.memory_space<vmem>> -> memref<96xi32, #tpu.memory_space<vmem>>
    %dma_start3A_133 = arith.constant 0 : i32
    %dma_start3A_134 = arith.constant 0 : i32
    %dma_start3A_135 = tpu.memref_slice %arg4[%dma_start3A_133, %dma_start3A_134] : memref<10000x512xf32, #tpu.memory_space<hbm>> -> memref<10000x512xf32, #tpu.memory_space<hbm>>
    tpu.enqueue_indirect_dma source(%dma_start3A_135 : memref<10000x512xf32, #tpu.memory_space<hbm>>) target(%arg11 : memref<96x512xf32, #tpu.memory_space<vmem>>) offsets(%dma_start3A_132 : memref<96xi32, #tpu.memory_space<vmem>>) semaphore(%arg15 : memref<!tpu.dma_semaphore, #tpu.memory_space<semaphore_mem>>)
    %dma_wait3A_136 = arith.constant 576 : i32
    %dma_wait3A_137 = tpu.memref_slice %arg7[%dma_wait3A_136] : memref<1536xi32, #tpu.memory_space<vmem>> -> memref<96xi32, #tpu.memory_space<vmem>>
    %dma_wait3A_138 = arith.constant 0 : i32
    %dma_wait3A_139 = arith.constant 0 : i32
    %dma_wait3A_140 = tpu.memref_slice %arg4[%dma_wait3A_138, %dma_wait3A_139] : memref<10000x512xf32, #tpu.memory_space<hbm>> -> memref<10000x512xf32, #tpu.memory_space<hbm>>
    tpu.wait_indirect_dma semaphore(%arg14 : memref<!tpu.dma_semaphore, #tpu.memory_space<semaphore_mem>>) src(%dma_wait3A_140 : memref<10000x512xf32, #tpu.memory_space<hbm>>) dst(%arg10 : memref<96x512xf32, #tpu.memory_space<vmem>>)
    %add3A_141 = arith.constant 576 : i32
    %add3A_142 = arith.addi %mul3A_2, %add3A_141 : i32
    %dma_start3A_143 = arith.constant 0 : i32
    %dma_start3A_144 = tpu.memref_slice %arg6[%add3A_142, %dma_start3A_143] : memref<49152x512xf32, #tpu.memory_space<hbm>> -> memref<96x512xf32, #tpu.memory_space<hbm>>
    %dma_start3A_145 = arith.constant 0 : i32
    %dma_start3A_146 = tpu.memref_slice %arg6[%add3A_142, %dma_start3A_145] : memref<49152x512xf32, #tpu.memory_space<hbm>> -> memref<96x512xf32, #tpu.memory_space<hbm>>
    tpu.enqueue_dma source(%arg10 : memref<96x512xf32, #tpu.memory_space<vmem>>) target(%dma_start3A_146 : memref<96x512xf32, #tpu.memory_space<hbm>>) target_semaphore(%arg16 : memref<!tpu.dma_semaphore, #tpu.memory_space<semaphore_mem>>)
    %dma_wait3A_147 = arith.constant 0 : i32
    %dma_wait3A_148 = tpu.memref_slice %arg6[%add3A_142, %dma_wait3A_147] : memref<49152x512xf32, #tpu.memory_space<hbm>> -> memref<96x512xf32, #tpu.memory_space<hbm>>
    %dma_wait3A_149 = arith.constant 0 : i32
    %dma_wait3A_150 = tpu.memref_slice %arg6[%add3A_142, %dma_wait3A_149] : memref<49152x512xf32, #tpu.memory_space<hbm>> -> memref<96x512xf32, #tpu.memory_space<hbm>>
    tpu.wait_dma2 semaphore(%arg16 : memref<!tpu.dma_semaphore, #tpu.memory_space<semaphore_mem>>) src(%arg10 : memref<96x512xf32, #tpu.memory_space<vmem>>) dst(%dma_wait3A_150 : memref<96x512xf32, #tpu.memory_space<hbm>>)
    %dma_start3A_151 = arith.constant 768 : i32
    %dma_start3A_152 = tpu.memref_slice %arg7[%dma_start3A_151] : memref<1536xi32, #tpu.memory_space<vmem>> -> memref<96xi32, #tpu.memory_space<vmem>>
    %dma_start3A_153 = arith.constant 0 : i32
    %dma_start3A_154 = arith.constant 0 : i32
    %dma_start3A_155 = tpu.memref_slice %arg4[%dma_start3A_153, %dma_start3A_154] : memref<10000x512xf32, #tpu.memory_space<hbm>> -> memref<10000x512xf32, #tpu.memory_space<hbm>>
    tpu.enqueue_indirect_dma source(%dma_start3A_155 : memref<10000x512xf32, #tpu.memory_space<hbm>>) target(%arg10 : memref<96x512xf32, #tpu.memory_space<vmem>>) offsets(%dma_start3A_152 : memref<96xi32, #tpu.memory_space<vmem>>) semaphore(%arg14 : memref<!tpu.dma_semaphore, #tpu.memory_space<semaphore_mem>>)
    %dma_wait3A_156 = arith.constant 672 : i32
    %dma_wait3A_157 = tpu.memref_slice %arg7[%dma_wait3A_156] : memref<1536xi32, #tpu.memory_space<vmem>> -> memref<96xi32, #tpu.memory_space<vmem>>
    %dma_wait3A_158 = arith.constant 0 : i32
    %dma_wait3A_159 = arith.constant 0 : i32
    %dma_wait3A_160 = tpu.memref_slice %arg4[%dma_wait3A_158, %dma_wait3A_159] : memref<10000x512xf32, #tpu.memory_space<hbm>> -> memref<10000x512xf32, #tpu.memory_space<hbm>>
    tpu.wait_indirect_dma semaphore(%arg15 : memref<!tpu.dma_semaphore, #tpu.memory_space<semaphore_mem>>) src(%dma_wait3A_160 : memref<10000x512xf32, #tpu.memory_space<hbm>>) dst(%arg11 : memref<96x512xf32, #tpu.memory_space<vmem>>)
    %add3A_161 = arith.constant 672 : i32
    %add3A_162 = arith.addi %mul3A_2, %add3A_161 : i32
    %dma_start3A_163 = arith.constant 0 : i32
    %dma_start3A_164 = tpu.memref_slice %arg6[%add3A_162, %dma_start3A_163] : memref<49152x512xf32, #tpu.memory_space<hbm>> -> memref<96x512xf32, #tpu.memory_space<hbm>>
    %dma_start3A_165 = arith.constant 0 : i32
    %dma_start3A_166 = tpu.memref_slice %arg6[%add3A_162, %dma_start3A_165] : memref<49152x512xf32, #tpu.memory_space<hbm>> -> memref<96x512xf32, #tpu.memory_space<hbm>>
    tpu.enqueue_dma source(%arg11 : memref<96x512xf32, #tpu.memory_space<vmem>>) target(%dma_start3A_166 : memref<96x512xf32, #tpu.memory_space<hbm>>) target_semaphore(%arg17 : memref<!tpu.dma_semaphore, #tpu.memory_space<semaphore_mem>>)
    %dma_wait3A_167 = arith.constant 0 : i32
    %dma_wait3A_168 = tpu.memref_slice %arg6[%add3A_162, %dma_wait3A_167] : memref<49152x512xf32, #tpu.memory_space<hbm>> -> memref<96x512xf32, #tpu.memory_space<hbm>>
    %dma_wait3A_169 = arith.constant 0 : i32
    %dma_wait3A_170 = tpu.memref_slice %arg6[%add3A_162, %dma_wait3A_169] : memref<49152x512xf32, #tpu.memory_space<hbm>> -> memref<96x512xf32, #tpu.memory_space<hbm>>
    tpu.wait_dma2 semaphore(%arg17 : memref<!tpu.dma_semaphore, #tpu.memory_space<semaphore_mem>>) src(%arg11 : memref<96x512xf32, #tpu.memory_space<vmem>>) dst(%dma_wait3A_170 : memref<96x512xf32, #tpu.memory_space<hbm>>)
    %dma_start3A_171 = arith.constant 864 : i32
    %dma_start3A_172 = tpu.memref_slice %arg7[%dma_start3A_171] : memref<1536xi32, #tpu.memory_space<vmem>> -> memref<96xi32, #tpu.memory_space<vmem>>
    %dma_start3A_173 = arith.constant 0 : i32
    %dma_start3A_174 = arith.constant 0 : i32
    %dma_start3A_175 = tpu.memref_slice %arg4[%dma_start3A_173, %dma_start3A_174] : memref<10000x512xf32, #tpu.memory_space<hbm>> -> memref<10000x512xf32, #tpu.memory_space<hbm>>
    tpu.enqueue_indirect_dma source(%dma_start3A_175 : memref<10000x512xf32, #tpu.memory_space<hbm>>) target(%arg11 : memref<96x512xf32, #tpu.memory_space<vmem>>) offsets(%dma_start3A_172 : memref<96xi32, #tpu.memory_space<vmem>>) semaphore(%arg15 : memref<!tpu.dma_semaphore, #tpu.memory_space<semaphore_mem>>)
    %dma_wait3A_176 = arith.constant 768 : i32
    %dma_wait3A_177 = tpu.memref_slice %arg7[%dma_wait3A_176] : memref<1536xi32, #tpu.memory_space<vmem>> -> memref<96xi32, #tpu.memory_space<vmem>>
    %dma_wait3A_178 = arith.constant 0 : i32
    %dma_wait3A_179 = arith.constant 0 : i32
    %dma_wait3A_180 = tpu.memref_slice %arg4[%dma_wait3A_178, %dma_wait3A_179] : memref<10000x512xf32, #tpu.memory_space<hbm>> -> memref<10000x512xf32, #tpu.memory_space<hbm>>
    tpu.wait_indirect_dma semaphore(%arg14 : memref<!tpu.dma_semaphore, #tpu.memory_space<semaphore_mem>>) src(%dma_wait3A_180 : memref<10000x512xf32, #tpu.memory_space<hbm>>) dst(%arg10 : memref<96x512xf32, #tpu.memory_space<vmem>>)
    %add3A_181 = arith.constant 768 : i32
    %add3A_182 = arith.addi %mul3A_2, %add3A_181 : i32
    %dma_start3A_183 = arith.constant 0 : i32
    %dma_start3A_184 = tpu.memref_slice %arg6[%add3A_182, %dma_start3A_183] : memref<49152x512xf32, #tpu.memory_space<hbm>> -> memref<96x512xf32, #tpu.memory_space<hbm>>
    %dma_start3A_185 = arith.constant 0 : i32
    %dma_start3A_186 = tpu.memref_slice %arg6[%add3A_182, %dma_start3A_185] : memref<49152x512xf32, #tpu.memory_space<hbm>> -> memref<96x512xf32, #tpu.memory_space<hbm>>
    tpu.enqueue_dma source(%arg10 : memref<96x512xf32, #tpu.memory_space<vmem>>) target(%dma_start3A_186 : memref<96x512xf32, #tpu.memory_space<hbm>>) target_semaphore(%arg16 : memref<!tpu.dma_semaphore, #tpu.memory_space<semaphore_mem>>)
    %dma_wait3A_187 = arith.constant 0 : i32
    %dma_wait3A_188 = tpu.memref_slice %arg6[%add3A_182, %dma_wait3A_187] : memref<49152x512xf32, #tpu.memory_space<hbm>> -> memref<96x512xf32, #tpu.memory_space<hbm>>
    %dma_wait3A_189 = arith.constant 0 : i32
    %dma_wait3A_190 = tpu.memref_slice %arg6[%add3A_182, %dma_wait3A_189] : memref<49152x512xf32, #tpu.memory_space<hbm>> -> memref<96x512xf32, #tpu.memory_space<hbm>>
    tpu.wait_dma2 semaphore(%arg16 : memref<!tpu.dma_semaphore, #tpu.memory_space<semaphore_mem>>) src(%arg10 : memref<96x512xf32, #tpu.memory_space<vmem>>) dst(%dma_wait3A_190 : memref<96x512xf32, #tpu.memory_space<hbm>>)
    %dma_start3A_191 = arith.constant 960 : i32
    %dma_start3A_192 = tpu.memref_slice %arg7[%dma_start3A_191] : memref<1536xi32, #tpu.memory_space<vmem>> -> memref<96xi32, #tpu.memory_space<vmem>>
    %dma_start3A_193 = arith.constant 0 : i32
    %dma_start3A_194 = arith.constant 0 : i32
    %dma_start3A_195 = tpu.memref_slice %arg4[%dma_start3A_193, %dma_start3A_194] : memref<10000x512xf32, #tpu.memory_space<hbm>> -> memref<10000x512xf32, #tpu.memory_space<hbm>>
    tpu.enqueue_indirect_dma source(%dma_start3A_195 : memref<10000x512xf32, #tpu.memory_space<hbm>>) target(%arg10 : memref<96x512xf32, #tpu.memory_space<vmem>>) offsets(%dma_start3A_192 : memref<96xi32, #tpu.memory_space<vmem>>) semaphore(%arg14 : memref<!tpu.dma_semaphore, #tpu.memory_space<semaphore_mem>>)
    %dma_wait3A_196 = arith.constant 864 : i32
    %dma_wait3A_197 = tpu.memref_slice %arg7[%dma_wait3A_196] : memref<1536xi32, #tpu.memory_space<vmem>> -> memref<96xi32, #tpu.memory_space<vmem>>
    %dma_wait3A_198 = arith.constant 0 : i32
    %dma_wait3A_199 = arith.constant 0 : i32
    %dma_wait3A_200 = tpu.memref_slice %arg4[%dma_wait3A_198, %dma_wait3A_199] : memref<10000x512xf32, #tpu.memory_space<hbm>> -> memref<10000x512xf32, #tpu.memory_space<hbm>>
    tpu.wait_indirect_dma semaphore(%arg15 : memref<!tpu.dma_semaphore, #tpu.memory_space<semaphore_mem>>) src(%dma_wait3A_200 : memref<10000x512xf32, #tpu.memory_space<hbm>>) dst(%arg11 : memref<96x512xf32, #tpu.memory_space<vmem>>)
    %add3A_201 = arith.constant 864 : i32
    %add3A_202 = arith.addi %mul3A_2, %add3A_201 : i32
    %dma_start3A_203 = arith.constant 0 : i32
    %dma_start3A_204 = tpu.memref_slice %arg6[%add3A_202, %dma_start3A_203] : memref<49152x512xf32, #tpu.memory_space<hbm>> -> memref<96x512xf32, #tpu.memory_space<hbm>>
    %dma_start3A_205 = arith.constant 0 : i32
    %dma_start3A_206 = tpu.memref_slice %arg6[%add3A_202, %dma_start3A_205] : memref<49152x512xf32, #tpu.memory_space<hbm>> -> memref<96x512xf32, #tpu.memory_space<hbm>>
    tpu.enqueue_dma source(%arg11 : memref<96x512xf32, #tpu.memory_space<vmem>>) target(%dma_start3A_206 : memref<96x512xf32, #tpu.memory_space<hbm>>) target_semaphore(%arg17 : memref<!tpu.dma_semaphore, #tpu.memory_space<semaphore_mem>>)
    %dma_wait3A_207 = arith.constant 0 : i32
    %dma_wait3A_208 = tpu.memref_slice %arg6[%add3A_202, %dma_wait3A_207] : memref<49152x512xf32, #tpu.memory_space<hbm>> -> memref<96x512xf32, #tpu.memory_space<hbm>>
    %dma_wait3A_209 = arith.constant 0 : i32
    %dma_wait3A_210 = tpu.memref_slice %arg6[%add3A_202, %dma_wait3A_209] : memref<49152x512xf32, #tpu.memory_space<hbm>> -> memref<96x512xf32, #tpu.memory_space<hbm>>
    tpu.wait_dma2 semaphore(%arg17 : memref<!tpu.dma_semaphore, #tpu.memory_space<semaphore_mem>>) src(%arg11 : memref<96x512xf32, #tpu.memory_space<vmem>>) dst(%dma_wait3A_210 : memref<96x512xf32, #tpu.memory_space<hbm>>)
    %dma_start3A_211 = arith.constant 1056 : i32
    %dma_start3A_212 = tpu.memref_slice %arg7[%dma_start3A_211] : memref<1536xi32, #tpu.memory_space<vmem>> -> memref<96xi32, #tpu.memory_space<vmem>>
    %dma_start3A_213 = arith.constant 0 : i32
    %dma_start3A_214 = arith.constant 0 : i32
    %dma_start3A_215 = tpu.memref_slice %arg4[%dma_start3A_213, %dma_start3A_214] : memref<10000x512xf32, #tpu.memory_space<hbm>> -> memref<10000x512xf32, #tpu.memory_space<hbm>>
    tpu.enqueue_indirect_dma source(%dma_start3A_215 : memref<10000x512xf32, #tpu.memory_space<hbm>>) target(%arg11 : memref<96x512xf32, #tpu.memory_space<vmem>>) offsets(%dma_start3A_212 : memref<96xi32, #tpu.memory_space<vmem>>) semaphore(%arg15 : memref<!tpu.dma_semaphore, #tpu.memory_space<semaphore_mem>>)
    %dma_wait3A_216 = arith.constant 960 : i32
    %dma_wait3A_217 = tpu.memref_slice %arg7[%dma_wait3A_216] : memref<1536xi32, #tpu.memory_space<vmem>> -> memref<96xi32, #tpu.memory_space<vmem>>
    %dma_wait3A_218 = arith.constant 0 : i32
    %dma_wait3A_219 = arith.constant 0 : i32
    %dma_wait3A_220 = tpu.memref_slice %arg4[%dma_wait3A_218, %dma_wait3A_219] : memref<10000x512xf32, #tpu.memory_space<hbm>> -> memref<10000x512xf32, #tpu.memory_space<hbm>>
    tpu.wait_indirect_dma semaphore(%arg14 : memref<!tpu.dma_semaphore, #tpu.memory_space<semaphore_mem>>) src(%dma_wait3A_220 : memref<10000x512xf32, #tpu.memory_space<hbm>>) dst(%arg10 : memref<96x512xf32, #tpu.memory_space<vmem>>)
    %add3A_221 = arith.constant 960 : i32
    %add3A_222 = arith.addi %mul3A_2, %add3A_221 : i32
    %dma_start3A_223 = arith.constant 0 : i32
    %dma_start3A_224 = tpu.memref_slice %arg6[%add3A_222, %dma_start3A_223] : memref<49152x512xf32, #tpu.memory_space<hbm>> -> memref<96x512xf32, #tpu.memory_space<hbm>>
    %dma_start3A_225 = arith.constant 0 : i32
    %dma_start3A_226 = tpu.memref_slice %arg6[%add3A_222, %dma_start3A_225] : memref<49152x512xf32, #tpu.memory_space<hbm>> -> memref<96x512xf32, #tpu.memory_space<hbm>>
    tpu.enqueue_dma source(%arg10 : memref<96x512xf32, #tpu.memory_space<vmem>>) target(%dma_start3A_226 : memref<96x512xf32, #tpu.memory_space<hbm>>) target_semaphore(%arg16 : memref<!tpu.dma_semaphore, #tpu.memory_space<semaphore_mem>>)
    %dma_wait3A_227 = arith.constant 0 : i32
    %dma_wait3A_228 = tpu.memref_slice %arg6[%add3A_222, %dma_wait3A_227] : memref<49152x512xf32, #tpu.memory_space<hbm>> -> memref<96x512xf32, #tpu.memory_space<hbm>>
    %dma_wait3A_229 = arith.constant 0 : i32
    %dma_wait3A_230 = tpu.memref_slice %arg6[%add3A_222, %dma_wait3A_229] : memref<49152x512xf32, #tpu.memory_space<hbm>> -> memref<96x512xf32, #tpu.memory_space<hbm>>
    tpu.wait_dma2 semaphore(%arg16 : memref<!tpu.dma_semaphore, #tpu.memory_space<semaphore_mem>>) src(%arg10 : memref<96x512xf32, #tpu.memory_space<vmem>>) dst(%dma_wait3A_230 : memref<96x512xf32, #tpu.memory_space<hbm>>)
    %dma_start3A_231 = arith.constant 1152 : i32
    %dma_start3A_232 = tpu.memref_slice %arg7[%dma_start3A_231] : memref<1536xi32, #tpu.memory_space<vmem>> -> memref<96xi32, #tpu.memory_space<vmem>>
    %dma_start3A_233 = arith.constant 0 : i32
    %dma_start3A_234 = arith.constant 0 : i32
    %dma_start3A_235 = tpu.memref_slice %arg4[%dma_start3A_233, %dma_start3A_234] : memref<10000x512xf32, #tpu.memory_space<hbm>> -> memref<10000x512xf32, #tpu.memory_space<hbm>>
    tpu.enqueue_indirect_dma source(%dma_start3A_235 : memref<10000x512xf32, #tpu.memory_space<hbm>>) target(%arg10 : memref<96x512xf32, #tpu.memory_space<vmem>>) offsets(%dma_start3A_232 : memref<96xi32, #tpu.memory_space<vmem>>) semaphore(%arg14 : memref<!tpu.dma_semaphore, #tpu.memory_space<semaphore_mem>>)
    %dma_wait3A_236 = arith.constant 1056 : i32
    %dma_wait3A_237 = tpu.memref_slice %arg7[%dma_wait3A_236] : memref<1536xi32, #tpu.memory_space<vmem>> -> memref<96xi32, #tpu.memory_space<vmem>>
    %dma_wait3A_238 = arith.constant 0 : i32
    %dma_wait3A_239 = arith.constant 0 : i32
    %dma_wait3A_240 = tpu.memref_slice %arg4[%dma_wait3A_238, %dma_wait3A_239] : memref<10000x512xf32, #tpu.memory_space<hbm>> -> memref<10000x512xf32, #tpu.memory_space<hbm>>
    tpu.wait_indirect_dma semaphore(%arg15 : memref<!tpu.dma_semaphore, #tpu.memory_space<semaphore_mem>>) src(%dma_wait3A_240 : memref<10000x512xf32, #tpu.memory_space<hbm>>) dst(%arg11 : memref<96x512xf32, #tpu.memory_space<vmem>>)
    %add3A_241 = arith.constant 1056 : i32
    %add3A_242 = arith.addi %mul3A_2, %add3A_241 : i32
    %dma_start3A_243 = arith.constant 0 : i32
    %dma_start3A_244 = tpu.memref_slice %arg6[%add3A_242, %dma_start3A_243] : memref<49152x512xf32, #tpu.memory_space<hbm>> -> memref<96x512xf32, #tpu.memory_space<hbm>>
    %dma_start3A_245 = arith.constant 0 : i32
    %dma_start3A_246 = tpu.memref_slice %arg6[%add3A_242, %dma_start3A_245] : memref<49152x512xf32, #tpu.memory_space<hbm>> -> memref<96x512xf32, #tpu.memory_space<hbm>>
    tpu.enqueue_dma source(%arg11 : memref<96x512xf32, #tpu.memory_space<vmem>>) target(%dma_start3A_246 : memref<96x512xf32, #tpu.memory_space<hbm>>) target_semaphore(%arg17 : memref<!tpu.dma_semaphore, #tpu.memory_space<semaphore_mem>>)
    %dma_wait3A_247 = arith.constant 0 : i32
    %dma_wait3A_248 = tpu.memref_slice %arg6[%add3A_242, %dma_wait3A_247] : memref<49152x512xf32, #tpu.memory_space<hbm>> -> memref<96x512xf32, #tpu.memory_space<hbm>>
    %dma_wait3A_249 = arith.constant 0 : i32
    %dma_wait3A_250 = tpu.memref_slice %arg6[%add3A_242, %dma_wait3A_249] : memref<49152x512xf32, #tpu.memory_space<hbm>> -> memref<96x512xf32, #tpu.memory_space<hbm>>
    tpu.wait_dma2 semaphore(%arg17 : memref<!tpu.dma_semaphore, #tpu.memory_space<semaphore_mem>>) src(%arg11 : memref<96x512xf32, #tpu.memory_space<vmem>>) dst(%dma_wait3A_250 : memref<96x512xf32, #tpu.memory_space<hbm>>)
    %dma_start3A_251 = arith.constant 1248 : i32
    %dma_start3A_252 = tpu.memref_slice %arg7[%dma_start3A_251] : memref<1536xi32, #tpu.memory_space<vmem>> -> memref<96xi32, #tpu.memory_space<vmem>>
    %dma_start3A_253 = arith.constant 0 : i32
    %dma_start3A_254 = arith.constant 0 : i32
    %dma_start3A_255 = tpu.memref_slice %arg4[%dma_start3A_253, %dma_start3A_254] : memref<10000x512xf32, #tpu.memory_space<hbm>> -> memref<10000x512xf32, #tpu.memory_space<hbm>>
    tpu.enqueue_indirect_dma source(%dma_start3A_255 : memref<10000x512xf32, #tpu.memory_space<hbm>>) target(%arg11 : memref<96x512xf32, #tpu.memory_space<vmem>>) offsets(%dma_start3A_252 : memref<96xi32, #tpu.memory_space<vmem>>) semaphore(%arg15 : memref<!tpu.dma_semaphore, #tpu.memory_space<semaphore_mem>>)
    %dma_wait3A_256 = arith.constant 1152 : i32
    %dma_wait3A_257 = tpu.memref_slice %arg7[%dma_wait3A_256] : memref<1536xi32, #tpu.memory_space<vmem>> -> memref<96xi32, #tpu.memory_space<vmem>>
    %dma_wait3A_258 = arith.constant 0 : i32
    %dma_wait3A_259 = arith.constant 0 : i32
    %dma_wait3A_260 = tpu.memref_slice %arg4[%dma_wait3A_258, %dma_wait3A_259] : memref<10000x512xf32, #tpu.memory_space<hbm>> -> memref<10000x512xf32, #tpu.memory_space<hbm>>
    tpu.wait_indirect_dma semaphore(%arg14 : memref<!tpu.dma_semaphore, #tpu.memory_space<semaphore_mem>>) src(%dma_wait3A_260 : memref<10000x512xf32, #tpu.memory_space<hbm>>) dst(%arg10 : memref<96x512xf32, #tpu.memory_space<vmem>>)
    %add3A_261 = arith.constant 1152 : i32
    %add3A_262 = arith.addi %mul3A_2, %add3A_261 : i32
    %dma_start3A_263 = arith.constant 0 : i32
    %dma_start3A_264 = tpu.memref_slice %arg6[%add3A_262, %dma_start3A_263] : memref<49152x512xf32, #tpu.memory_space<hbm>> -> memref<96x512xf32, #tpu.memory_space<hbm>>
    %dma_start3A_265 = arith.constant 0 : i32
    %dma_start3A_266 = tpu.memref_slice %arg6[%add3A_262, %dma_start3A_265] : memref<49152x512xf32, #tpu.memory_space<hbm>> -> memref<96x512xf32, #tpu.memory_space<hbm>>
    tpu.enqueue_dma source(%arg10 : memref<96x512xf32, #tpu.memory_space<vmem>>) target(%dma_start3A_266 : memref<96x512xf32, #tpu.memory_space<hbm>>) target_semaphore(%arg16 : memref<!tpu.dma_semaphore, #tpu.memory_space<semaphore_mem>>)
    %dma_wait3A_267 = arith.constant 0 : i32
    %dma_wait3A_268 = tpu.memref_slice %arg6[%add3A_262, %dma_wait3A_267] : memref<49152x512xf32, #tpu.memory_space<hbm>> -> memref<96x512xf32, #tpu.memory_space<hbm>>
    %dma_wait3A_269 = arith.constant 0 : i32
    %dma_wait3A_270 = tpu.memref_slice %arg6[%add3A_262, %dma_wait3A_269] : memref<49152x512xf32, #tpu.memory_space<hbm>> -> memref<96x512xf32, #tpu.memory_space<hbm>>
    tpu.wait_dma2 semaphore(%arg16 : memref<!tpu.dma_semaphore, #tpu.memory_space<semaphore_mem>>) src(%arg10 : memref<96x512xf32, #tpu.memory_space<vmem>>) dst(%dma_wait3A_270 : memref<96x512xf32, #tpu.memory_space<hbm>>)
    %dma_start3A_271 = arith.constant 1344 : i32
    %dma_start3A_272 = tpu.memref_slice %arg7[%dma_start3A_271] : memref<1536xi32, #tpu.memory_space<vmem>> -> memref<96xi32, #tpu.memory_space<vmem>>
    %dma_start3A_273 = arith.constant 0 : i32
    %dma_start3A_274 = arith.constant 0 : i32
    %dma_start3A_275 = tpu.memref_slice %arg4[%dma_start3A_273, %dma_start3A_274] : memref<10000x512xf32, #tpu.memory_space<hbm>> -> memref<10000x512xf32, #tpu.memory_space<hbm>>
    tpu.enqueue_indirect_dma source(%dma_start3A_275 : memref<10000x512xf32, #tpu.memory_space<hbm>>) target(%arg10 : memref<96x512xf32, #tpu.memory_space<vmem>>) offsets(%dma_start3A_272 : memref<96xi32, #tpu.memory_space<vmem>>) semaphore(%arg14 : memref<!tpu.dma_semaphore, #tpu.memory_space<semaphore_mem>>)
    %dma_wait3A_276 = arith.constant 1248 : i32
    %dma_wait3A_277 = tpu.memref_slice %arg7[%dma_wait3A_276] : memref<1536xi32, #tpu.memory_space<vmem>> -> memref<96xi32, #tpu.memory_space<vmem>>
    %dma_wait3A_278 = arith.constant 0 : i32
    %dma_wait3A_279 = arith.constant 0 : i32
    %dma_wait3A_280 = tpu.memref_slice %arg4[%dma_wait3A_278, %dma_wait3A_279] : memref<10000x512xf32, #tpu.memory_space<hbm>> -> memref<10000x512xf32, #tpu.memory_space<hbm>>
    tpu.wait_indirect_dma semaphore(%arg15 : memref<!tpu.dma_semaphore, #tpu.memory_space<semaphore_mem>>) src(%dma_wait3A_280 : memref<10000x512xf32, #tpu.memory_space<hbm>>) dst(%arg11 : memref<96x512xf32, #tpu.memory_space<vmem>>)
    %add3A_281 = arith.constant 1248 : i32
    %add3A_282 = arith.addi %mul3A_2, %add3A_281 : i32
    %dma_start3A_283 = arith.constant 0 : i32
    %dma_start3A_284 = tpu.memref_slice %arg6[%add3A_282, %dma_start3A_283] : memref<49152x512xf32, #tpu.memory_space<hbm>> -> memref<96x512xf32, #tpu.memory_space<hbm>>
    %dma_start3A_285 = arith.constant 0 : i32
    %dma_start3A_286 = tpu.memref_slice %arg6[%add3A_282, %dma_start3A_285] : memref<49152x512xf32, #tpu.memory_space<hbm>> -> memref<96x512xf32, #tpu.memory_space<hbm>>
    tpu.enqueue_dma source(%arg11 : memref<96x512xf32, #tpu.memory_space<vmem>>) target(%dma_start3A_286 : memref<96x512xf32, #tpu.memory_space<hbm>>) target_semaphore(%arg17 : memref<!tpu.dma_semaphore, #tpu.memory_space<semaphore_mem>>)
    %dma_wait3A_287 = arith.constant 0 : i32
    %dma_wait3A_288 = tpu.memref_slice %arg6[%add3A_282, %dma_wait3A_287] : memref<49152x512xf32, #tpu.memory_space<hbm>> -> memref<96x512xf32, #tpu.memory_space<hbm>>
    %dma_wait3A_289 = arith.constant 0 : i32
    %dma_wait3A_290 = tpu.memref_slice %arg6[%add3A_282, %dma_wait3A_289] : memref<49152x512xf32, #tpu.memory_space<hbm>> -> memref<96x512xf32, #tpu.memory_space<hbm>>
    tpu.wait_dma2 semaphore(%arg17 : memref<!tpu.dma_semaphore, #tpu.memory_space<semaphore_mem>>) src(%arg11 : memref<96x512xf32, #tpu.memory_space<vmem>>) dst(%dma_wait3A_290 : memref<96x512xf32, #tpu.memory_space<hbm>>)
    %dma_start3A_291 = arith.constant 1440 : i32
    %dma_start3A_292 = tpu.memref_slice %arg7[%dma_start3A_291] : memref<1536xi32, #tpu.memory_space<vmem>> -> memref<96xi32, #tpu.memory_space<vmem>>
    %dma_start3A_293 = arith.constant 0 : i32
    %dma_start3A_294 = arith.constant 0 : i32
    %dma_start3A_295 = tpu.memref_slice %arg4[%dma_start3A_293, %dma_start3A_294] : memref<10000x512xf32, #tpu.memory_space<hbm>> -> memref<10000x512xf32, #tpu.memory_space<hbm>>
    tpu.enqueue_indirect_dma source(%dma_start3A_295 : memref<10000x512xf32, #tpu.memory_space<hbm>>) target(%arg11 : memref<96x512xf32, #tpu.memory_space<vmem>>) offsets(%dma_start3A_292 : memref<96xi32, #tpu.memory_space<vmem>>) semaphore(%arg15 : memref<!tpu.dma_semaphore, #tpu.memory_space<semaphore_mem>>)
    %dma_wait3A_296 = arith.constant 1344 : i32
    %dma_wait3A_297 = tpu.memref_slice %arg7[%dma_wait3A_296] : memref<1536xi32, #tpu.memory_space<vmem>> -> memref<96xi32, #tpu.memory_space<vmem>>
    %dma_wait3A_298 = arith.constant 0 : i32
    %dma_wait3A_299 = arith.constant 0 : i32
    %dma_wait3A_300 = tpu.memref_slice %arg4[%dma_wait3A_298, %dma_wait3A_299] : memref<10000x512xf32, #tpu.memory_space<hbm>> -> memref<10000x512xf32, #tpu.memory_space<hbm>>
    tpu.wait_indirect_dma semaphore(%arg14 : memref<!tpu.dma_semaphore, #tpu.memory_space<semaphore_mem>>) src(%dma_wait3A_300 : memref<10000x512xf32, #tpu.memory_space<hbm>>) dst(%arg10 : memref<96x512xf32, #tpu.memory_space<vmem>>)
    %add3A_301 = arith.constant 1344 : i32
    %add3A_302 = arith.addi %mul3A_2, %add3A_301 : i32
    %dma_start3A_303 = arith.constant 0 : i32
    %dma_start3A_304 = tpu.memref_slice %arg6[%add3A_302, %dma_start3A_303] : memref<49152x512xf32, #tpu.memory_space<hbm>> -> memref<96x512xf32, #tpu.memory_space<hbm>>
    %dma_start3A_305 = arith.constant 0 : i32
    %dma_start3A_306 = tpu.memref_slice %arg6[%add3A_302, %dma_start3A_305] : memref<49152x512xf32, #tpu.memory_space<hbm>> -> memref<96x512xf32, #tpu.memory_space<hbm>>
    tpu.enqueue_dma source(%arg10 : memref<96x512xf32, #tpu.memory_space<vmem>>) target(%dma_start3A_306 : memref<96x512xf32, #tpu.memory_space<hbm>>) target_semaphore(%arg16 : memref<!tpu.dma_semaphore, #tpu.memory_space<semaphore_mem>>)
    %dma_wait3A_307 = arith.constant 1440 : i32
    %dma_wait3A_308 = tpu.memref_slice %arg7[%dma_wait3A_307] : memref<1536xi32, #tpu.memory_space<vmem>> -> memref<96xi32, #tpu.memory_space<vmem>>
    %dma_wait3A_309 = arith.constant 0 : i32
    %dma_wait3A_310 = arith.constant 0 : i32
    %dma_wait3A_311 = tpu.memref_slice %arg4[%dma_wait3A_309, %dma_wait3A_310] : memref<10000x512xf32, #tpu.memory_space<hbm>> -> memref<10000x512xf32, #tpu.memory_space<hbm>>
    tpu.wait_indirect_dma semaphore(%arg15 : memref<!tpu.dma_semaphore, #tpu.memory_space<semaphore_mem>>) src(%dma_wait3A_311 : memref<10000x512xf32, #tpu.memory_space<hbm>>) dst(%arg11 : memref<96x512xf32, #tpu.memory_space<vmem>>)
    %add3A_312 = arith.constant 1440 : i32
    %add3A_313 = arith.addi %mul3A_2, %add3A_312 : i32
    %dma_start3A_314 = arith.constant 0 : i32
    %dma_start3A_315 = tpu.memref_slice %arg6[%add3A_313, %dma_start3A_314] : memref<49152x512xf32, #tpu.memory_space<hbm>> -> memref<96x512xf32, #tpu.memory_space<hbm>>
    %dma_start3A_316 = arith.constant 0 : i32
    %dma_start3A_317 = tpu.memref_slice %arg6[%add3A_313, %dma_start3A_316] : memref<49152x512xf32, #tpu.memory_space<hbm>> -> memref<96x512xf32, #tpu.memory_space<hbm>>
    tpu.enqueue_dma source(%arg11 : memref<96x512xf32, #tpu.memory_space<vmem>>) target(%dma_start3A_317 : memref<96x512xf32, #tpu.memory_space<hbm>>) target_semaphore(%arg17 : memref<!tpu.dma_semaphore, #tpu.memory_space<semaphore_mem>>)
    %dma_wait3A_318 = arith.constant 0 : i32
    %dma_wait3A_319 = tpu.memref_slice %arg6[%add3A_302, %dma_wait3A_318] : memref<49152x512xf32, #tpu.memory_space<hbm>> -> memref<96x512xf32, #tpu.memory_space<hbm>>
    %dma_wait3A_320 = arith.constant 0 : i32
    %dma_wait3A_321 = tpu.memref_slice %arg6[%add3A_302, %dma_wait3A_320] : memref<49152x512xf32, #tpu.memory_space<hbm>> -> memref<96x512xf32, #tpu.memory_space<hbm>>
    tpu.wait_dma2 semaphore(%arg16 : memref<!tpu.dma_semaphore, #tpu.memory_space<semaphore_mem>>) src(%arg10 : memref<96x512xf32, #tpu.memory_space<vmem>>) dst(%dma_wait3A_321 : memref<96x512xf32, #tpu.memory_space<hbm>>)
    %dma_wait3A_322 = arith.constant 0 : i32
    %dma_wait3A_323 = tpu.memref_slice %arg6[%add3A_313, %dma_wait3A_322] : memref<49152x512xf32, #tpu.memory_space<hbm>> -> memref<96x512xf32, #tpu.memory_space<hbm>>
    %dma_wait3A_324 = arith.constant 0 : i32
    %dma_wait3A_325 = tpu.memref_slice %arg6[%add3A_313, %dma_wait3A_324] : memref<49152x512xf32, #tpu.memory_space<hbm>> -> memref<96x512xf32, #tpu.memory_space<hbm>>
    tpu.wait_dma2 semaphore(%arg17 : memref<!tpu.dma_semaphore, #tpu.memory_space<semaphore_mem>>) src(%arg11 : memref<96x512xf32, #tpu.memory_space<vmem>>) dst(%dma_wait3A_325 : memref<96x512xf32, #tpu.memory_space<hbm>>)
    %dma_wait3A_326 = arith.constant 0 : i32
    %dma_wait3A_327 = arith.constant 0 : i32
    %dma_wait3A_328 = tpu.memref_slice %arg4[%dma_wait3A_326, %dma_wait3A_327] : memref<10000x512xf32, #tpu.memory_space<hbm>> -> memref<10000x512xf32, #tpu.memory_space<hbm>>
    tpu.wait_indirect_dma semaphore(%arg13 : memref<!tpu.dma_semaphore, #tpu.memory_space<semaphore_mem>>) src(%dma_wait3A_328 : memref<10000x512xf32, #tpu.memory_space<hbm>>) dst(%arg9 : memref<32x512xf32, #tpu.memory_space<vmem>>)
    "tpu.region"() ({
      %run_scoped3A = tpu.sem_alloc : memref<!tpu.dma_semaphore, #tpu.memory_space<semaphore_mem>>
      %dma_start3A_329 = arith.constant 0 : i32
      %dma_start3A_330 = tpu.memref_slice %arg5[%mul3A_4, %dma_start3A_329] : memref<1024x512xf32, #tpu.memory_space<hbm>> -> memref<32x512xf32, #tpu.memory_space<hbm>>
      %dma_start3A_331 = arith.constant 0 : i32
      %dma_start3A_332 = tpu.memref_slice %arg5[%mul3A_4, %dma_start3A_331] : memref<1024x512xf32, #tpu.memory_space<hbm>> -> memref<32x512xf32, #tpu.memory_space<hbm>>
      tpu.enqueue_dma source(%arg9 : memref<32x512xf32, #tpu.memory_space<vmem>>) target(%dma_start3A_332 : memref<32x512xf32, #tpu.memory_space<hbm>>) target_semaphore(%run_scoped3A : memref<!tpu.dma_semaphore, #tpu.memory_space<semaphore_mem>>)
      %dma_wait3A_333 = arith.constant 0 : i32
      %dma_wait3A_334 = tpu.memref_slice %arg5[%mul3A_4, %dma_wait3A_333] : memref<1024x512xf32, #tpu.memory_space<hbm>> -> memref<32x512xf32, #tpu.memory_space<hbm>>
      %dma_wait3A_335 = arith.constant 0 : i32
      %dma_wait3A_336 = tpu.memref_slice %arg5[%mul3A_4, %dma_wait3A_335] : memref<1024x512xf32, #tpu.memory_space<hbm>> -> memref<32x512xf32, #tpu.memory_space<hbm>>
      tpu.wait_dma2 semaphore(%run_scoped3A : memref<!tpu.dma_semaphore, #tpu.memory_space<semaphore_mem>>) src(%arg9 : memref<32x512xf32, #tpu.memory_space<vmem>>) dst(%dma_wait3A_336 : memref<32x512xf32, #tpu.memory_space<hbm>>)
      tpu.yield
    }) : () -> ()
    return
  }
}

module attributes {stable_mosaic.version = 14 : i64} {
  func.func @_matmul_body(%arg0: i32, %arg1: memref<1433x1024xf32, #tpu.memory_space<vmem>>, %arg2: memref<1433x512xf32, #tpu.memory_space<vmem>>, %arg3: memref<1x512xf32, #tpu.memory_space<vmem>>, %arg4: memref<1024x512xf32, #tpu.memory_space<vmem>>) attributes {dimension_semantics = [#tpu.dimension_semantics<arbitrary>], iteration_bounds = array<i64: 10>, scalar_prefetch = 0 : i64, scratch_operands = 0 : i64, tpu.core_type = #tpu.core_type<tc>, window_params = [{transform_indices = @transform_0, window_bounds = array<i64: 1433, 1024>}, {pipeline_mode = #tpu.pipeline_mode<synchronous>, transform_indices = @transform_1, window_bounds = array<i64: 1433, 512>}, {pipeline_mode = #tpu.pipeline_mode<synchronous>, transform_indices = @transform_2, window_bounds = array<i64: 1, 512>}, {transform_indices = @transform_3, window_bounds = array<i64: 1024, 512>}]} {
    %get3A = arith.constant 0 : index
    %get3A_0 = arith.constant 0 : index
    %get3A_1 = vector.load %arg1[%get3A, %get3A_0] : memref<1433x1024xf32, #tpu.memory_space<vmem>>, vector<1433x1024xf32>
    %get3A_2 = arith.constant 0 : index
    %get3A_3 = arith.constant 0 : index
    %get3A_4 = vector.load %arg2[%get3A_2, %get3A_3] : memref<1433x512xf32, #tpu.memory_space<vmem>>, vector<1433x512xf32>
    %dot_general3A = arith.constant dense<0.000000e+00> : vector<1024x512xf32>
    %dot_general3A_5 = tpu.matmul %get3A_1, %get3A_4, %dot_general3A {dimension_numbers = #tpu.dot_dimension_numbers<[0], [0], [1], [1], [0, 1, 1, 1], [], []>, transpose_lhs_hint = false} : vector<1433x1024xf32>, vector<1433x512xf32>, vector<1024x512xf32> -> vector<1024x512xf32>
    %get3A_6 = arith.constant 0 : index
    %get3A_7 = arith.constant 0 : index
    %get3A_8 = vector.load %arg3[%get3A_6, %get3A_7] : memref<1x512xf32, #tpu.memory_space<vmem>>, vector<1x512xf32>
    %add3A = vector.broadcast %get3A_8 : vector<1x512xf32> to vector<1024x512xf32>
    %add3A_9 = arith.addf %dot_general3A_5, %add3A : vector<1024x512xf32>
    %swap3A = arith.constant 0 : index
    %swap3A_10 = arith.constant 0 : index
    %swap3A_11 = vector.load %arg4[%swap3A, %swap3A_10] : memref<1024x512xf32, #tpu.memory_space<vmem>>, vector<1024x512xf32>
    tpu.vector_store %arg4[%swap3A, %swap3A_10], %add3A_9 {strides = array<i32>} : memref<1024x512xf32, #tpu.memory_space<vmem>>, vector<1024x512xf32>,
    return
  }
  func.func @transform_0(%arg0: i32) -> (i32, i32) {
    %c0_i32 = arith.constant 0 : i32
    %c0_i32_0 = arith.constant 0 : i32
    return %c0_i32, %arg0 : i32, i32
  }
  func.func @transform_1(%arg0: i32) -> (i32, i32) {
    %c0_i32 = arith.constant 0 : i32
    %c0_i32_0 = arith.constant 0 : i32
    %c0_i32_1 = arith.constant 0 : i32
    return %c0_i32, %c0_i32_0 : i32, i32
  }
  func.func @transform_2(%arg0: i32) -> (i32, i32) {
    %c0_i32 = arith.constant 0 : i32
    %c0_i32_0 = arith.constant 0 : i32
    %c0_i32_1 = arith.constant 0 : i32
    return %c0_i32, %c0_i32_0 : i32, i32
  }
  func.func @transform_3(%arg0: i32) -> (i32, i32) {
    %c0_i32 = arith.constant 0 : i32
    %c0_i32_0 = arith.constant 0 : i32
    return %arg0, %c0_i32 : i32, i32
  }
}

module attributes {stable_mosaic.version = 14 : i64} {
  func.func @_mask_body(%arg0: memref<1024x1xi32, #tpu.memory_space<vmem>>, %arg1: memref<1024x48xi32, #tpu.memory_space<vmem>>) attributes {dimension_semantics = [], scalar_prefetch = 0 : i64, scratch_operands = 0 : i64, tpu.core_type = #tpu.core_type<tc>} {
    %iota3A = tpu.iota {dimensions = array<i32: 1>} : vector<1024x48xi32>
    %add3A = arith.constant 1 : i32
    %add3A_0 = vector.broadcast %add3A : i32 to vector<1024x48xi32>
    %add3A_1 = arith.addi %iota3A, %add3A_0 : vector<1024x48xi32>
    %get3A = arith.constant 0 : index
    %get3A_2 = arith.constant 0 : index
    %get3A_3 = vector.load %arg0[%get3A, %get3A_2] : memref<1024x1xi32, #tpu.memory_space<vmem>>, vector<1024x1xi32>
    %gt3A = vector.broadcast %get3A_3 : vector<1024x1xi32> to vector<1024x48xi32>
    %gt3A_4 = arith.cmpi sgt, %add3A_1, %gt3A : vector<1024x48xi32>
    %swap3A = arith.constant 0 : index
    %swap3A_5 = arith.constant 0 : index
    %swap3A_6 = vector.load %arg1[%swap3A, %swap3A_5] : memref<1024x48xi32, #tpu.memory_space<vmem>>, vector<1024x48xi32>
    %swap3A_7 = arith.extui %gt3A_4 : vector<1024x48xi1> to vector<1024x48xi32>
    %swap3A_8 = arith.constant dense<0> : vector<1024x48xi32>
    %swap3A_9 = arith.cmpi ne, %swap3A_6, %swap3A_8 : vector<1024x48xi32>
    tpu.vector_store %arg1[%swap3A, %swap3A_5], %swap3A_7 {strides = array<i32>} : memref<1024x48xi32, #tpu.memory_space<vmem>>, vector<1024x48xi32>,
    return
  }
}

</mosaic_0001>

<sc_bundles>
// kernel: kernel.6.cloned.1.call-start
scs
__scs_entry_jumppad:
0x0: {  	(pc) =	sbr.rel $0x88, $3  }
0x1: {  	(tag) =	ssettag $0x0;
	lr =	simm.s32 $0x1  }
0x2: {  	[smem:$0x3F9A] =	sst lr;
	_ =	strace $0xD0000000  }
0x3: {  	_ = 	snop  }
0x4: {  	_ = 	snop  }
0x5: {  	_ = 	snop  }
0x6: {  	_ = 	snop  }
0x7: {  	_ = 	snop  }
__scs_overlays_trampoline_lowered:
0x8: {  	[smem:$0x3FA9] =	sst s0  }
0x9: {  	[smem:$0x3FAA] =	sst s1  }
0xa: {  	[smem:$0x3FAB] =	sst s2  }
0xb: {  	[smem:$0x3FAC] =	sst s3  }
0xc: {  	[smem:$0x3FAD] =	sst s4  }
0xd: {  	[smem:$0x3FAE] =	sst s5  }
0xe: {  	[smem:$0x3FAF] =	sst s6  }
0xf: {  	[smem:$0x3FB0] =	sst s7  }
0x10: {  	[smem:$0x3FB1] =	sst s8  }
0x11: {  	[smem:$0x3FB2] =	sst s9;
	s0 =	simm.s32 @!p0 $0x0  }
0x12: {  	s1 =	sld [smem:$0x3F98];
	s0 =	simm.s32 @p0 $0x1  }
0x13: {  	[smem:$0x3FB3] =	sst s0;
	s0 =	simm.s32 @!p1 $0x0  }
0x14: {  	s2 =	sld [smem:$0x3F97];
	s0 =	simm.s32 @p1 $0x1  }
0x15: {  	[smem:$0x3FB4] =	sst s0;
	s0 =	simm.s32 @!p2 $0x0  }
0x16: {  	s3 =	sld [smem:$0x3FDB];
	s0 =	simm.s32 @p2 $0x1  }
0x17: {  	s4 =	simm.s32 $0x1BF5;
	[smem:$0x3FB6] =	sst s0  }
0x18: {  	s0 =	sld [smem:$0x3F99];
	_ =	swait.ge [sflag:s4], $0x0  }
0x19: {  	s7 =	sld [smem:$0x3F9A]  }
0x1a: {  	s8 =	sadd.s32 $0xFFFFE003, lr  }
0x1b: {  	s9 =	sadd.s32 $0xFFFFFEF7, lr;
	s5 =	simm.s32 $0xFFFFFFFF;
	p2 =	slt.u32 s8, $0xFFFFF086  }
0x1c: {  	p1 =	slt.u32 s9, $0xF7A;
	s5 =	simm.s32 @!p2 $0x0  }
0x1d: {  	s5 =	simm.s32 @p1 $0x1;
	p0 =	seq.s32 s7, s2  }
0x1e: {  	s7 =	smul.u32 @!p0 $0xF7A, s2;
	p2 =	seq.s32 @!p0 s5, $0x0  }
0x1f: {  	s9 =	smul.u32 $0xF7A, s1;
	s8 =	simm.s32 @!p0 $0x1BF5;
	p2 =	por !p2, p0  }
0x20: {  	[sflag:s8] =	ssyncset.s32 @!p0 $0xFFFFF086;
	s6 =	sadd.s32 @!p0 s3, s7;
	s7 =	simm.s32 @!p0 $0x108  }
0x21: {  	s3 =	sadd.s32 s3, s9;
	s6 =	sadd.s32 @!p0 $0x88, s6;
	s7 =	simm.s32 @p2 $0x1082  }
0x22: {  	[simem:s7], [sflag:s8] =	dma.local @!p0 [hbm:s6], $0xF7A  }
0x23: {  	s9 =	sor.u32 $0xD0000000, s2;
	s6 =	simm.s32 $0x108;
	_ =	swait.ge @!p0 [sflag:s8], $0x0  }
0x24: {  	s3 =	sadd.s32 $0x88, s3;
	s6 =	simm.s32 @!p1 $0x1082;
	[sflag:s4] =	ssyncset.s32 $0xFFFFF086  }
0x25: {  	[simem:s6], [sflag:s4] =	dma.local [hbm:s3], $0xF7A  }
0x26: {  	[smem:$0x3F9A] =	sst s1;
	(tag) =	ssettag s2;
	_ =	strace s9  }
0x27: {  	s1 =	sld [smem:$0x3FAA]  }
0x28: {  	s2 =	sld [smem:$0x3FAB]  }
0x29: {  	s4 =	sld [smem:$0x3FAD]  }
0x2a: {  	p0 =	seq.s32 s5, $0x0;
	s5 =	sld [smem:$0x3FAE]  }
0x2b: {  	s6 =	sld [smem:$0x3FAF]  }
0x2c: {  	s7 =	sld [smem:$0x3FB0]  }
0x2d: {  	s3 =	simm.s32 $0x108;
	s8 =	sld [smem:$0x3FB1]  }
0x2e: {  	s3 =	simm.s32 @!p0 $0x1082;
	s9 =	sld [smem:$0x3FB2]  }
0x2f: {  	lr =	sadd.s32 s0, s3;
	s0 =	sld [smem:$0x3FA9]  }
0x30: {  	s3 =	sld [smem:$0x3FAC]  }
0x31: {  	[smem:$0x3FB5] =	sst s10  }
0x32: {  	s10 =	sld [smem:$0x3FB3];
	_ =	sdelay $0x3  }
0x33: {  	p0 =	seq.s32 s10, $0x1;
	s10 =	sld [smem:$0x3FB5];
	_ =	sdelay $0x3  }
0x34: {  	[smem:$0x3FB5] =	sst s10  }
0x35: {  	s10 =	sld [smem:$0x3FB4];
	_ =	sdelay $0x3  }
0x36: {  	p1 =	seq.s32 s10, $0x1;
	s10 =	sld [smem:$0x3FB5];
	_ =	sdelay $0x3  }
0x37: {  	[smem:$0x3FB5] =	sst s10  }
0x38: {  	s10 =	sld [smem:$0x3FB6]  }
0x39: {  	_ = 	snop;
	(pc) =	sbr.ind lr, $3  }
0x3a: {  	_ = 	snop  }
0x3b: {  	_ = 	snop  }
0x3c: {  	p2 =	seq.s32 s10, $0x1;
	s10 =	sld [smem:$0x3FB5]  }
0x3d: {  	_ =	shalt  }
0x3e: {  	_ =	shalt  }
0x3f: {  	_ =	shalt  }
0x40: {  	_ =	shalt  }
0x41: {  	_ =	shalt  }
0x42: {  	_ =	shalt  }
0x43: {  	_ =	shalt  }
0x44: {  	_ =	shalt  }
0x45: {  	_ =	shalt  }
0x46: {  	_ =	shalt  }
0x47: {  	_ =	shalt  }
0x48: {  	_ =	shalt  }
0x49: {  	_ =	shalt  }
0x4a: {  	_ =	shalt  }
0x4b: {  	_ =	shalt  }
0x4c: {  	_ =	shalt  }
0x4d: {  	_ =	shalt  }
0x4e: {  	_ =	shalt  }
0x4f: {  	_ =	shalt  }
0x50: {  	_ =	shalt  }
0x51: {  	_ =	shalt  }
0x52: {  	_ =	shalt  }
0x53: {  	_ =	shalt  }
0x54: {  	_ =	shalt  }
0x55: {  	_ =	shalt  }
0x56: {  	_ =	shalt  }
0x57: {  	_ =	shalt  }
0x58: {  	_ =	shalt  }
0x59: {  	_ =	shalt  }
0x5a: {  	_ =	shalt  }
0x5b: {  	_ =	shalt  }
0x5c: {  	_ =	shalt  }
0x5d: {  	_ =	shalt  }
0x5e: {  	_ =	shalt  }
0x5f: {  	_ =	shalt  }
0x60: {  	_ =	shalt  }
0x61: {  	_ =	shalt  }
0x62: {  	_ =	shalt  }
0x63: {  	_ =	shalt  }
0x64: {  	_ =	shalt  }
0x65: {  	_ =	shalt  }
0x66: {  	_ =	shalt  }
0x67: {  	_ =	shalt  }
0x68: {  	_ =	shalt  }
0x69: {  	_ =	shalt  }
0x6a: {  	_ =	shalt  }
0x6b: {  	_ =	shalt  }
0x6c: {  	_ =	shalt  }
0x6d: {  	_ =	shalt  }
0x6e: {  	_ =	shalt  }
0x6f: {  	_ =	shalt  }
0x70: {  	_ =	shalt  }
0x71: {  	_ =	shalt  }
0x72: {  	_ =	shalt  }
0x73: {  	_ =	shalt  }
0x74: {  	_ =	shalt  }
0x75: {  	_ =	shalt  }
0x76: {  	_ =	shalt  }
0x77: {  	_ =	shalt  }
0x78: {  	_ =	shalt  }
0x79: {  	_ =	shalt  }
0x7a: {  	_ =	shalt  }
0x7b: {  	_ =	shalt  }
0x7c: {  	_ =	shalt  }
0x7d: {  	_ =	shalt  }
0x7e: {  	_ =	shalt  }
0x7f: {  	_ =	shalt  }
0x80: {  	_ =	shalt  }
0x81: {  	_ =	shalt  }
0x82: {  	_ =	shalt  }
0x83: {  	_ =	shalt  }
0x84: {  	_ =	shalt  }
0x85: {  	_ =	shalt  }
0x86: {  	_ =	shalt  }
0x87: {  	_ =	shalt  }
.Lfunc_end0:
.L_simem_size_0:
called_computation_lowered:
.L_overlay_start_0:
0x88: {  	s2 =	sld [smem:$0x3FD9]  }
0x89: {  	s3 =	sld [smem:$0x3FFE];
	_ =	sdelay $0x1  }
0x8a: {  	s1 =	srdreg.scid  }
0x8b: {  	s0 =	sand.u32 $0x1, s1  }
0x8c: {  	s14 =	sshll.u32 s0, $0xA;
	s2 =	sadd.s32 s3, s2  }
0x8d: {  	s2 =	sadd.s32 s2, s14  }
0x8e: {  	[smem:$0x3FC1] =	sst s2  }
0x8f: {  	_ = 	snop  }
0x90: {  	s2 =	sld [smem:$0x3FD0];
	_ =	sdelay $0x2  }
0x91: {  	s4 =	simm.s32 $0xA;
	s5 =	simm.s32 $0x10;
	s15 =	sld [smem:$0x3FC8]  }
0x92: {  	[smem:s5], [sflag:s4] =	dma.local [hbm:s2], $0x1  }
0x93: {  	_ =	swait.eq [sflag:s4], $0x1  }
0x94: {  	[sflag:s4] =	ssyncset.done $0x0  }
0x95: {  	[sflag:s4] =	ssyncadd.s32 $0xFFFFFFFF  }
0x96: {  	s16 =	sld [smem:$0x12];
	(tm) =	ssettm $0x1  }
0x97: {  	s17 =	sld [smem:$0x3FFB];
	_ =	sdelay $0x3  }
0x98: {  	_ =	strace s17  }
0x99: {  	s4 =	sld [smem:$0x3FFC];
	_ =	sdelay $0x3  }
0x9a: {  	_ =	strace s4  }
0x9b: {  	s4 =	sld [smem:$0x3FFD];
	_ =	sdelay $0x3  }
0x9c: {  	_ =	strace s4  }
0x9d: {  	_ =	strace $0x8FFFFFFF  }
0x9e: {  	s18 =	sld [smem:$0x3FDB];
	_ =	sdelay $0x1  }
0x9f: {  	s19 =	simm.s32 $_scs_section_size  }
0xa0: {  	s6 =	simm.s32 $_size__tile_overlayer_lowered;
	s7 =	simm.s32 $_tile_overlayer_lowered  }
0xa1: {  	s22 =	simm.s32 $0x1BFF;
	s21 =	sshll.u32 s7, $0x1;
	s4 =	sadd.s32 s19, s18  }
0xa2: {  	s8 =	simm.s32 $0x0;
	s20 =	sshll.u32 s6, $0x1;
	s6 =	sadd.s32 s21, s4  }
0xa3: {  	[timem:s8], [sflag:s22] =	dma.local [hbm:s6], s20  }
0xa4: {  	_ =	swait.ge [sflag:s22], s20  }
0xa5: {  	s5 =	ssub.s32 $0x0, s20;
	[sflag:s22] =	ssyncset.done $0x0  }
0xa6: {  	[sflag:s22] =	ssyncadd.s32 s5;
	_ =	sdelay $0x1  }
0xa7: {  	s23 =	simm.s32 $0x1B8B  }
0xa8: {  	_ =	swait.ge [sflag:s23], $0x1  }
0xa9: {  	[sflag:s23] =	ssyncset.done $0x0  }
0xaa: {  	s25 =	simm.s32 $0x1B8E;
	s24 =	sld [smem:$0x3FFE];
	[sflag:s23] =	ssyncadd.s32 $0xFFFFFFFF  }
0xab: {  	s26 =	simm.s32 $execute0_lowered;
	[smem:$0x3FD2] =	sst s25  }
0xac: {  	s6 =	sshll.u32 s26, $0x1;
	_ =	strace $0x80000046;
	[dreg:$0x1] =	wrdreg $0xFFFFFFFF  }
0xad: {  	s28 =	simm.s32 $_size_execute0_lowered;
	s4 =	sadd.s32 s4, s6;
	[dreg:$0x0] =	wrdreg $0x0  }
0xae: {  	s6 =	sshll.u32 s28, $0x1;
	[dreg:$0x2] =	wrdreg s4  }
0xaf: {  	[dreg:$0x3] =	wrdreg s6  }
0xb0: {  	[dreg:$0x4] =	wrdreg $0xC0  }
0xb1: {  	_ =	task [dreg:s8], $0x5FFFF  }
0xb2: {  	[dreg:$0x1] =	wrdreg $0xFFFFFFFF  }
0xb3: {  	[dreg:$0x0] =	wrdreg $0x60  }
0xb4: {  	[dreg:$0x2] =	wrdreg s16  }
0xb5: {  	[dreg:$0x3] =	wrdreg s15  }
0xb6: {  	[dreg:$0x4] =	wrdreg s24  }
0xb7: {  	[dreg:$0x5] =	wrdreg $0x9  }
0xb8: {  	_ =	task.clear_ibuf [dreg:s8], $0x6FFFF;
	_ =	strace $0x90000046  }
0xb9: {  	s29 =	simm.s32 $0x9;
	_ =	strace $0x80000048  }
0xba: {  	_ =	swait.ge [sflag:s29], $0x1  }
0xbb: {  	[sflag:s29] =	ssyncadd.s32 $0xFFFFFFFF  }
0xbc: {  	_ =	strace $0x90000048  }
0xbd: {  	_ =	sfence  }
0xbe: {  	s30 =	sld [smem:$0x0];
	_ =	sdelay $0x2  }
0xbf: {  	s31 =	sshll.u32 s1, $0xD;
	s1 =	sshrl.u32 s1, $0x2  }
0xc0: {  	s3 =	sand.u32 $0x4000, s31;
	s1 =	sadd.s32 s1, s30  }
0xc1: {  	s0 =	sor.u32 s3, s0;
	s1 =	sshll.u32 s1, $0x11  }
0xc2: {  	s0 =	sor.u32 s1, s0  }
0xc3: {  	s0 =	sadd.s32 $0x8F2B, s0  }
0xc4: {  	[sflag:s0] =	ssyncadd.remote.s32 $0x1  }
0xc5: {  	_ =	sfence.sel $0xFFFF  }
0xc6: {  	[dreg:$0x0] =	wrdreg $0xFFFFFFFF;
	(pc) =	sbr.abs _section_cstart, $3  }
0xc7: {  	[dreg:$0x1] =	wrdreg $0xFFFFFFFF  }
0xc8: {  	_ =	task.clear_ibuf [dreg:s8], $0x2FFFF;
	_ =	strace $0x9FFFFFFF  }
0xc9: {  	(tm) =	ssettm $0x7FFFFFFF  }
tec
execute0_lowered:
.L_overlay_start_1:
0x0: {  	(tag) =	ssettag $0x1  }
0x1: {  	s4 =	rddreg [dreg:$0x0]  }
0x2: {  	s1 =	srdreg.scid;
	s0 =	stileid.u32  }
0x3: {  	s2 =	rddreg [dreg:$0x1];
	s6 =	sand.u32 $0x1, s1;
	s30 =	sshll.u32 s0, $0x1  }
0x4: {  	s8 =	rddreg [dreg:$0x2];
	s3 =	simm.s32 $0x0;
	s5 =	sor.u32 s6, s30  }
0x5: {  	[smem:$0x7FF] =	sst s3;
	s9 =	smul.u32 $0xC0, s5  }
0x6: {  	s1 =	rddreg [dreg:$0x3];
	_ =	strace $0x80000047  }
0x7: {  	s10 =	ssub.s32 $0x2, s6;
	s5 =	sadd.s32 s4, s9;
	s4 =	simm.s32 $0x2  }
0x8: {  	[tilespmem:s3], [sflag:$0x2] =	stream.linear.gather [hbm4b:s5+s3], $0x600, $0x38;
	[tilespmem:$0xC00] =	vst v63  }
0x9: {  	s7 =	simm.s32 $0x1;
	s11 =	sshrl.u32 s10, $0x1;
	_ =	swait.ge [sflag:s4], $0x600  }
0xa: {  	s6 =	simm.s32 $0x600;
	s31 =	ssub.s32 s10, s11;
	[sflag:s4] =	ssyncset.done $0x0  }
0xb: {  	s8 =	sadd.s32 s9, s8;
	s9 =	smax.u32 s31, $0x1;
	[sflag:s4] =	ssyncadd.s32 $0xFFFFFA00  }
0xc: {  	[tilespmem:s6], [sflag:$0x1] =	stream.indirect.gather [hbm4b:s2+s6], $0x1, s3, s6, $0xb8;
	[tilespmem:$0xC00] =	vst v63  }
0xd: {  	p0 =	sne.s32 s9, $0x1;
	_ =	swait.ge [sflag:s7], $0x600  }
.Ltmp0:
0xe: {  	[sflag:s7] =	ssyncset.done $0x0;
	(pc) =	sbr.rel @!p0 .LBB2_2-.Ltmp0, $4  }
0xf: {  	s8 =	sadd.s32 $0x1400, s8;
	[sflag:s7] =	ssyncadd.s32 $0xFFFFFA00  }
0x10: {  	[hbm4b:s8+s3] =	stream.linear.scatter [tilespmem:s6], [sflag:$0x2], $0x600, $0x38;
	[tilespmem:$0xC00] =	vst v63  }
0x11: {  	_ =	swait.ge [sflag:s4], $0x600  }
0x12: {  	s9 =	sadd.s32 $0xFFFFFFFF, s9;
	[sflag:s4] =	ssyncset.done $0x0  }
.LBB2_1:
0x13: {  	p0 =	sne.s32 s9, $0x1;
	s9 =	sadd.s32 $0xFFFFFFFF, s9;
	[sflag:s4] =	ssyncadd.s32 $0xFFFFFA00  }
0x14: {  	[tilespmem:s3], [sflag:$0x2] =	stream.linear.gather [hbm4b:s5+s3], $0x600, $0x38;
	[tilespmem:$0xC00] =	vst v63  }
0x15: {  	_ =	swait.ge [sflag:s4], $0x600  }
0x16: {  	[sflag:s4] =	ssyncset.done $0x0  }
0x17: {  	[sflag:s4] =	ssyncadd.s32 $0xFFFFFA00  }
0x18: {  	[tilespmem:s6], [sflag:$0x1] =	stream.indirect.gather [hbm4b:s2+s6], $0x1, s3, s6, $0xb8;
	[tilespmem:$0xC00] =	vst v63  }
0x19: {  	_ =	swait.ge [sflag:s7], $0x600  }
.Ltmp1:
0x1a: {  	[sflag:s7] =	ssyncset.done $0x0;
	(pc) =	sbr.rel @p0 .LBB2_1-.Ltmp1, $4  }
0x1b: {  	[sflag:s7] =	ssyncadd.s32 $0xFFFFFA00  }
0x1c: {  	[hbm4b:s8+s3] =	stream.linear.scatter [tilespmem:s6], [sflag:$0x2], $0x600, $0x38;
	[tilespmem:$0xC00] =	vst v63  }
0x1d: {  	_ =	swait.ge [sflag:s4], $0x600  }
0x1e: {  	[sflag:s4] =	ssyncset.done $0x0  }
.LBB2_2:
0x1f: {  	[sflag:s4] =	ssyncadd.s32 $0xFFFFFA00  }
0x20: {  	_ =	sfence.sel $0x180000  }
0x21: {  	[bflag:$0x0] =	sbarrier.arrive $0xFFFF  }
0x22: {  	p0 =	sne.s32 s0, $0x0;
	_ =	strace $0x90000047  }
0x23: {  	s0 =	sadd.s32 @!p0 $0x100000, s1;
	[bflag:$0x2] =	sbarrier.arrive $0xFFFF  }
0x24: {  	[sflag:s0] =	ssyncadd.tile.s32 @!p0 $0x1;
	_ =	shalt  }
.Lfunc_end2:
_tile_overlayer_lowered:
.L_overlay_start_2:
0x25: {  	(tag) =	ssettag $0x2  }
0x26: {  	s0 =	rddreg [dreg:$0x0];
	s2 =	stileid.u32  }
0x27: {  	s1 =	rddreg [dreg:$0x1];
	p0 =	sne.s32 s2, $0x0  }
0x28: {  	s3 =	rddreg [dreg:$0x2];
	[bflag:$0x3] =	sbarrier.arrive $0xFFFF;
	s2 =	simm.s32 @!p0 $0x1C02  }
0x29: {  	[timem:s3], [sflag:s2] =	dma.local @!p0 [hbm:s0], s1  }
0x2a: {  	s0 =	simm.s32 @!p0 $0x2  }
0x2b: {  	_ =	swait.ge @!p0 [sflag:s0], s1  }
0x2c: {  	s1 =	ssub.s32 @!p0 $0x0, s1;
	[sflag:s0] =	ssyncset.done @!p0 $0x0  }
0x2d: {  	[sflag:s0] =	ssyncadd.s32 @!p0 s1  }
0x2e: {  	[bflag:$0x3] =	sbarrier.arrive $0xFFFF  }
0x2f: {  	_ =	shalt  }

// kernel: kernel.9.cloned.1.call-start
scs
__scs_entry_jumppad:
0x0: {  	(pc) =	sbr.rel $0x88, $3  }
0x1: {  	(tag) =	ssettag $0x0;
	lr =	simm.s32 $0x1  }
0x2: {  	[smem:$0x3F9A] =	sst lr;
	_ =	strace $0xD0000000  }
0x3: {  	_ = 	snop  }
0x4: {  	_ = 	snop  }
0x5: {  	_ = 	snop  }
0x6: {  	_ = 	snop  }
0x7: {  	_ = 	snop  }
__scs_overlays_trampoline_lowered:
0x8: {  	[smem:$0x3FA9] =	sst s0  }
0x9: {  	[smem:$0x3FAA] =	sst s1  }
0xa: {  	[smem:$0x3FAB] =	sst s2  }
0xb: {  	[smem:$0x3FAC] =	sst s3  }
0xc: {  	[smem:$0x3FAD] =	sst s4  }
0xd: {  	[smem:$0x3FAE] =	sst s5  }
0xe: {  	[smem:$0x3FAF] =	sst s6  }
0xf: {  	[smem:$0x3FB0] =	sst s7  }
0x10: {  	[smem:$0x3FB1] =	sst s8  }
0x11: {  	[smem:$0x3FB2] =	sst s9;
	s0 =	simm.s32 @!p0 $0x0  }
0x12: {  	s1 =	sld [smem:$0x3F98];
	s0 =	simm.s32 @p0 $0x1  }
0x13: {  	[smem:$0x3FB3] =	sst s0;
	s0 =	simm.s32 @!p1 $0x0  }
0x14: {  	s2 =	sld [smem:$0x3F97];
	s0 =	simm.s32 @p1 $0x1  }
0x15: {  	[smem:$0x3FB4] =	sst s0;
	s0 =	simm.s32 @!p2 $0x0  }
0x16: {  	s3 =	sld [smem:$0x3FDB];
	s0 =	simm.s32 @p2 $0x1  }
0x17: {  	s4 =	simm.s32 $0x1BF5;
	[smem:$0x3FB6] =	sst s0  }
0x18: {  	s0 =	sld [smem:$0x3F99];
	_ =	swait.ge [sflag:s4], $0x0  }
0x19: {  	s7 =	sld [smem:$0x3F9A]  }
0x1a: {  	s8 =	sadd.s32 $0xFFFFE003, lr  }
0x1b: {  	s9 =	sadd.s32 $0xFFFFFEF7, lr;
	s5 =	simm.s32 $0xFFFFFFFF;
	p2 =	slt.u32 s8, $0xFFFFF086  }
0x1c: {  	p1 =	slt.u32 s9, $0xF7A;
	s5 =	simm.s32 @!p2 $0x0  }
0x1d: {  	s5 =	simm.s32 @p1 $0x1;
	p0 =	seq.s32 s7, s2  }
0x1e: {  	s7 =	smul.u32 @!p0 $0xF7A, s2;
	p2 =	seq.s32 @!p0 s5, $0x0  }
0x1f: {  	s9 =	smul.u32 $0xF7A, s1;
	s8 =	simm.s32 @!p0 $0x1BF5;
	p2 =	por !p2, p0  }
0x20: {  	[sflag:s8] =	ssyncset.s32 @!p0 $0xFFFFF086;
	s6 =	sadd.s32 @!p0 s3, s7;
	s7 =	simm.s32 @!p0 $0x108  }
0x21: {  	s3 =	sadd.s32 s3, s9;
	s6 =	sadd.s32 @!p0 $0x88, s6;
	s7 =	simm.s32 @p2 $0x1082  }
0x22: {  	[simem:s7], [sflag:s8] =	dma.local @!p0 [hbm:s6], $0xF7A  }
0x23: {  	s9 =	sor.u32 $0xD0000000, s2;
	s6 =	simm.s32 $0x108;
	_ =	swait.ge @!p0 [sflag:s8], $0x0  }
0x24: {  	s3 =	sadd.s32 $0x88, s3;
	s6 =	simm.s32 @!p1 $0x1082;
	[sflag:s4] =	ssyncset.s32 $0xFFFFF086  }
0x25: {  	[simem:s6], [sflag:s4] =	dma.local [hbm:s3], $0xF7A  }
0x26: {  	[smem:$0x3F9A] =	sst s1;
	(tag) =	ssettag s2;
	_ =	strace s9  }
0x27: {  	s1 =	sld [smem:$0x3FAA]  }
0x28: {  	s2 =	sld [smem:$0x3FAB]  }
0x29: {  	s4 =	sld [smem:$0x3FAD]  }
0x2a: {  	p0 =	seq.s32 s5, $0x0;
	s5 =	sld [smem:$0x3FAE]  }
0x2b: {  	s6 =	sld [smem:$0x3FAF]  }
0x2c: {  	s7 =	sld [smem:$0x3FB0]  }
0x2d: {  	s3 =	simm.s32 $0x108;
	s8 =	sld [smem:$0x3FB1]  }
0x2e: {  	s3 =	simm.s32 @!p0 $0x1082;
	s9 =	sld [smem:$0x3FB2]  }
0x2f: {  	lr =	sadd.s32 s0, s3;
	s0 =	sld [smem:$0x3FA9]  }
0x30: {  	s3 =	sld [smem:$0x3FAC]  }
0x31: {  	[smem:$0x3FB5] =	sst s10  }
0x32: {  	s10 =	sld [smem:$0x3FB3];
	_ =	sdelay $0x3  }
0x33: {  	p0 =	seq.s32 s10, $0x1;
	s10 =	sld [smem:$0x3FB5];
	_ =	sdelay $0x3  }
0x34: {  	[smem:$0x3FB5] =	sst s10  }
0x35: {  	s10 =	sld [smem:$0x3FB4];
	_ =	sdelay $0x3  }
0x36: {  	p1 =	seq.s32 s10, $0x1;
	s10 =	sld [smem:$0x3FB5];
	_ =	sdelay $0x3  }
0x37: {  	[smem:$0x3FB5] =	sst s10  }
0x38: {  	s10 =	sld [smem:$0x3FB6]  }
0x39: {  	_ = 	snop;
	(pc) =	sbr.ind lr, $3  }
0x3a: {  	_ = 	snop  }
0x3b: {  	_ = 	snop  }
0x3c: {  	p2 =	seq.s32 s10, $0x1;
	s10 =	sld [smem:$0x3FB5]  }
0x3d: {  	_ =	shalt  }
0x3e: {  	_ =	shalt  }
0x3f: {  	_ =	shalt  }
0x40: {  	_ =	shalt  }
0x41: {  	_ =	shalt  }
0x42: {  	_ =	shalt  }
0x43: {  	_ =	shalt  }
0x44: {  	_ =	shalt  }
0x45: {  	_ =	shalt  }
0x46: {  	_ =	shalt  }
0x47: {  	_ =	shalt  }
0x48: {  	_ =	shalt  }
0x49: {  	_ =	shalt  }
0x4a: {  	_ =	shalt  }
0x4b: {  	_ =	shalt  }
0x4c: {  	_ =	shalt  }
0x4d: {  	_ =	shalt  }
0x4e: {  	_ =	shalt  }
0x4f: {  	_ =	shalt  }
0x50: {  	_ =	shalt  }
0x51: {  	_ =	shalt  }
0x52: {  	_ =	shalt  }
0x53: {  	_ =	shalt  }
0x54: {  	_ =	shalt  }
0x55: {  	_ =	shalt  }
0x56: {  	_ =	shalt  }
0x57: {  	_ =	shalt  }
0x58: {  	_ =	shalt  }
0x59: {  	_ =	shalt  }
0x5a: {  	_ =	shalt  }
0x5b: {  	_ =	shalt  }
0x5c: {  	_ =	shalt  }
0x5d: {  	_ =	shalt  }
0x5e: {  	_ =	shalt  }
0x5f: {  	_ =	shalt  }
0x60: {  	_ =	shalt  }
0x61: {  	_ =	shalt  }
0x62: {  	_ =	shalt  }
0x63: {  	_ =	shalt  }
0x64: {  	_ =	shalt  }
0x65: {  	_ =	shalt  }
0x66: {  	_ =	shalt  }
0x67: {  	_ =	shalt  }
0x68: {  	_ =	shalt  }
0x69: {  	_ =	shalt  }
0x6a: {  	_ =	shalt  }
0x6b: {  	_ =	shalt  }
0x6c: {  	_ =	shalt  }
0x6d: {  	_ =	shalt  }
0x6e: {  	_ =	shalt  }
0x6f: {  	_ =	shalt  }
0x70: {  	_ =	shalt  }
0x71: {  	_ =	shalt  }
0x72: {  	_ =	shalt  }
0x73: {  	_ =	shalt  }
0x74: {  	_ =	shalt  }
0x75: {  	_ =	shalt  }
0x76: {  	_ =	shalt  }
0x77: {  	_ =	shalt  }
0x78: {  	_ =	shalt  }
0x79: {  	_ =	shalt  }
0x7a: {  	_ =	shalt  }
0x7b: {  	_ =	shalt  }
0x7c: {  	_ =	shalt  }
0x7d: {  	_ =	shalt  }
0x7e: {  	_ =	shalt  }
0x7f: {  	_ =	shalt  }
0x80: {  	_ =	shalt  }
0x81: {  	_ =	shalt  }
0x82: {  	_ =	shalt  }
0x83: {  	_ =	shalt  }
0x84: {  	_ =	shalt  }
0x85: {  	_ =	shalt  }
0x86: {  	_ =	shalt  }
0x87: {  	_ =	shalt  }
.Lfunc_end0:
.L_simem_size_0:
called_computation.1_lowered:
.L_overlay_start_0:
0x88: {  	s2 =	sld [smem:$0x3FD9]  }
0x89: {  	s3 =	sld [smem:$0x3FFE];
	_ =	sdelay $0x1  }
0x8a: {  	s1 =	srdreg.scid  }
0x8b: {  	s0 =	sand.u32 $0x1, s1  }
0x8c: {  	s14 =	sshll.u32 s0, $0xA;
	s2 =	sadd.s32 s3, s2  }
0x8d: {  	s2 =	sadd.s32 s2, s14  }
0x8e: {  	[smem:$0x3FC1] =	sst s2  }
0x8f: {  	_ = 	snop  }
0x90: {  	s2 =	sld [smem:$0x3FD0];
	_ =	sdelay $0x2  }
0x91: {  	s4 =	simm.s32 $0xA;
	s5 =	simm.s32 $0x10;
	s15 =	sld [smem:$0x3FC9]  }
0x92: {  	[smem:s5], [sflag:s4] =	dma.local [hbm:s2], $0x1  }
0x93: {  	_ =	swait.eq [sflag:s4], $0x1  }
0x94: {  	[sflag:s4] =	ssyncset.done $0x0  }
0x95: {  	s16 =	sld [smem:$0x10];
	[sflag:s4] =	ssyncadd.s32 $0xFFFFFFFF  }
0x96: {  	s17 =	sld [smem:$0x11];
	(tm) =	ssettm $0x1  }
0x97: {  	s18 =	sld [smem:$0x3FFB];
	_ =	sdelay $0x3  }
0x98: {  	_ =	strace s18  }
0x99: {  	s5 =	sld [smem:$0x3FFC];
	_ =	sdelay $0x3  }
0x9a: {  	_ =	strace s5  }
0x9b: {  	s5 =	sld [smem:$0x3FFD];
	_ =	sdelay $0x3  }
0x9c: {  	_ =	strace s5  }
0x9d: {  	_ =	strace $0x8FFFFFFF  }
0x9e: {  	s19 =	sld [smem:$0x3FDB];
	_ =	sdelay $0x1  }
0x9f: {  	s6 =	simm.s32 $_scs_section_size  }
0xa0: {  	s7 =	simm.s32 $_size__tile_overlayer_lowered;
	s8 =	simm.s32 $_tile_overlayer_lowered  }
0xa1: {  	s22 =	simm.s32 $0x1BFF;
	s21 =	sshll.u32 s8, $0x1;
	s5 =	sadd.s32 s6, s19  }
0xa2: {  	s9 =	simm.s32 $0x0;
	s20 =	sshll.u32 s7, $0x1;
	s7 =	sadd.s32 s21, s5  }
0xa3: {  	[timem:s9], [sflag:s22] =	dma.local [hbm:s7], s20  }
0xa4: {  	_ =	swait.ge [sflag:s22], s20  }
0xa5: {  	s6 =	ssub.s32 $0x0, s20;
	[sflag:s22] =	ssyncset.done $0x0  }
0xa6: {  	[sflag:s22] =	ssyncadd.s32 s6;
	_ =	sdelay $0x1  }
0xa7: {  	s23 =	simm.s32 $0x1B8B  }
0xa8: {  	_ =	swait.ge [sflag:s23], $0x1  }
0xa9: {  	[sflag:s23] =	ssyncset.done $0x0  }
0xaa: {  	s25 =	simm.s32 $0x1B8E;
	s24 =	sld [smem:$0x3FFE];
	[sflag:s23] =	ssyncadd.s32 $0xFFFFFFFF  }
0xab: {  	s26 =	simm.s32 $execute0_lowered;
	[smem:$0x3FD2] =	sst s25  }
0xac: {  	s7 =	sshll.u32 s26, $0x1;
	_ =	strace $0x80000049;
	[dreg:$0x1] =	wrdreg $0xFFFFFFFF  }
0xad: {  	s28 =	simm.s32 $_size_execute0_lowered;
	s5 =	sadd.s32 s5, s7;
	[dreg:$0x0] =	wrdreg $0x0  }
0xae: {  	s7 =	sshll.u32 s28, $0x1;
	[dreg:$0x2] =	wrdreg s5  }
0xaf: {  	[dreg:$0x3] =	wrdreg s7  }
0xb0: {  	[dreg:$0x4] =	wrdreg $0xC0  }
0xb1: {  	_ =	task [dreg:s9], $0x5FFFF  }
0xb2: {  	[dreg:$0x1] =	wrdreg $0xFFFFFFFF  }
0xb3: {  	[dreg:$0x0] =	wrdreg $0x60  }
0xb4: {  	[dreg:$0x2] =	wrdreg s15  }
0xb5: {  	[dreg:$0x3] =	wrdreg s24  }
0xb6: {  	[dreg:$0x4] =	wrdreg s16  }
0xb7: {  	[dreg:$0x5] =	wrdreg s17  }
0xb8: {  	[dreg:$0x6] =	wrdreg $0x9  }
0xb9: {  	_ =	task.clear_ibuf [dreg:s9], $0x7FFFF;
	_ =	strace $0x90000049  }
0xba: {  	s29 =	simm.s32 $0x9;
	_ =	strace $0x8000004B  }
0xbb: {  	_ =	swait.ge [sflag:s29], $0x1  }
0xbc: {  	[sflag:s29] =	ssyncadd.s32 $0xFFFFFFFF  }
0xbd: {  	_ =	strace $0x9000004B  }
0xbe: {  	_ =	sfence  }
0xbf: {  	s30 =	sld [smem:$0x0];
	_ =	sdelay $0x2  }
0xc0: {  	s31 =	sshll.u32 s1, $0xD;
	s1 =	sshrl.u32 s1, $0x2  }
0xc1: {  	s3 =	sand.u32 $0x4000, s31;
	s1 =	sadd.s32 s1, s30  }
0xc2: {  	s0 =	sor.u32 s3, s0;
	s1 =	sshll.u32 s1, $0x11  }
0xc3: {  	s0 =	sor.u32 s1, s0  }
0xc4: {  	s0 =	sadd.s32 $0x8F2B, s0  }
0xc5: {  	[sflag:s0] =	ssyncadd.remote.s32 $0x1  }
0xc6: {  	_ =	sfence.sel $0xFFFF  }
0xc7: {  	[dreg:$0x0] =	wrdreg $0xFFFFFFFF;
	(pc) =	sbr.abs _section_cstart, $3  }
0xc8: {  	[dreg:$0x1] =	wrdreg $0xFFFFFFFF  }
0xc9: {  	_ =	task.clear_ibuf [dreg:s9], $0x2FFFF;
	_ =	strace $0x9FFFFFFF  }
0xca: {  	(tm) =	ssettm $0x7FFFFFFF  }
0xcb: {  	_ =	shalt  }
tec
execute0_lowered:
.L_overlay_start_1:
0x0: {  	(tag) =	ssettag $0x1  }
0x1: {  	s1 =	rddreg [dreg:$0x0];
	s2 =	srdreg.scid  }
0x2: {  	s4 =	stileid.u32;
	s0 =	rddreg [dreg:$0x1]  }
0x3: {  	s24 =	rddreg [dreg:$0x2];
	s3 =	sand.u32 $0x1, s2;
	s23 =	sshll.u32 s4, $0x1  }
0x4: {  	s6 =	rddreg [dreg:$0x3];
	s2 =	simm.s32 $0x0;
	s5 =	sor.u32 s3, s23  }
0x5: {  	s21 =	simm.s32 $0x600;
	[smem:$0x7FF] =	sst s2;
	s7 =	smul.u32 $0xC0, s5  }
0x6: {  	s22 =	simm.s32 $0xE80;
	s8 =	smul.u32 $0x18000, s5;
	_ =	strace $0x8000004A  }
0x7: {  	s9 =	sshll.u32 s5, $0x2;
	s29 =	smul.u32 $0xC0000, s5;
	[dreg:$0x17] =	wrdreg s21  }
0x8: {  	s5 =	sshll.u32 s5, $0xB;
	[dreg:$0x18] =	wrdreg s22;
	s1 =	sadd.s32 s1, s9  }
0x9: {  	s20 =	sadd.s32 s24, s5;
	[dreg:$0x6] =	wrdreg s1  }
0xa: {  	s24 =	simm.s32 $0x1680;
	[dreg:$0x16] =	wrdreg s20  }
0xb: {  	s7 =	sadd.s32 s7, s0;
	s8 =	sadd.s32 s6, s8;
	[dreg:$0x19] =	wrdreg s24  }
0xc: {  	s7 =	sadd.s32 $0x1400, s7;
	[dreg:$0x1f] =	wrdreg s8  }
0xd: {  	s25 =	sadd.s32 $0x1800, s8;
	[dreg:$0x5] =	wrdreg s7  }
0xe: {  	s26 =	sadd.s32 $0x3000, s8;
	[dreg:$0x7] =	wrdreg s25  }
0xf: {  	s30 =	sadd.s32 $0x4800, s8;
	[dreg:$0x8] =	wrdreg s26  }
0x10: {  	s31 =	sadd.s32 $0x6000, s8;
	[dreg:$0x9] =	wrdreg s30  }
0x11: {  	s9 =	sadd.s32 $0x7800, s8;
	[dreg:$0xa] =	wrdreg s31  }
0x12: {  	[dreg:$0xb] =	wrdreg s9;
	s25 =	simm.s32 $0x1E80  }
0x13: {  	s26 =	simm.s32 $0x2680;
	[dreg:$0x1a] =	wrdreg s25  }
0x14: {  	s7 =	sshrl.u32 s29, $0x3;
	s29 =	simm.s32 $0x2E80;
	[dreg:$0x1b] =	wrdreg s26  }
0x15: {  	s30 =	simm.s32 $0x3680;
	[dreg:$0x1c] =	wrdreg s29  }
0x16: {  	s31 =	simm.s32 $0x3E80;
	s6 =	sadd.s32 s6, s7;
	[dreg:$0x1d] =	wrdreg s30  }
0x17: {  	s28 =	simm.s32 $0x4680;
	[dreg:$0x1e] =	wrdreg s31;
	s10 =	sadd.s32 $0x9000, s6  }
0x18: {  	s4 =	sadd.s32 $0x2C00, s0;
	s11 =	sadd.s32 $0xA800, s6;
	[dreg:$0xc] =	wrdreg s10  }
0x19: {  	s3 =	ssub.s32 $0x2, s3;
	s12 =	sadd.s32 $0xC000, s6;
	[dreg:$0xd] =	wrdreg s11  }
0x1a: {  	s23 =	sshrl.u32 s3, $0x1;
	s13 =	sadd.s32 $0xD800, s6;
	[dreg:$0xe] =	wrdreg s12  }
0x1b: {  	s3 =	ssub.s32 s3, s23;
	s14 =	sadd.s32 $0xF000, s6;
	[dreg:$0xf] =	wrdreg s13  }
0x1c: {  	s5 =	sadd.s32 $0x2D00, s0;
	s15 =	sadd.s32 $0x10800, s6;
	[dreg:$0x10] =	wrdreg s14  }
0x1d: {  	s0 =	simm.s32 $0x2;
	s16 =	sadd.s32 $0x12000, s6;
	[dreg:$0x11] =	wrdreg s15  }
0x1e: {  	s8 =	simm.s32 $0x10680;
	s17 =	sadd.s32 $0x13800, s6;
	[dreg:$0x12] =	wrdreg s16  }
0x1f: {  	v2 =	vlaneseq.u32;
	s18 =	sadd.s32 $0x15000, s6;
	s19 =	sadd.s32 $0x16800, s6;
	[dreg:$0x13] =	wrdreg s17  }
0x20: {  	vm0 =	vmmov $0xffff;
	v1 =	vshrl.u32 v2, $0x3;
	s6 =	smax.u32 s3, $0x1;
	s3 =	simm.s32 $0x4;
	[dreg:$0x14] =	wrdreg s18  }
0x21: {  	v0 =	vand.u32 $0x7, v2;
	v2 =	vor.u32 $0x8, v2;
	v1 =	vmul.u32 $0x8, v1;
	[dreg:$0x15] =	wrdreg s19;
	s10 =	simm.s32 $0x3;
	s11 =	simm.s32 $0x5  }
.LBB2_1:
0x22: {  	[smem:$0x7FD] =	sst s6  }
0x23: {  	s12 =	rddreg [dreg:$0x5];
	s1 =	simm.s32 $0x6  }
0x24: {  	[tilespmem:s2], [sflag:$0x6] =	stream.linear.gather [hbm4b:s12+s2], $0x600, $0x38;
	[tilespmem:$0x1C680] =	vst v63  }
0x25: {  	_ =	swait.ge [sflag:s1], $0x600  }
0x26: {  	s25 =	rddreg [dreg:$0x6];
	[sflag:s1] =	ssyncset.done $0x0  }
0x27: {  	s13 =	rddreg [dreg:$0x17];
	[sflag:s1] =	ssyncadd.s32 $0xFFFFFA00  }
0x28: {  	[tilespmem:s13], [sflag:$0x6] =	stream.linear.gather [hbm4b:s25+s2], $0x20, $0x38;
	[tilespmem:$0x1C680] =	vst v63  }
0x29: {  	_ =	swait.ge [sflag:s1], $0x20  }
0x2a: {  	[sflag:s1] =	ssyncset.done $0x0  }
0x2b: {  	[sflag:s1] =	ssyncadd.s32 $0xFFFFFFE0  }
0x2c: {  	v3 =	vld [tilespmem:$0x600];
	_ =	sdelay $0x4  }
0x2d: {  	v4 =	vshll.u32 v3, $0x2  }
0x2e: {  	v3 =	vand.u32 $0x7, v3;
	v4 =	vand.u32 $0xFFFFFFE0, v4  }
0x2f: {  	v3 =	vor.u32 v3, v4  }
0x30: {  	v4 =	vperm.xlane v3, v0;
	_ =	sdelay $0x1  }
0x31: {  	v4 =	vadd.s32 v1, v4;
	_ =	sdelay $0x1  }
0x32: {  	v3 =	vperm.xlane v3, v2;
	_ =	sdelay $0x1  }
0x33: {  	s29 =	simm.s32 $0x680;
	v3 =	vadd.s32 v1, v3  }
0x34: {  	[tilespmem:s29], [sflag:$0x1] =	stream.indirect_vreg.gather [hbm4b:s4+s2], $0x80, v4, vm0, $0xb8;
	[tilespmem:$0x1C680] =	vst v63  }
0x35: {  	s26 =	rddreg [dreg:$0x18]  }
0x36: {  	[tilespmem:s26], [sflag:$0x1] =	stream.indirect_vreg.gather [hbm4b:s5+s2], $0x80, v4, vm0, $0xb8;
	[tilespmem:$0x1C680] =	vst v63  }
0x37: {  	s30 =	rddreg [dreg:$0x19]  }
0x38: {  	[tilespmem:s30], [sflag:$0x1] =	stream.indirect_vreg.gather [hbm4b:s4+s2], $0x80, v3, vm0, $0xb8;
	[tilespmem:$0x1C680] =	vst v63  }
0x39: {  	s31 =	rddreg [dreg:$0x1a]  }
0x3a: {  	[tilespmem:s31], [sflag:$0x1] =	stream.indirect_vreg.gather [hbm4b:s5+s2], $0x80, v3, vm0, $0xb8;
	[tilespmem:$0x1C680] =	vst v63  }
0x3b: {  	v3 =	vld [tilespmem:$0x610];
	_ =	sdelay $0x4  }
0x3c: {  	v23 =	vshll.u32 v3, $0x2  }
0x3d: {  	v3 =	vand.u32 $0x7, v3;
	v4 =	vand.u32 $0xFFFFFFE0, v23  }
0x3e: {  	v3 =	vor.u32 v3, v4  }
0x3f: {  	v4 =	vperm.xlane v3, v0;
	_ =	sdelay $0x1  }
0x40: {  	v4 =	vadd.s32 v1, v4;
	_ =	sdelay $0x1  }
0x41: {  	v3 =	vperm.xlane v3, v2;
	_ =	sdelay $0x1  }
0x42: {  	s1 =	rddreg [dreg:$0x1b];
	v3 =	vadd.s32 v1, v3  }
0x43: {  	[tilespmem:s1], [sflag:$0x1] =	stream.indirect_vreg.gather [hbm4b:s4+s2], $0x80, v4, vm0, $0xb8;
	[tilespmem:$0x1C680] =	vst v63  }
0x44: {  	s6 =	rddreg [dreg:$0x1c]  }
0x45: {  	[tilespmem:s6], [sflag:$0x1] =	stream.indirect_vreg.gather [hbm4b:s5+s2], $0x80, v4, vm0, $0xb8;
	[tilespmem:$0x1C680] =	vst v63  }
0x46: {  	s7 =	rddreg [dreg:$0x1d]  }
0x47: {  	[tilespmem:s7], [sflag:$0x1] =	stream.indirect_vreg.gather [hbm4b:s4+s2], $0x80, v3, vm0, $0xb8;
	[tilespmem:$0x1C680] =	vst v63  }
0x48: {  	s9 =	rddreg [dreg:$0x1e]  }
0x49: {  	[tilespmem:s9], [sflag:$0x1] =	stream.indirect_vreg.gather [hbm4b:s5+s2], $0x80, v3, vm0, $0xb8;
	[tilespmem:$0x1C680] =	vst v63  }
0x4a: {  	v3 =	vld [tilespmem:$0x0];
	_ =	sdelay $0x4  }
0x4b: {  	v24 =	vshll.u32 v3, $0x2  }
0x4c: {  	v3 =	vand.u32 $0x7, v3;
	v4 =	vand.u32 $0xFFFFFFE0, v24  }
0x4d: {  	v3 =	vor.u32 v3, v4  }
0x4e: {  	v4 =	vperm.xlane v3, v0;
	_ =	sdelay $0x1  }
0x4f: {  	v4 =	vadd.s32 v1, v4;
	_ =	sdelay $0x1  }
0x50: {  	v3 =	vperm.xlane v3, v2;
	_ =	sdelay $0x1  }
0x51: {  	v3 =	vadd.s32 v1, v3  }
0x52: {  	[tilespmem:s28], [sflag:$0x2] =	stream.indirect_vreg.gather [hbm4b:s4+s2], $0x80, v4, vm0, $0xb8;
	[tilespmem:$0x1C680] =	vst v63  }
0x53: {  	s14 =	simm.s32 $0x4E80  }
0x54: {  	[tilespmem:s14], [sflag:$0x2] =	stream.indirect_vreg.gather [hbm4b:s5+s2], $0x80, v4, vm0, $0xb8;
	[tilespmem:$0x1C680] =	vst v63  }
0x55: {  	s15 =	simm.s32 $0x5680  }
0x56: {  	[tilespmem:s15], [sflag:$0x2] =	stream.indirect_vreg.gather [hbm4b:s4+s2], $0x80, v3, vm0, $0xb8;
	[tilespmem:$0x1C680] =	vst v63  }
0x57: {  	s16 =	simm.s32 $0x5E80  }
0x58: {  	[tilespmem:s16], [sflag:$0x2] =	stream.indirect_vreg.gather [hbm4b:s5+s2], $0x80, v3, vm0, $0xb8;
	[tilespmem:$0x1C680] =	vst v63  }
0x59: {  	v3 =	vld [tilespmem:$0x10];
	_ =	sdelay $0x4  }
0x5a: {  	v25 =	vshll.u32 v3, $0x2  }
0x5b: {  	v3 =	vand.u32 $0x7, v3;
	v4 =	vand.u32 $0xFFFFFFE0, v25  }
0x5c: {  	v3 =	vor.u32 v3, v4  }
0x5d: {  	v4 =	vperm.xlane v3, v0;
	_ =	sdelay $0x1  }
0x5e: {  	v4 =	vadd.s32 v1, v4;
	_ =	sdelay $0x1  }
0x5f: {  	v3 =	vperm.xlane v3, v2;
	_ =	sdelay $0x1  }
0x60: {  	s17 =	simm.s32 $0x6680;
	v3 =	vadd.s32 v1, v3  }
0x61: {  	[tilespmem:s17], [sflag:$0x2] =	stream.indirect_vreg.gather [hbm4b:s4+s2], $0x80, v4, vm0, $0xb8;
	[tilespmem:$0x1C680] =	vst v63  }
0x62: {  	s18 =	simm.s32 $0x6E80  }
0x63: {  	[tilespmem:s18], [sflag:$0x2] =	stream.indirect_vreg.gather [hbm4b:s5+s2], $0x80, v4, vm0, $0xb8;
	[tilespmem:$0x1C680] =	vst v63  }
0x64: {  	s19 =	simm.s32 $0x7680  }
0x65: {  	[tilespmem:s19], [sflag:$0x2] =	stream.indirect_vreg.gather [hbm4b:s4+s2], $0x80, v3, vm0, $0xb8;
	[tilespmem:$0x1C680] =	vst v63  }
0x66: {  	s20 =	simm.s32 $0x7E80  }
0x67: {  	[tilespmem:s20], [sflag:$0x2] =	stream.indirect_vreg.gather [hbm4b:s5+s2], $0x80, v3, vm0, $0xb8;
	[tilespmem:$0x1C680] =	vst v63  }
0x68: {  	v3 =	vld [tilespmem:$0x20];
	_ =	sdelay $0x4  }
0x69: {  	v26 =	vshll.u32 v3, $0x2  }
0x6a: {  	v3 =	vand.u32 $0x7, v3;
	v4 =	vand.u32 $0xFFFFFFE0, v26  }
0x6b: {  	v3 =	vor.u32 v3, v4  }
0x6c: {  	v4 =	vperm.xlane v3, v0;
	_ =	sdelay $0x1  }
0x6d: {  	v4 =	vadd.s32 v1, v4;
	_ =	sdelay $0x1  }
0x6e: {  	v3 =	vperm.xlane v3, v2;
	_ =	sdelay $0x1  }
0x6f: {  	s21 =	simm.s32 $0x8680;
	v3 =	vadd.s32 v1, v3  }
0x70: {  	[tilespmem:s21], [sflag:$0x2] =	stream.indirect_vreg.gather [hbm4b:s4+s2], $0x80, v4, vm0, $0xb8;
	[tilespmem:$0x1C680] =	vst v63  }
0x71: {  	s22 =	simm.s32 $0x8E80  }
0x72: {  	[tilespmem:s22], [sflag:$0x2] =	stream.indirect_vreg.gather [hbm4b:s5+s2], $0x80, v4, vm0, $0xb8;
	[tilespmem:$0x1C680] =	vst v63  }
0x73: {  	s23 =	simm.s32 $0x9680  }
0x74: {  	[tilespmem:s23], [sflag:$0x2] =	stream.indirect_vreg.gather [hbm4b:s4+s2], $0x80, v3, vm0, $0xb8;
	[tilespmem:$0x1C680] =	vst v63  }
0x75: {  	s24 =	simm.s32 $0x9E80  }
0x76: {  	[tilespmem:s24], [sflag:$0x2] =	stream.indirect_vreg.gather [hbm4b:s5+s2], $0x80, v3, vm0, $0xb8;
	[tilespmem:$0x1C680] =	vst v63  }
0x77: {  	v3 =	vld [tilespmem:$0x30];
	_ =	sdelay $0x4  }
0x78: {  	v27 =	vshll.u32 v3, $0x2  }
0x79: {  	v3 =	vand.u32 $0x7, v3;
	v4 =	vand.u32 $0xFFFFFFE0, v27  }
0x7a: {  	v3 =	vor.u32 v3, v4  }
0x7b: {  	v4 =	vperm.xlane v3, v0;
	_ =	sdelay $0x1  }
0x7c: {  	v4 =	vadd.s32 v1, v4;
	_ =	sdelay $0x1  }
0x7d: {  	v3 =	vperm.xlane v3, v2;
	_ =	sdelay $0x1  }
0x7e: {  	s25 =	simm.s32 $0xA680;
	v3 =	vadd.s32 v1, v3  }
0x7f: {  	[tilespmem:s25], [sflag:$0x2] =	stream.indirect_vreg.gather [hbm4b:s4+s2], $0x80, v4, vm0, $0xb8;
	[tilespmem:$0x1C680] =	vst v63  }
0x80: {  	s26 =	simm.s32 $0xAE80  }
0x81: {  	[tilespmem:s26], [sflag:$0x2] =	stream.indirect_vreg.gather [hbm4b:s5+s2], $0x80, v4, vm0, $0xb8;
	[tilespmem:$0x1C680] =	vst v63  }
0x82: {  	s29 =	simm.s32 $0xB680  }
0x83: {  	[tilespmem:s29], [sflag:$0x2] =	stream.indirect_vreg.gather [hbm4b:s4+s2], $0x80, v3, vm0, $0xb8;
	[tilespmem:$0x1C680] =	vst v63  }
0x84: {  	s30 =	simm.s32 $0xBE80  }
0x85: {  	[tilespmem:s30], [sflag:$0x2] =	stream.indirect_vreg.gather [hbm4b:s5+s2], $0x80, v3, vm0, $0xb8;
	[tilespmem:$0x1C680] =	vst v63  }
0x86: {  	v3 =	vld [tilespmem:$0x40];
	_ =	sdelay $0x4  }
0x87: {  	v28 =	vshll.u32 v3, $0x2  }
0x88: {  	v3 =	vand.u32 $0x7, v3;
	v4 =	vand.u32 $0xFFFFFFE0, v28  }
0x89: {  	v3 =	vor.u32 v3, v4  }
0x8a: {  	v4 =	vperm.xlane v3, v0;
	_ =	sdelay $0x1  }
0x8b: {  	v4 =	vadd.s32 v1, v4;
	_ =	sdelay $0x1  }
0x8c: {  	v3 =	vperm.xlane v3, v2;
	_ =	sdelay $0x1  }
0x8d: {  	s31 =	simm.s32 $0xC680;
	v3 =	vadd.s32 v1, v3  }
0x8e: {  	[tilespmem:s31], [sflag:$0x2] =	stream.indirect_vreg.gather [hbm4b:s4+s2], $0x80, v4, vm0, $0xb8;
	[tilespmem:$0x1C680] =	vst v63  }
0x8f: {  	s6 =	simm.s32 $0xCE80  }
0x90: {  	[tilespmem:s6], [sflag:$0x2] =	stream.indirect_vreg.gather [hbm4b:s5+s2], $0x80, v4, vm0, $0xb8;
	[tilespmem:$0x1C680] =	vst v63  }
0x91: {  	s9 =	simm.s32 $0xD680  }
0x92: {  	[tilespmem:s9], [sflag:$0x2] =	stream.indirect_vreg.gather [hbm4b:s4+s2], $0x80, v3, vm0, $0xb8;
	[tilespmem:$0x1C680] =	vst v63  }
0x93: {  	s12 =	simm.s32 $0xDE80  }
0x94: {  	[tilespmem:s12], [sflag:$0x2] =	stream.indirect_vreg.gather [hbm4b:s5+s2], $0x80, v3, vm0, $0xb8;
	[tilespmem:$0x1C680] =	vst v63  }
0x95: {  	v3 =	vld [tilespmem:$0x50];
	_ =	sdelay $0x4  }
0x96: {  	v29 =	vshll.u32 v3, $0x2  }
0x97: {  	v3 =	vand.u32 $0x7, v3;
	v4 =	vand.u32 $0xFFFFFFE0, v29  }
0x98: {  	v3 =	vor.u32 v3, v4  }
0x99: {  	v4 =	vperm.xlane v3, v0;
	_ =	sdelay $0x1  }
0x9a: {  	v4 =	vadd.s32 v1, v4;
	_ =	sdelay $0x1  }
0x9b: {  	v3 =	vperm.xlane v3, v2;
	_ =	sdelay $0x1  }
0x9c: {  	s13 =	simm.s32 $0xE680;
	v3 =	vadd.s32 v1, v3  }
0x9d: {  	[tilespmem:s13], [sflag:$0x2] =	stream.indirect_vreg.gather [hbm4b:s4+s2], $0x80, v4, vm0, $0xb8;
	[tilespmem:$0x1C680] =	vst v63  }
0x9e: {  	s15 =	simm.s32 $0xEE80  }
0x9f: {  	[tilespmem:s15], [sflag:$0x2] =	stream.indirect_vreg.gather [hbm4b:s5+s2], $0x80, v4, vm0, $0xb8;
	[tilespmem:$0x1C680] =	vst v63  }
0xa0: {  	s16 =	simm.s32 $0xF680  }
0xa1: {  	[tilespmem:s16], [sflag:$0x2] =	stream.indirect_vreg.gather [hbm4b:s4+s2], $0x80, v3, vm0, $0xb8;
	[tilespmem:$0x1C680] =	vst v63  }
0xa2: {  	s17 =	simm.s32 $0xFE80  }
0xa3: {  	[tilespmem:s17], [sflag:$0x2] =	stream.indirect_vreg.gather [hbm4b:s5+s2], $0x80, v3, vm0, $0xb8;
	[tilespmem:$0x1C680] =	vst v63  }
0xa4: {  	v3 =	vld [tilespmem:$0x60];
	_ =	sdelay $0x4  }
0xa5: {  	v30 =	vshll.u32 v3, $0x2  }
0xa6: {  	v3 =	vand.u32 $0x7, v3;
	v4 =	vand.u32 $0xFFFFFFE0, v30  }
0xa7: {  	v3 =	vor.u32 v3, v4  }
0xa8: {  	v4 =	vperm.xlane v3, v0;
	_ =	sdelay $0x1  }
0xa9: {  	v4 =	vadd.s32 v1, v4;
	_ =	sdelay $0x1  }
0xaa: {  	v3 =	vperm.xlane v3, v2;
	_ =	sdelay $0x1  }
0xab: {  	v3 =	vadd.s32 v1, v3  }
0xac: {  	[tilespmem:s8], [sflag:$0x3] =	stream.indirect_vreg.gather [hbm4b:s4+s2], $0x80, v4, vm0, $0xb8;
	[tilespmem:$0x1C680] =	vst v63  }
0xad: {  	s18 =	simm.s32 $0x10E80  }
0xae: {  	[tilespmem:s18], [sflag:$0x3] =	stream.indirect_vreg.gather [hbm4b:s5+s2], $0x80, v4, vm0, $0xb8;
	[tilespmem:$0x1C680] =	vst v63  }
0xaf: {  	s20 =	simm.s32 $0x11680  }
0xb0: {  	[tilespmem:s20], [sflag:$0x3] =	stream.indirect_vreg.gather [hbm4b:s4+s2], $0x80, v3, vm0, $0xb8;
	[tilespmem:$0x1C680] =	vst v63  }
0xb1: {  	s21 =	simm.s32 $0x11E80  }
0xb2: {  	[tilespmem:s21], [sflag:$0x3] =	stream.indirect_vreg.gather [hbm4b:s5+s2], $0x80, v3, vm0, $0xb8;
	[tilespmem:$0x1C680] =	vst v63  }
0xb3: {  	v3 =	vld [tilespmem:$0x70];
	_ =	sdelay $0x4  }
0xb4: {  	v31 =	vshll.u32 v3, $0x2  }
0xb5: {  	v3 =	vand.u32 $0x7, v3;
	v4 =	vand.u32 $0xFFFFFFE0, v31  }
0xb6: {  	v3 =	vor.u32 v3, v4  }
0xb7: {  	v4 =	vperm.xlane v3, v0;
	_ =	sdelay $0x1  }
0xb8: {  	v4 =	vadd.s32 v1, v4;
	_ =	sdelay $0x1  }
0xb9: {  	v3 =	vperm.xlane v3, v2;
	_ =	sdelay $0x1  }
0xba: {  	s23 =	simm.s32 $0x12680;
	v3 =	vadd.s32 v1, v3  }
0xbb: {  	[tilespmem:s23], [sflag:$0x3] =	stream.indirect_vreg.gather [hbm4b:s4+s2], $0x80, v4, vm0, $0xb8;
	[tilespmem:$0x1C680] =	vst v63  }
0xbc: {  	s24 =	simm.s32 $0x12E80  }
0xbd: {  	[tilespmem:s24], [sflag:$0x3] =	stream.indirect_vreg.gather [hbm4b:s5+s2], $0x80, v4, vm0, $0xb8;
	[tilespmem:$0x1C680] =	vst v63  }
0xbe: {  	s26 =	simm.s32 $0x13680  }
0xbf: {  	[tilespmem:s26], [sflag:$0x3] =	stream.indirect_vreg.gather [hbm4b:s4+s2], $0x80, v3, vm0, $0xb8;
	[tilespmem:$0x1C680] =	vst v63  }
0xc0: {  	s29 =	simm.s32 $0x13E80  }
0xc1: {  	[tilespmem:s29], [sflag:$0x3] =	stream.indirect_vreg.gather [hbm4b:s5+s2], $0x80, v3, vm0, $0xb8;
	[tilespmem:$0x1C680] =	vst v63  }
0xc2: {  	v3 =	vld [tilespmem:$0x80];
	_ =	sdelay $0x4  }
0xc3: {  	v32 =	vshll.u32 v3, $0x2  }
0xc4: {  	v3 =	vand.u32 $0x7, v3;
	v4 =	vand.u32 $0xFFFFFFE0, v32  }
0xc5: {  	v3 =	vor.u32 v3, v4  }
0xc6: {  	v4 =	vperm.xlane v3, v0;
	_ =	sdelay $0x1  }
0xc7: {  	v4 =	vadd.s32 v1, v4;
	_ =	sdelay $0x1  }
0xc8: {  	v3 =	vperm.xlane v3, v2;
	_ =	sdelay $0x1  }
0xc9: {  	s30 =	simm.s32 $0x14680;
	v3 =	vadd.s32 v1, v3  }
0xca: {  	[tilespmem:s30], [sflag:$0x3] =	stream.indirect_vreg.gather [hbm4b:s4+s2], $0x80, v4, vm0, $0xb8;
	[tilespmem:$0x1C680] =	vst v63  }
0xcb: {  	s31 =	simm.s32 $0x14E80  }
0xcc: {  	[tilespmem:s31], [sflag:$0x3] =	stream.indirect_vreg.gather [hbm4b:s5+s2], $0x80, v4, vm0, $0xb8;
	[tilespmem:$0x1C680] =	vst v63  }
0xcd: {  	s1 =	simm.s32 $0x15680  }
0xce: {  	[tilespmem:s1], [sflag:$0x3] =	stream.indirect_vreg.gather [hbm4b:s4+s2], $0x80, v3, vm0, $0xb8;
	[tilespmem:$0x1C680] =	vst v63  }
0xcf: {  	s6 =	simm.s32 $0x15E80  }
0xd0: {  	[tilespmem:s6], [sflag:$0x3] =	stream.indirect_vreg.gather [hbm4b:s5+s2], $0x80, v3, vm0, $0xb8;
	[tilespmem:$0x1C680] =	vst v63  }
0xd1: {  	v3 =	vld [tilespmem:$0x90];
	_ =	sdelay $0x4  }
0xd2: {  	v33 =	vshll.u32 v3, $0x2  }
0xd3: {  	v3 =	vand.u32 $0x7, v3;
	v4 =	vand.u32 $0xFFFFFFE0, v33  }
0xd4: {  	v3 =	vor.u32 v3, v4  }
0xd5: {  	v4 =	vperm.xlane v3, v0;
	_ =	sdelay $0x1  }
0xd6: {  	v4 =	vadd.s32 v1, v4;
	_ =	sdelay $0x1  }
0xd7: {  	v3 =	vperm.xlane v3, v2;
	_ =	sdelay $0x1  }
0xd8: {  	s9 =	simm.s32 $0x16680;
	v3 =	vadd.s32 v1, v3  }
0xd9: {  	[tilespmem:s9], [sflag:$0x3] =	stream.indirect_vreg.gather [hbm4b:s4+s2], $0x80, v4, vm0, $0xb8;
	[tilespmem:$0x1C680] =	vst v63  }
0xda: {  	s15 =	simm.s32 $0x16E80  }
0xdb: {  	[tilespmem:s15], [sflag:$0x3] =	stream.indirect_vreg.gather [hbm4b:s5+s2], $0x80, v4, vm0, $0xb8;
	[tilespmem:$0x1C680] =	vst v63  }
0xdc: {  	s16 =	simm.s32 $0x17680  }
0xdd: {  	[tilespmem:s16], [sflag:$0x3] =	stream.indirect_vreg.gather [hbm4b:s4+s2], $0x80, v3, vm0, $0xb8;
	[tilespmem:$0x1C680] =	vst v63  }
0xde: {  	s17 =	simm.s32 $0x17E80  }
0xdf: {  	[tilespmem:s17], [sflag:$0x3] =	stream.indirect_vreg.gather [hbm4b:s5+s2], $0x80, v3, vm0, $0xb8;
	[tilespmem:$0x1C680] =	vst v63  }
0xe0: {  	v3 =	vld [tilespmem:$0xA0];
	_ =	sdelay $0x4  }
0xe1: {  	v34 =	vshll.u32 v3, $0x2  }
0xe2: {  	v3 =	vand.u32 $0x7, v3;
	v4 =	vand.u32 $0xFFFFFFE0, v34  }
0xe3: {  	v3 =	vor.u32 v3, v4  }
0xe4: {  	v4 =	vperm.xlane v3, v0;
	_ =	sdelay $0x1  }
0xe5: {  	v4 =	vadd.s32 v1, v4;
	_ =	sdelay $0x1  }
0xe6: {  	v3 =	vperm.xlane v3, v2;
	_ =	sdelay $0x1  }
0xe7: {  	s18 =	simm.s32 $0x18680;
	v3 =	vadd.s32 v1, v3  }
0xe8: {  	[tilespmem:s18], [sflag:$0x3] =	stream.indirect_vreg.gather [hbm4b:s4+s2], $0x80, v4, vm0, $0xb8;
	[tilespmem:$0x1C680] =	vst v63  }
0xe9: {  	s20 =	simm.s32 $0x18E80  }
0xea: {  	[tilespmem:s20], [sflag:$0x3] =	stream.indirect_vreg.gather [hbm4b:s5+s2], $0x80, v4, vm0, $0xb8;
	[tilespmem:$0x1C680] =	vst v63  }
0xeb: {  	s21 =	simm.s32 $0x19680  }
0xec: {  	[tilespmem:s21], [sflag:$0x3] =	stream.indirect_vreg.gather [hbm4b:s4+s2], $0x80, v3, vm0, $0xb8;
	[tilespmem:$0x1C680] =	vst v63  }
0xed: {  	s23 =	simm.s32 $0x19E80  }
0xee: {  	[tilespmem:s23], [sflag:$0x3] =	stream.indirect_vreg.gather [hbm4b:s5+s2], $0x80, v3, vm0, $0xb8;
	[tilespmem:$0x1C680] =	vst v63  }
0xef: {  	v3 =	vld [tilespmem:$0xB0];
	_ =	sdelay $0x4  }
0xf0: {  	v35 =	vshll.u32 v3, $0x2  }
0xf1: {  	v3 =	vand.u32 $0x7, v3;
	v4 =	vand.u32 $0xFFFFFFE0, v35  }
0xf2: {  	v3 =	vor.u32 v3, v4  }
0xf3: {  	v4 =	vperm.xlane v3, v0;
	_ =	sdelay $0x1  }
0xf4: {  	v4 =	vadd.s32 v1, v4;
	_ =	sdelay $0x1  }
0xf5: {  	v3 =	vperm.xlane v3, v2;
	_ =	sdelay $0x1  }
0xf6: {  	s24 =	simm.s32 $0x1A680;
	v3 =	vadd.s32 v1, v3  }
0xf7: {  	[tilespmem:s24], [sflag:$0x3] =	stream.indirect_vreg.gather [hbm4b:s4+s2], $0x80, v4, vm0, $0xb8;
	[tilespmem:$0x1C680] =	vst v63  }
0xf8: {  	s26 =	simm.s32 $0x1AE80  }
0xf9: {  	[tilespmem:s26], [sflag:$0x3] =	stream.indirect_vreg.gather [hbm4b:s5+s2], $0x80, v4, vm0, $0xb8;
	[tilespmem:$0x1C680] =	vst v63  }
0xfa: {  	s1 =	simm.s32 $0x1B680  }
0xfb: {  	[tilespmem:s1], [sflag:$0x3] =	stream.indirect_vreg.gather [hbm4b:s4+s2], $0x80, v3, vm0, $0xb8;
	[tilespmem:$0x1C680] =	vst v63  }
0xfc: {  	s6 =	simm.s32 $0x1BE80  }
0xfd: {  	[tilespmem:s6], [sflag:$0x3] =	stream.indirect_vreg.gather [hbm4b:s5+s2], $0x80, v3, vm0, $0xb8;
	[tilespmem:$0x1C680] =	vst v63  }
0xfe: {  	_ =	swait.ge [sflag:s0], $0xC000  }
0xff: {  	[sflag:s0] =	ssyncset.done $0x0  }
0x100: {  	s9 =	rddreg [dreg:$0x1f];
	[sflag:s0] =	ssyncadd.s32 $0xFFFF4000  }
0x101: {  	[hbm4b:s9+s2] =	stream.linear.scatter [tilespmem:s28], [sflag:$0x4], $0xC000, $0x38;
	[tilespmem:$0x1C680] =	vst v63  }
0x102: {  	_ =	swait.ge [sflag:s3], $0xC000  }
0x103: {  	[sflag:s3] =	ssyncset.done $0x0  }
0x104: {  	[sflag:s3] =	ssyncadd.s32 $0xFFFF4000  }
0x105: {  	v3 =	vld [tilespmem:$0xC0];
	_ =	sdelay $0x4  }
0x106: {  	v36 =	vshll.u32 v3, $0x2  }
0x107: {  	v3 =	vand.u32 $0x7, v3;
	v4 =	vand.u32 $0xFFFFFFE0, v36  }
0x108: {  	v3 =	vor.u32 v3, v4  }
0x109: {  	v4 =	vperm.xlane v3, v0;
	_ =	sdelay $0x1  }
0x10a: {  	v4 =	vadd.s32 v1, v4;
	_ =	sdelay $0x1  }
0x10b: {  	v3 =	vperm.xlane v3, v2;
	_ =	sdelay $0x1  }
0x10c: {  	v3 =	vadd.s32 v1, v3  }
0x10d: {  	[tilespmem:s28], [sflag:$0x2] =	stream.indirect_vreg.gather [hbm4b:s4+s2], $0x80, v4, vm0, $0xb8;
	[tilespmem:$0x1C680] =	vst v63  }
0x10e: {  	s1 =	simm.s32 $0x4E80  }
0x10f: {  	[tilespmem:s1], [sflag:$0x2] =	stream.indirect_vreg.gather [hbm4b:s5+s2], $0x80, v4, vm0, $0xb8;
	[tilespmem:$0x1C680] =	vst v63  }
0x110: {  	s6 =	simm.s32 $0x5680  }
0x111: {  	[tilespmem:s6], [sflag:$0x2] =	stream.indirect_vreg.gather [hbm4b:s4+s2], $0x80, v3, vm0, $0xb8;
	[tilespmem:$0x1C680] =	vst v63  }
0x112: {  	s7 =	simm.s32 $0x5E80  }
0x113: {  	[tilespmem:s7], [sflag:$0x2] =	stream.indirect_vreg.gather [hbm4b:s5+s2], $0x80, v3, vm0, $0xb8;
	[tilespmem:$0x1C680] =	vst v63  }
0x114: {  	v3 =	vld [tilespmem:$0xD0];
	_ =	sdelay $0x4  }
0x115: {  	v37 =	vshll.u32 v3, $0x2  }
0x116: {  	v3 =	vand.u32 $0x7, v3;
	v4 =	vand.u32 $0xFFFFFFE0, v37  }
0x117: {  	v3 =	vor.u32 v3, v4  }
0x118: {  	v4 =	vperm.xlane v3, v0;
	_ =	sdelay $0x1  }
0x119: {  	v4 =	vadd.s32 v1, v4;
	_ =	sdelay $0x1  }
0x11a: {  	v3 =	vperm.xlane v3, v2;
	_ =	sdelay $0x1  }
0x11b: {  	s7 =	simm.s32 $0x6680;
	v3 =	vadd.s32 v1, v3  }
0x11c: {  	[tilespmem:s7], [sflag:$0x2] =	stream.indirect_vreg.gather [hbm4b:s4+s2], $0x80, v4, vm0, $0xb8;
	[tilespmem:$0x1C680] =	vst v63  }
0x11d: {  	s9 =	simm.s32 $0x6E80  }
0x11e: {  	[tilespmem:s9], [sflag:$0x2] =	stream.indirect_vreg.gather [hbm4b:s5+s2], $0x80, v4, vm0, $0xb8;
	[tilespmem:$0x1C680] =	vst v63  }
0x11f: {  	s15 =	simm.s32 $0x7680  }
0x120: {  	[tilespmem:s15], [sflag:$0x2] =	stream.indirect_vreg.gather [hbm4b:s4+s2], $0x80, v3, vm0, $0xb8;
	[tilespmem:$0x1C680] =	vst v63  }
0x121: {  	s14 =	simm.s32 $0x7E80  }
0x122: {  	[tilespmem:s14], [sflag:$0x2] =	stream.indirect_vreg.gather [hbm4b:s5+s2], $0x80, v3, vm0, $0xb8;
	[tilespmem:$0x1C680] =	vst v63  }
0x123: {  	v3 =	vld [tilespmem:$0xE0];
	_ =	sdelay $0x4  }
0x124: {  	v38 =	vshll.u32 v3, $0x2  }
0x125: {  	v3 =	vand.u32 $0x7, v3;
	v4 =	vand.u32 $0xFFFFFFE0, v38  }
0x126: {  	v3 =	vor.u32 v3, v4  }
0x127: {  	v4 =	vperm.xlane v3, v0;
	_ =	sdelay $0x1  }
0x128: {  	v4 =	vadd.s32 v1, v4;
	_ =	sdelay $0x1  }
0x129: {  	v3 =	vperm.xlane v3, v2;
	_ =	sdelay $0x1  }
0x12a: {  	s16 =	simm.s32 $0x8680;
	v3 =	vadd.s32 v1, v3  }
0x12b: {  	[tilespmem:s16], [sflag:$0x2] =	stream.indirect_vreg.gather [hbm4b:s4+s2], $0x80, v4, vm0, $0xb8;
	[tilespmem:$0x1C680] =	vst v63  }
0x12c: {  	s17 =	simm.s32 $0x8E80  }
0x12d: {  	[tilespmem:s17], [sflag:$0x2] =	stream.indirect_vreg.gather [hbm4b:s5+s2], $0x80, v4, vm0, $0xb8;
	[tilespmem:$0x1C680] =	vst v63  }
0x12e: {  	s18 =	simm.s32 $0x9680  }
0x12f: {  	[tilespmem:s18], [sflag:$0x2] =	stream.indirect_vreg.gather [hbm4b:s4+s2], $0x80, v3, vm0, $0xb8;
	[tilespmem:$0x1C680] =	vst v63  }
0x130: {  	s19 =	simm.s32 $0x9E80  }
0x131: {  	[tilespmem:s19], [sflag:$0x2] =	stream.indirect_vreg.gather [hbm4b:s5+s2], $0x80, v3, vm0, $0xb8;
	[tilespmem:$0x1C680] =	vst v63  }
0x132: {  	v3 =	vld [tilespmem:$0xF0];
	_ =	sdelay $0x4  }
0x133: {  	v39 =	vshll.u32 v3, $0x2  }
0x134: {  	v3 =	vand.u32 $0x7, v3;
	v4 =	vand.u32 $0xFFFFFFE0, v39  }
0x135: {  	v3 =	vor.u32 v3, v4  }
0x136: {  	v4 =	vperm.xlane v3, v0;
	_ =	sdelay $0x1  }
0x137: {  	v4 =	vadd.s32 v1, v4;
	_ =	sdelay $0x1  }
0x138: {  	v3 =	vperm.xlane v3, v2;
	_ =	sdelay $0x1  }
0x139: {  	s19 =	simm.s32 $0xA680;
	v3 =	vadd.s32 v1, v3  }
0x13a: {  	[tilespmem:s19], [sflag:$0x2] =	stream.indirect_vreg.gather [hbm4b:s4+s2], $0x80, v4, vm0, $0xb8;
	[tilespmem:$0x1C680] =	vst v63  }
0x13b: {  	s20 =	simm.s32 $0xAE80  }
0x13c: {  	[tilespmem:s20], [sflag:$0x2] =	stream.indirect_vreg.gather [hbm4b:s5+s2], $0x80, v4, vm0, $0xb8;
	[tilespmem:$0x1C680] =	vst v63  }
0x13d: {  	s21 =	simm.s32 $0xB680  }
0x13e: {  	[tilespmem:s21], [sflag:$0x2] =	stream.indirect_vreg.gather [hbm4b:s4+s2], $0x80, v3, vm0, $0xb8;
	[tilespmem:$0x1C680] =	vst v63  }
0x13f: {  	s22 =	simm.s32 $0xBE80  }
0x140: {  	[tilespmem:s22], [sflag:$0x2] =	stream.indirect_vreg.gather [hbm4b:s5+s2], $0x80, v3, vm0, $0xb8;
	[tilespmem:$0x1C680] =	vst v63  }
0x141: {  	v3 =	vld [tilespmem:$0x100];
	_ =	sdelay $0x4  }
0x142: {  	v40 =	vshll.u32 v3, $0x2  }
0x143: {  	v3 =	vand.u32 $0x7, v3;
	v4 =	vand.u32 $0xFFFFFFE0, v40  }
0x144: {  	v3 =	vor.u32 v3, v4  }
0x145: {  	v4 =	vperm.xlane v3, v0;
	_ =	sdelay $0x1  }
0x146: {  	v4 =	vadd.s32 v1, v4;
	_ =	sdelay $0x1  }
0x147: {  	v3 =	vperm.xlane v3, v2;
	_ =	sdelay $0x1  }
0x148: {  	s22 =	simm.s32 $0xC680;
	v3 =	vadd.s32 v1, v3  }
0x149: {  	[tilespmem:s22], [sflag:$0x2] =	stream.indirect_vreg.gather [hbm4b:s4+s2], $0x80, v4, vm0, $0xb8;
	[tilespmem:$0x1C680] =	vst v63  }
0x14a: {  	s23 =	simm.s32 $0xCE80  }
0x14b: {  	[tilespmem:s23], [sflag:$0x2] =	stream.indirect_vreg.gather [hbm4b:s5+s2], $0x80, v4, vm0, $0xb8;
	[tilespmem:$0x1C680] =	vst v63  }
0x14c: {  	s24 =	simm.s32 $0xD680  }
0x14d: {  	[tilespmem:s24], [sflag:$0x2] =	stream.indirect_vreg.gather [hbm4b:s4+s2], $0x80, v3, vm0, $0xb8;
	[tilespmem:$0x1C680] =	vst v63  }
0x14e: {  	s25 =	simm.s32 $0xDE80  }
0x14f: {  	[tilespmem:s25], [sflag:$0x2] =	stream.indirect_vreg.gather [hbm4b:s5+s2], $0x80, v3, vm0, $0xb8;
	[tilespmem:$0x1C680] =	vst v63  }
0x150: {  	v3 =	vld [tilespmem:$0x110];
	_ =	sdelay $0x4  }
0x151: {  	v41 =	vshll.u32 v3, $0x2  }
0x152: {  	v3 =	vand.u32 $0x7, v3;
	v4 =	vand.u32 $0xFFFFFFE0, v41  }
0x153: {  	v3 =	vor.u32 v3, v4  }
0x154: {  	v4 =	vperm.xlane v3, v0;
	_ =	sdelay $0x1  }
0x155: {  	v4 =	vadd.s32 v1, v4;
	_ =	sdelay $0x1  }
0x156: {  	v3 =	vperm.xlane v3, v2;
	_ =	sdelay $0x1  }
0x157: {  	s25 =	simm.s32 $0xE680;
	v3 =	vadd.s32 v1, v3  }
0x158: {  	[tilespmem:s25], [sflag:$0x2] =	stream.indirect_vreg.gather [hbm4b:s4+s2], $0x80, v4, vm0, $0xb8;
	[tilespmem:$0x1C680] =	vst v63  }
0x159: {  	s26 =	simm.s32 $0xEE80  }
0x15a: {  	[tilespmem:s26], [sflag:$0x2] =	stream.indirect_vreg.gather [hbm4b:s5+s2], $0x80, v4, vm0, $0xb8;
	[tilespmem:$0x1C680] =	vst v63  }
0x15b: {  	s14 =	simm.s32 $0xF680  }
0x15c: {  	[tilespmem:s14], [sflag:$0x2] =	stream.indirect_vreg.gather [hbm4b:s4+s2], $0x80, v3, vm0, $0xb8;
	[tilespmem:$0x1C680] =	vst v63  }
0x15d: {  	s13 =	simm.s32 $0xFE80  }
0x15e: {  	[tilespmem:s13], [sflag:$0x2] =	stream.indirect_vreg.gather [hbm4b:s5+s2], $0x80, v3, vm0, $0xb8;
	[tilespmem:$0x1C680] =	vst v63  }
0x15f: {  	_ =	swait.ge [sflag:s10], $0xC000  }
0x160: {  	[sflag:s10] =	ssyncset.done $0x0  }
0x161: {  	s13 =	rddreg [dreg:$0x7];
	[sflag:s10] =	ssyncadd.s32 $0xFFFF4000  }
0x162: {  	[hbm4b:s13+s2] =	stream.linear.scatter [tilespmem:s8], [sflag:$0x5], $0xC000, $0x38;
	[tilespmem:$0x1C680] =	vst v63  }
0x163: {  	_ =	swait.ge [sflag:s11], $0xC000  }
0x164: {  	[sflag:s11] =	ssyncset.done $0x0  }
0x165: {  	[sflag:s11] =	ssyncadd.s32 $0xFFFF4000  }
0x166: {  	v3 =	vld [tilespmem:$0x120];
	_ =	sdelay $0x4  }
0x167: {  	v42 =	vshll.u32 v3, $0x2  }
0x168: {  	v3 =	vand.u32 $0x7, v3;
	v4 =	vand.u32 $0xFFFFFFE0, v42  }
0x169: {  	v3 =	vor.u32 v3, v4  }
0x16a: {  	v4 =	vperm.xlane v3, v0;
	_ =	sdelay $0x1  }
0x16b: {  	v4 =	vadd.s32 v1, v4;
	_ =	sdelay $0x1  }
0x16c: {  	v3 =	vperm.xlane v3, v2;
	_ =	sdelay $0x1  }
0x16d: {  	v3 =	vadd.s32 v1, v3  }
0x16e: {  	[tilespmem:s8], [sflag:$0x3] =	stream.indirect_vreg.gather [hbm4b:s4+s2], $0x80, v4, vm0, $0xb8;
	[tilespmem:$0x1C680] =	vst v63  }
0x16f: {  	s13 =	simm.s32 $0x10E80  }
0x170: {  	[tilespmem:s13], [sflag:$0x3] =	stream.indirect_vreg.gather [hbm4b:s5+s2], $0x80, v4, vm0, $0xb8;
	[tilespmem:$0x1C680] =	vst v63  }
0x171: {  	s12 =	simm.s32 $0x11680  }
0x172: {  	[tilespmem:s12], [sflag:$0x3] =	stream.indirect_vreg.gather [hbm4b:s4+s2], $0x80, v3, vm0, $0xb8;
	[tilespmem:$0x1C680] =	vst v63  }
0x173: {  	s12 =	simm.s32 $0x11E80  }
0x174: {  	[tilespmem:s12], [sflag:$0x3] =	stream.indirect_vreg.gather [hbm4b:s5+s2], $0x80, v3, vm0, $0xb8;
	[tilespmem:$0x1C680] =	vst v63  }
0x175: {  	v3 =	vld [tilespmem:$0x130];
	_ =	sdelay $0x4  }
0x176: {  	v43 =	vshll.u32 v3, $0x2  }
0x177: {  	v3 =	vand.u32 $0x7, v3;
	v4 =	vand.u32 $0xFFFFFFE0, v43  }
0x178: {  	v3 =	vor.u32 v3, v4  }
0x179: {  	v4 =	vperm.xlane v3, v0;
	_ =	sdelay $0x1  }
0x17a: {  	v4 =	vadd.s32 v1, v4;
	_ =	sdelay $0x1  }
0x17b: {  	v3 =	vperm.xlane v3, v2;
	_ =	sdelay $0x1  }
0x17c: {  	s12 =	simm.s32 $0x12680;
	v3 =	vadd.s32 v1, v3  }
0x17d: {  	[tilespmem:s12], [sflag:$0x3] =	stream.indirect_vreg.gather [hbm4b:s4+s2], $0x80, v4, vm0, $0xb8;
	[tilespmem:$0x1C680] =	vst v63  }
0x17e: {  	s12 =	simm.s32 $0x12E80  }
0x17f: {  	[tilespmem:s12], [sflag:$0x3] =	stream.indirect_vreg.gather [hbm4b:s5+s2], $0x80, v4, vm0, $0xb8;
	[tilespmem:$0x1C680] =	vst v63  }
0x180: {  	s12 =	simm.s32 $0x13680  }
0x181: {  	[tilespmem:s12], [sflag:$0x3] =	stream.indirect_vreg.gather [hbm4b:s4+s2], $0x80, v3, vm0, $0xb8;
	[tilespmem:$0x1C680] =	vst v63  }
0x182: {  	s29 =	simm.s32 $0x13E80  }
0x183: {  	[tilespmem:s29], [sflag:$0x3] =	stream.indirect_vreg.gather [hbm4b:s5+s2], $0x80, v3, vm0, $0xb8;
	[tilespmem:$0x1C680] =	vst v63  }
0x184: {  	v3 =	vld [tilespmem:$0x140];
	_ =	sdelay $0x4  }
0x185: {  	v44 =	vshll.u32 v3, $0x2  }
0x186: {  	v3 =	vand.u32 $0x7, v3;
	v4 =	vand.u32 $0xFFFFFFE0, v44  }
0x187: {  	v3 =	vor.u32 v3, v4  }
0x188: {  	v4 =	vperm.xlane v3, v0;
	_ =	sdelay $0x1  }
0x189: {  	v4 =	vadd.s32 v1, v4;
	_ =	sdelay $0x1  }
0x18a: {  	v3 =	vperm.xlane v3, v2;
	_ =	sdelay $0x1  }
0x18b: {  	s29 =	simm.s32 $0x14680;
	v3 =	vadd.s32 v1, v3  }
0x18c: {  	[tilespmem:s29], [sflag:$0x3] =	stream.indirect_vreg.gather [hbm4b:s4+s2], $0x80, v4, vm0, $0xb8;
	[tilespmem:$0x1C680] =	vst v63  }
0x18d: {  	s12 =	simm.s32 $0x14E80  }
0x18e: {  	[tilespmem:s12], [sflag:$0x3] =	stream.indirect_vreg.gather [hbm4b:s5+s2], $0x80, v4, vm0, $0xb8;
	[tilespmem:$0x1C680] =	vst v63  }
0x18f: {  	s12 =	simm.s32 $0x15680  }
0x190: {  	[tilespmem:s12], [sflag:$0x3] =	stream.indirect_vreg.gather [hbm4b:s4+s2], $0x80, v3, vm0, $0xb8;
	[tilespmem:$0x1C680] =	vst v63  }
0x191: {  	s30 =	simm.s32 $0x15E80  }
0x192: {  	[tilespmem:s30], [sflag:$0x3] =	stream.indirect_vreg.gather [hbm4b:s5+s2], $0x80, v3, vm0, $0xb8;
	[tilespmem:$0x1C680] =	vst v63  }
0x193: {  	v3 =	vld [tilespmem:$0x150];
	_ =	sdelay $0x4  }
0x194: {  	v45 =	vshll.u32 v3, $0x2  }
0x195: {  	v3 =	vand.u32 $0x7, v3;
	v4 =	vand.u32 $0xFFFFFFE0, v45  }
0x196: {  	v3 =	vor.u32 v3, v4  }
0x197: {  	v4 =	vperm.xlane v3, v0;
	_ =	sdelay $0x1  }
0x198: {  	v4 =	vadd.s32 v1, v4;
	_ =	sdelay $0x1  }
0x199: {  	v3 =	vperm.xlane v3, v2;
	_ =	sdelay $0x1  }
0x19a: {  	s30 =	simm.s32 $0x16680;
	v3 =	vadd.s32 v1, v3  }
0x19b: {  	[tilespmem:s30], [sflag:$0x3] =	stream.indirect_vreg.gather [hbm4b:s4+s2], $0x80, v4, vm0, $0xb8;
	[tilespmem:$0x1C680] =	vst v63  }
0x19c: {  	s12 =	simm.s32 $0x16E80  }
0x19d: {  	[tilespmem:s12], [sflag:$0x3] =	stream.indirect_vreg.gather [hbm4b:s5+s2], $0x80, v4, vm0, $0xb8;
	[tilespmem:$0x1C680] =	vst v63  }
0x19e: {  	s12 =	simm.s32 $0x17680  }
0x19f: {  	[tilespmem:s12], [sflag:$0x3] =	stream.indirect_vreg.gather [hbm4b:s4+s2], $0x80, v3, vm0, $0xb8;
	[tilespmem:$0x1C680] =	vst v63  }
0x1a0: {  	s31 =	simm.s32 $0x17E80  }
0x1a1: {  	[tilespmem:s31], [sflag:$0x3] =	stream.indirect_vreg.gather [hbm4b:s5+s2], $0x80, v3, vm0, $0xb8;
	[tilespmem:$0x1C680] =	vst v63  }
0x1a2: {  	v3 =	vld [tilespmem:$0x160];
	_ =	sdelay $0x4  }
0x1a3: {  	v46 =	vshll.u32 v3, $0x2  }
0x1a4: {  	v3 =	vand.u32 $0x7, v3;
	v4 =	vand.u32 $0xFFFFFFE0, v46  }
0x1a5: {  	v3 =	vor.u32 v3, v4  }
0x1a6: {  	v4 =	vperm.xlane v3, v0;
	_ =	sdelay $0x1  }
0x1a7: {  	v4 =	vadd.s32 v1, v4;
	_ =	sdelay $0x1  }
0x1a8: {  	v3 =	vperm.xlane v3, v2;
	_ =	sdelay $0x1  }
0x1a9: {  	s31 =	simm.s32 $0x18680;
	v3 =	vadd.s32 v1, v3  }
0x1aa: {  	[tilespmem:s31], [sflag:$0x3] =	stream.indirect_vreg.gather [hbm4b:s4+s2], $0x80, v4, vm0, $0xb8;
	[tilespmem:$0x1C680] =	vst v63  }
0x1ab: {  	s12 =	simm.s32 $0x18E80  }
0x1ac: {  	[tilespmem:s12], [sflag:$0x3] =	stream.indirect_vreg.gather [hbm4b:s5+s2], $0x80, v4, vm0, $0xb8;
	[tilespmem:$0x1C680] =	vst v63  }
0x1ad: {  	s12 =	simm.s32 $0x19680  }
0x1ae: {  	[tilespmem:s12], [sflag:$0x3] =	stream.indirect_vreg.gather [hbm4b:s4+s2], $0x80, v3, vm0, $0xb8;
	[tilespmem:$0x1C680] =	vst v63  }
0x1af: {  	s12 =	simm.s32 $0x19E80  }
0x1b0: {  	[tilespmem:s12], [sflag:$0x3] =	stream.indirect_vreg.gather [hbm4b:s5+s2], $0x80, v3, vm0, $0xb8;
	[tilespmem:$0x1C680] =	vst v63  }
0x1b1: {  	v3 =	vld [tilespmem:$0x170];
	_ =	sdelay $0x4  }
0x1b2: {  	v47 =	vshll.u32 v3, $0x2  }
0x1b3: {  	v3 =	vand.u32 $0x7, v3;
	v4 =	vand.u32 $0xFFFFFFE0, v47  }
0x1b4: {  	v3 =	vor.u32 v3, v4  }
0x1b5: {  	v4 =	vperm.xlane v3, v0;
	_ =	sdelay $0x1  }
0x1b6: {  	v4 =	vadd.s32 v1, v4;
	_ =	sdelay $0x1  }
0x1b7: {  	v3 =	vperm.xlane v3, v2;
	_ =	sdelay $0x1  }
0x1b8: {  	s12 =	simm.s32 $0x1A680;
	v3 =	vadd.s32 v1, v3  }
0x1b9: {  	[tilespmem:s12], [sflag:$0x3] =	stream.indirect_vreg.gather [hbm4b:s4+s2], $0x80, v4, vm0, $0xb8;
	[tilespmem:$0x1C680] =	vst v63  }
0x1ba: {  	s12 =	simm.s32 $0x1AE80  }
0x1bb: {  	[tilespmem:s12], [sflag:$0x3] =	stream.indirect_vreg.gather [hbm4b:s5+s2], $0x80, v4, vm0, $0xb8;
	[tilespmem:$0x1C680] =	vst v63  }
0x1bc: {  	s12 =	simm.s32 $0x1B680  }
0x1bd: {  	[tilespmem:s12], [sflag:$0x3] =	stream.indirect_vreg.gather [hbm4b:s4+s2], $0x80, v3, vm0, $0xb8;
	[tilespmem:$0x1C680] =	vst v63  }
0x1be: {  	s12 =	simm.s32 $0x1BE80  }
0x1bf: {  	[tilespmem:s12], [sflag:$0x3] =	stream.indirect_vreg.gather [hbm4b:s5+s2], $0x80, v3, vm0, $0xb8;
	[tilespmem:$0x1C680] =	vst v63  }
0x1c0: {  	_ =	swait.ge [sflag:s0], $0xC000  }
0x1c1: {  	[sflag:s0] =	ssyncset.done $0x0  }
0x1c2: {  	s12 =	rddreg [dreg:$0x8];
	[sflag:s0] =	ssyncadd.s32 $0xFFFF4000  }
0x1c3: {  	[hbm4b:s12+s2] =	stream.linear.scatter [tilespmem:s28], [sflag:$0x4], $0xC000, $0x38;
	[tilespmem:$0x1C680] =	vst v63  }
0x1c4: {  	_ =	swait.ge [sflag:s3], $0xC000  }
0x1c5: {  	[sflag:s3] =	ssyncset.done $0x0  }
0x1c6: {  	[sflag:s3] =	ssyncadd.s32 $0xFFFF4000  }
0x1c7: {  	v3 =	vld [tilespmem:$0x180];
	_ =	sdelay $0x4  }
0x1c8: {  	v48 =	vshll.u32 v3, $0x2  }
0x1c9: {  	v3 =	vand.u32 $0x7, v3;
	v4 =	vand.u32 $0xFFFFFFE0, v48  }
0x1ca: {  	v3 =	vor.u32 v3, v4  }
0x1cb: {  	v4 =	vperm.xlane v3, v0;
	_ =	sdelay $0x1  }
0x1cc: {  	v4 =	vadd.s32 v1, v4;
	_ =	sdelay $0x1  }
0x1cd: {  	v3 =	vperm.xlane v3, v2;
	_ =	sdelay $0x1  }
0x1ce: {  	v3 =	vadd.s32 v1, v3  }
0x1cf: {  	[tilespmem:s28], [sflag:$0x2] =	stream.indirect_vreg.gather [hbm4b:s4+s2], $0x80, v4, vm0, $0xb8;
	[tilespmem:$0x1C680] =	vst v63  }
0x1d0: {  	_ = 	snop  }
0x1d1: {  	[tilespmem:s1], [sflag:$0x2] =	stream.indirect_vreg.gather [hbm4b:s5+s2], $0x80, v4, vm0, $0xb8;
	[tilespmem:$0x1C680] =	vst v63  }
0x1d2: {  	_ = 	snop  }
0x1d3: {  	[tilespmem:s6], [sflag:$0x2] =	stream.indirect_vreg.gather [hbm4b:s4+s2], $0x80, v3, vm0, $0xb8;
	[tilespmem:$0x1C680] =	vst v63  }
0x1d4: {  	s12 =	simm.s32 $0x5E80  }
0x1d5: {  	[tilespmem:s12], [sflag:$0x2] =	stream.indirect_vreg.gather [hbm4b:s5+s2], $0x80, v3, vm0, $0xb8;
	[tilespmem:$0x1C680] =	vst v63  }
0x1d6: {  	v3 =	vld [tilespmem:$0x190];
	_ =	sdelay $0x4  }
0x1d7: {  	v49 =	vshll.u32 v3, $0x2  }
0x1d8: {  	v3 =	vand.u32 $0x7, v3;
	v4 =	vand.u32 $0xFFFFFFE0, v49  }
0x1d9: {  	v3 =	vor.u32 v3, v4  }
0x1da: {  	v4 =	vperm.xlane v3, v0;
	_ =	sdelay $0x1  }
0x1db: {  	v4 =	vadd.s32 v1, v4;
	_ =	sdelay $0x1  }
0x1dc: {  	v3 =	vperm.xlane v3, v2;
	_ =	sdelay $0x1  }
0x1dd: {  	v3 =	vadd.s32 v1, v3  }
0x1de: {  	[tilespmem:s7], [sflag:$0x2] =	stream.indirect_vreg.gather [hbm4b:s4+s2], $0x80, v4, vm0, $0xb8;
	[tilespmem:$0x1C680] =	vst v63  }
0x1df: {  	_ = 	snop  }
0x1e0: {  	[tilespmem:s9], [sflag:$0x2] =	stream.indirect_vreg.gather [hbm4b:s5+s2], $0x80, v4, vm0, $0xb8;
	[tilespmem:$0x1C680] =	vst v63  }
0x1e1: {  	_ = 	snop  }
0x1e2: {  	[tilespmem:s15], [sflag:$0x2] =	stream.indirect_vreg.gather [hbm4b:s4+s2], $0x80, v3, vm0, $0xb8;
	[tilespmem:$0x1C680] =	vst v63  }
0x1e3: {  	s12 =	simm.s32 $0x7E80  }
0x1e4: {  	[tilespmem:s12], [sflag:$0x2] =	stream.indirect_vreg.gather [hbm4b:s5+s2], $0x80, v3, vm0, $0xb8;
	[tilespmem:$0x1C680] =	vst v63  }
0x1e5: {  	v3 =	vld [tilespmem:$0x1A0];
	_ =	sdelay $0x4  }
0x1e6: {  	v50 =	vshll.u32 v3, $0x2  }
0x1e7: {  	v3 =	vand.u32 $0x7, v3;
	v4 =	vand.u32 $0xFFFFFFE0, v50  }
0x1e8: {  	v3 =	vor.u32 v3, v4  }
0x1e9: {  	v4 =	vperm.xlane v3, v0;
	_ =	sdelay $0x1  }
0x1ea: {  	v4 =	vadd.s32 v1, v4;
	_ =	sdelay $0x1  }
0x1eb: {  	v3 =	vperm.xlane v3, v2;
	_ =	sdelay $0x1  }
0x1ec: {  	v3 =	vadd.s32 v1, v3  }
0x1ed: {  	[tilespmem:s16], [sflag:$0x2] =	stream.indirect_vreg.gather [hbm4b:s4+s2], $0x80, v4, vm0, $0xb8;
	[tilespmem:$0x1C680] =	vst v63  }
0x1ee: {  	_ = 	snop  }
0x1ef: {  	[tilespmem:s17], [sflag:$0x2] =	stream.indirect_vreg.gather [hbm4b:s5+s2], $0x80, v4, vm0, $0xb8;
	[tilespmem:$0x1C680] =	vst v63  }
0x1f0: {  	_ = 	snop  }
0x1f1: {  	[tilespmem:s18], [sflag:$0x2] =	stream.indirect_vreg.gather [hbm4b:s4+s2], $0x80, v3, vm0, $0xb8;
	[tilespmem:$0x1C680] =	vst v63  }
0x1f2: {  	s12 =	simm.s32 $0x9E80  }
0x1f3: {  	[tilespmem:s12], [sflag:$0x2] =	stream.indirect_vreg.gather [hbm4b:s5+s2], $0x80, v3, vm0, $0xb8;
	[tilespmem:$0x1C680] =	vst v63  }
0x1f4: {  	v3 =	vld [tilespmem:$0x1B0];
	_ =	sdelay $0x4  }
0x1f5: {  	v51 =	vshll.u32 v3, $0x2  }
0x1f6: {  	v3 =	vand.u32 $0x7, v3;
	v4 =	vand.u32 $0xFFFFFFE0, v51  }
0x1f7: {  	v3 =	vor.u32 v3, v4  }
0x1f8: {  	v4 =	vperm.xlane v3, v0;
	_ =	sdelay $0x1  }
0x1f9: {  	v4 =	vadd.s32 v1, v4;
	_ =	sdelay $0x1  }
0x1fa: {  	v3 =	vperm.xlane v3, v2;
	_ =	sdelay $0x1  }
0x1fb: {  	v3 =	vadd.s32 v1, v3  }
0x1fc: {  	[tilespmem:s19], [sflag:$0x2] =	stream.indirect_vreg.gather [hbm4b:s4+s2], $0x80, v4, vm0, $0xb8;
	[tilespmem:$0x1C680] =	vst v63  }
0x1fd: {  	_ = 	snop  }
0x1fe: {  	[tilespmem:s20], [sflag:$0x2] =	stream.indirect_vreg.gather [hbm4b:s5+s2], $0x80, v4, vm0, $0xb8;
	[tilespmem:$0x1C680] =	vst v63  }
0x1ff: {  	_ = 	snop  }
0x200: {  	[tilespmem:s21], [sflag:$0x2] =	stream.indirect_vreg.gather [hbm4b:s4+s2], $0x80, v3, vm0, $0xb8;
	[tilespmem:$0x1C680] =	vst v63  }
0x201: {  	s12 =	simm.s32 $0xBE80  }
0x202: {  	[tilespmem:s12], [sflag:$0x2] =	stream.indirect_vreg.gather [hbm4b:s5+s2], $0x80, v3, vm0, $0xb8;
	[tilespmem:$0x1C680] =	vst v63  }
0x203: {  	v3 =	vld [tilespmem:$0x1C0];
	_ =	sdelay $0x4  }
0x204: {  	v52 =	vshll.u32 v3, $0x2  }
0x205: {  	v3 =	vand.u32 $0x7, v3;
	v4 =	vand.u32 $0xFFFFFFE0, v52  }
0x206: {  	v3 =	vor.u32 v3, v4  }
0x207: {  	v4 =	vperm.xlane v3, v0;
	_ =	sdelay $0x1  }
0x208: {  	v4 =	vadd.s32 v1, v4;
	_ =	sdelay $0x1  }
0x209: {  	v3 =	vperm.xlane v3, v2;
	_ =	sdelay $0x1  }
0x20a: {  	v3 =	vadd.s32 v1, v3  }
0x20b: {  	[tilespmem:s22], [sflag:$0x2] =	stream.indirect_vreg.gather [hbm4b:s4+s2], $0x80, v4, vm0, $0xb8;
	[tilespmem:$0x1C680] =	vst v63  }
0x20c: {  	_ = 	snop  }
0x20d: {  	[tilespmem:s23], [sflag:$0x2] =	stream.indirect_vreg.gather [hbm4b:s5+s2], $0x80, v4, vm0, $0xb8;
	[tilespmem:$0x1C680] =	vst v63  }
0x20e: {  	_ = 	snop  }
0x20f: {  	[tilespmem:s24], [sflag:$0x2] =	stream.indirect_vreg.gather [hbm4b:s4+s2], $0x80, v3, vm0, $0xb8;
	[tilespmem:$0x1C680] =	vst v63  }
0x210: {  	s12 =	simm.s32 $0xDE80  }
0x211: {  	[tilespmem:s12], [sflag:$0x2] =	stream.indirect_vreg.gather [hbm4b:s5+s2], $0x80, v3, vm0, $0xb8;
	[tilespmem:$0x1C680] =	vst v63  }
0x212: {  	v3 =	vld [tilespmem:$0x1D0];
	_ =	sdelay $0x4  }
0x213: {  	v53 =	vshll.u32 v3, $0x2  }
0x214: {  	v3 =	vand.u32 $0x7, v3;
	v4 =	vand.u32 $0xFFFFFFE0, v53  }
0x215: {  	v3 =	vor.u32 v3, v4  }
0x216: {  	v4 =	vperm.xlane v3, v0;
	_ =	sdelay $0x1  }
0x217: {  	v4 =	vadd.s32 v1, v4;
	_ =	sdelay $0x1  }
0x218: {  	v3 =	vperm.xlane v3, v2;
	_ =	sdelay $0x1  }
0x219: {  	v3 =	vadd.s32 v1, v3  }
0x21a: {  	[tilespmem:s25], [sflag:$0x2] =	stream.indirect_vreg.gather [hbm4b:s4+s2], $0x80, v4, vm0, $0xb8;
	[tilespmem:$0x1C680] =	vst v63  }
0x21b: {  	_ = 	snop  }
0x21c: {  	[tilespmem:s26], [sflag:$0x2] =	stream.indirect_vreg.gather [hbm4b:s5+s2], $0x80, v4, vm0, $0xb8;
	[tilespmem:$0x1C680] =	vst v63  }
0x21d: {  	_ = 	snop  }
0x21e: {  	[tilespmem:s14], [sflag:$0x2] =	stream.indirect_vreg.gather [hbm4b:s4+s2], $0x80, v3, vm0, $0xb8;
	[tilespmem:$0x1C680] =	vst v63  }
0x21f: {  	s12 =	simm.s32 $0xFE80  }
0x220: {  	[tilespmem:s12], [sflag:$0x2] =	stream.indirect_vreg.gather [hbm4b:s5+s2], $0x80, v3, vm0, $0xb8;
	[tilespmem:$0x1C680] =	vst v63  }
0x221: {  	_ =	swait.ge [sflag:s10], $0xC000  }
0x222: {  	[sflag:s10] =	ssyncset.done $0x0  }
0x223: {  	s12 =	rddreg [dreg:$0x9];
	[sflag:s10] =	ssyncadd.s32 $0xFFFF4000  }
0x224: {  	[hbm4b:s12+s2] =	stream.linear.scatter [tilespmem:s8], [sflag:$0x5], $0xC000, $0x38;
	[tilespmem:$0x1C680] =	vst v63  }
0x225: {  	_ =	swait.ge [sflag:s11], $0xC000  }
0x226: {  	[sflag:s11] =	ssyncset.done $0x0  }
0x227: {  	[sflag:s11] =	ssyncadd.s32 $0xFFFF4000  }
0x228: {  	v3 =	vld [tilespmem:$0x1E0];
	_ =	sdelay $0x4  }
0x229: {  	v54 =	vshll.u32 v3, $0x2  }
0x22a: {  	v3 =	vand.u32 $0x7, v3;
	v4 =	vand.u32 $0xFFFFFFE0, v54  }
0x22b: {  	v3 =	vor.u32 v3, v4  }
0x22c: {  	v4 =	vperm.xlane v3, v0;
	_ =	sdelay $0x1  }
0x22d: {  	v4 =	vadd.s32 v1, v4;
	_ =	sdelay $0x1  }
0x22e: {  	v3 =	vperm.xlane v3, v2;
	_ =	sdelay $0x1  }
0x22f: {  	v3 =	vadd.s32 v1, v3  }
0x230: {  	[tilespmem:s8], [sflag:$0x3] =	stream.indirect_vreg.gather [hbm4b:s4+s2], $0x80, v4, vm0, $0xb8;
	[tilespmem:$0x1C680] =	vst v63  }
0x231: {  	s13 =	simm.s32 $0x10E80  }
0x232: {  	[tilespmem:s13], [sflag:$0x3] =	stream.indirect_vreg.gather [hbm4b:s5+s2], $0x80, v4, vm0, $0xb8;
	[tilespmem:$0x1C680] =	vst v63  }
0x233: {  	s12 =	simm.s32 $0x11680  }
0x234: {  	[tilespmem:s12], [sflag:$0x3] =	stream.indirect_vreg.gather [hbm4b:s4+s2], $0x80, v3, vm0, $0xb8;
	[tilespmem:$0x1C680] =	vst v63  }
0x235: {  	s12 =	simm.s32 $0x11E80  }
0x236: {  	[tilespmem:s12], [sflag:$0x3] =	stream.indirect_vreg.gather [hbm4b:s5+s2], $0x80, v3, vm0, $0xb8;
	[tilespmem:$0x1C680] =	vst v63  }
0x237: {  	v3 =	vld [tilespmem:$0x1F0];
	_ =	sdelay $0x4  }
0x238: {  	v55 =	vshll.u32 v3, $0x2  }
0x239: {  	v3 =	vand.u32 $0x7, v3;
	v4 =	vand.u32 $0xFFFFFFE0, v55  }
0x23a: {  	v3 =	vor.u32 v3, v4  }
0x23b: {  	v4 =	vperm.xlane v3, v0;
	_ =	sdelay $0x1  }
0x23c: {  	v4 =	vadd.s32 v1, v4;
	_ =	sdelay $0x1  }
0x23d: {  	v3 =	vperm.xlane v3, v2;
	_ =	sdelay $0x1  }
0x23e: {  	s12 =	simm.s32 $0x12680;
	v3 =	vadd.s32 v1, v3  }
0x23f: {  	[tilespmem:s12], [sflag:$0x3] =	stream.indirect_vreg.gather [hbm4b:s4+s2], $0x80, v4, vm0, $0xb8;
	[tilespmem:$0x1C680] =	vst v63  }
0x240: {  	s12 =	simm.s32 $0x12E80  }
0x241: {  	[tilespmem:s12], [sflag:$0x3] =	stream.indirect_vreg.gather [hbm4b:s5+s2], $0x80, v4, vm0, $0xb8;
	[tilespmem:$0x1C680] =	vst v63  }
0x242: {  	s12 =	simm.s32 $0x13680  }
0x243: {  	[tilespmem:s12], [sflag:$0x3] =	stream.indirect_vreg.gather [hbm4b:s4+s2], $0x80, v3, vm0, $0xb8;
	[tilespmem:$0x1C680] =	vst v63  }
0x244: {  	s12 =	simm.s32 $0x13E80  }
0x245: {  	[tilespmem:s12], [sflag:$0x3] =	stream.indirect_vreg.gather [hbm4b:s5+s2], $0x80, v3, vm0, $0xb8;
	[tilespmem:$0x1C680] =	vst v63  }
0x246: {  	v3 =	vld [tilespmem:$0x200];
	_ =	sdelay $0x4  }
0x247: {  	v56 =	vshll.u32 v3, $0x2  }
0x248: {  	v3 =	vand.u32 $0x7, v3;
	v4 =	vand.u32 $0xFFFFFFE0, v56  }
0x249: {  	v3 =	vor.u32 v3, v4  }
0x24a: {  	v4 =	vperm.xlane v3, v0;
	_ =	sdelay $0x1  }
0x24b: {  	v4 =	vadd.s32 v1, v4;
	_ =	sdelay $0x1  }
0x24c: {  	v3 =	vperm.xlane v3, v2;
	_ =	sdelay $0x1  }
0x24d: {  	s29 =	simm.s32 $0x14680;
	v3 =	vadd.s32 v1, v3  }
0x24e: {  	[tilespmem:s29], [sflag:$0x3] =	stream.indirect_vreg.gather [hbm4b:s4+s2], $0x80, v4, vm0, $0xb8;
	[tilespmem:$0x1C680] =	vst v63  }
0x24f: {  	s12 =	simm.s32 $0x14E80  }
0x250: {  	[tilespmem:s12], [sflag:$0x3] =	stream.indirect_vreg.gather [hbm4b:s5+s2], $0x80, v4, vm0, $0xb8;
	[tilespmem:$0x1C680] =	vst v63  }
0x251: {  	s12 =	simm.s32 $0x15680  }
0x252: {  	[tilespmem:s12], [sflag:$0x3] =	stream.indirect_vreg.gather [hbm4b:s4+s2], $0x80, v3, vm0, $0xb8;
	[tilespmem:$0x1C680] =	vst v63  }
0x253: {  	s12 =	simm.s32 $0x15E80  }
0x254: {  	[tilespmem:s12], [sflag:$0x3] =	stream.indirect_vreg.gather [hbm4b:s5+s2], $0x80, v3, vm0, $0xb8;
	[tilespmem:$0x1C680] =	vst v63  }
0x255: {  	v3 =	vld [tilespmem:$0x210];
	_ =	sdelay $0x4  }
0x256: {  	v57 =	vshll.u32 v3, $0x2  }
0x257: {  	v3 =	vand.u32 $0x7, v3;
	v4 =	vand.u32 $0xFFFFFFE0, v57  }
0x258: {  	v3 =	vor.u32 v3, v4  }
0x259: {  	v4 =	vperm.xlane v3, v0;
	_ =	sdelay $0x1  }
0x25a: {  	v4 =	vadd.s32 v1, v4;
	_ =	sdelay $0x1  }
0x25b: {  	v3 =	vperm.xlane v3, v2;
	_ =	sdelay $0x1  }
0x25c: {  	s30 =	simm.s32 $0x16680;
	v3 =	vadd.s32 v1, v3  }
0x25d: {  	[tilespmem:s30], [sflag:$0x3] =	stream.indirect_vreg.gather [hbm4b:s4+s2], $0x80, v4, vm0, $0xb8;
	[tilespmem:$0x1C680] =	vst v63  }
0x25e: {  	s12 =	simm.s32 $0x16E80  }
0x25f: {  	[tilespmem:s12], [sflag:$0x3] =	stream.indirect_vreg.gather [hbm4b:s5+s2], $0x80, v4, vm0, $0xb8;
	[tilespmem:$0x1C680] =	vst v63  }
0x260: {  	s12 =	simm.s32 $0x17680  }
0x261: {  	[tilespmem:s12], [sflag:$0x3] =	stream.indirect_vreg.gather [hbm4b:s4+s2], $0x80, v3, vm0, $0xb8;
	[tilespmem:$0x1C680] =	vst v63  }
0x262: {  	s12 =	simm.s32 $0x17E80  }
0x263: {  	[tilespmem:s12], [sflag:$0x3] =	stream.indirect_vreg.gather [hbm4b:s5+s2], $0x80, v3, vm0, $0xb8;
	[tilespmem:$0x1C680] =	vst v63  }
0x264: {  	v3 =	vld [tilespmem:$0x220];
	_ =	sdelay $0x4  }
0x265: {  	v58 =	vshll.u32 v3, $0x2  }
0x266: {  	v3 =	vand.u32 $0x7, v3;
	v4 =	vand.u32 $0xFFFFFFE0, v58  }
0x267: {  	v3 =	vor.u32 v3, v4  }
0x268: {  	v4 =	vperm.xlane v3, v0;
	_ =	sdelay $0x1  }
0x269: {  	v4 =	vadd.s32 v1, v4;
	_ =	sdelay $0x1  }
0x26a: {  	v3 =	vperm.xlane v3, v2;
	_ =	sdelay $0x1  }
0x26b: {  	s31 =	simm.s32 $0x18680;
	v3 =	vadd.s32 v1, v3  }
0x26c: {  	[tilespmem:s31], [sflag:$0x3] =	stream.indirect_vreg.gather [hbm4b:s4+s2], $0x80, v4, vm0, $0xb8;
	[tilespmem:$0x1C680] =	vst v63  }
0x26d: {  	s12 =	simm.s32 $0x18E80  }
0x26e: {  	[tilespmem:s12], [sflag:$0x3] =	stream.indirect_vreg.gather [hbm4b:s5+s2], $0x80, v4, vm0, $0xb8;
	[tilespmem:$0x1C680] =	vst v63  }
0x26f: {  	s12 =	simm.s32 $0x19680  }
0x270: {  	[tilespmem:s12], [sflag:$0x3] =	stream.indirect_vreg.gather [hbm4b:s4+s2], $0x80, v3, vm0, $0xb8;
	[tilespmem:$0x1C680] =	vst v63  }
0x271: {  	s12 =	simm.s32 $0x19E80  }
0x272: {  	[tilespmem:s12], [sflag:$0x3] =	stream.indirect_vreg.gather [hbm4b:s5+s2], $0x80, v3, vm0, $0xb8;
	[tilespmem:$0x1C680] =	vst v63  }
0x273: {  	v3 =	vld [tilespmem:$0x230];
	_ =	sdelay $0x4  }
0x274: {  	v59 =	vshll.u32 v3, $0x2  }
0x275: {  	v3 =	vand.u32 $0x7, v3;
	v4 =	vand.u32 $0xFFFFFFE0, v59  }
0x276: {  	v3 =	vor.u32 v3, v4  }
0x277: {  	v4 =	vperm.xlane v3, v0;
	_ =	sdelay $0x1  }
0x278: {  	v4 =	vadd.s32 v1, v4;
	_ =	sdelay $0x1  }
0x279: {  	v3 =	vperm.xlane v3, v2;
	_ =	sdelay $0x1  }
0x27a: {  	s12 =	simm.s32 $0x1A680;
	v3 =	vadd.s32 v1, v3  }
0x27b: {  	[tilespmem:s12], [sflag:$0x3] =	stream.indirect_vreg.gather [hbm4b:s4+s2], $0x80, v4, vm0, $0xb8;
	[tilespmem:$0x1C680] =	vst v63  }
0x27c: {  	s12 =	simm.s32 $0x1AE80  }
0x27d: {  	[tilespmem:s12], [sflag:$0x3] =	stream.indirect_vreg.gather [hbm4b:s5+s2], $0x80, v4, vm0, $0xb8;
	[tilespmem:$0x1C680] =	vst v63  }
0x27e: {  	s12 =	simm.s32 $0x1B680  }
0x27f: {  	[tilespmem:s12], [sflag:$0x3] =	stream.indirect_vreg.gather [hbm4b:s4+s2], $0x80, v3, vm0, $0xb8;
	[tilespmem:$0x1C680] =	vst v63  }
0x280: {  	s12 =	simm.s32 $0x1BE80  }
0x281: {  	[tilespmem:s12], [sflag:$0x3] =	stream.indirect_vreg.gather [hbm4b:s5+s2], $0x80, v3, vm0, $0xb8;
	[tilespmem:$0x1C680] =	vst v63  }
0x282: {  	_ =	swait.ge [sflag:s0], $0xC000  }
0x283: {  	[sflag:s0] =	ssyncset.done $0x0  }
0x284: {  	s12 =	rddreg [dreg:$0xa];
	[sflag:s0] =	ssyncadd.s32 $0xFFFF4000  }
0x285: {  	[hbm4b:s12+s2] =	stream.linear.scatter [tilespmem:s28], [sflag:$0x4], $0xC000, $0x38;
	[tilespmem:$0x1C680] =	vst v63  }
0x286: {  	_ =	swait.ge [sflag:s3], $0xC000  }
0x287: {  	[sflag:s3] =	ssyncset.done $0x0  }
0x288: {  	[sflag:s3] =	ssyncadd.s32 $0xFFFF4000  }
0x289: {  	v3 =	vld [tilespmem:$0x240];
	_ =	sdelay $0x4  }
0x28a: {  	v60 =	vshll.u32 v3, $0x2  }
0x28b: {  	v3 =	vand.u32 $0x7, v3;
	v4 =	vand.u32 $0xFFFFFFE0, v60  }
0x28c: {  	v3 =	vor.u32 v3, v4  }
0x28d: {  	v4 =	vperm.xlane v3, v0;
	_ =	sdelay $0x1  }
0x28e: {  	v4 =	vadd.s32 v1, v4;
	_ =	sdelay $0x1  }
0x28f: {  	v3 =	vperm.xlane v3, v2;
	_ =	sdelay $0x1  }
0x290: {  	v3 =	vadd.s32 v1, v3  }
0x291: {  	[tilespmem:s28], [sflag:$0x2] =	stream.indirect_vreg.gather [hbm4b:s4+s2], $0x80, v4, vm0, $0xb8;
	[tilespmem:$0x1C680] =	vst v63  }
0x292: {  	s1 =	simm.s32 $0x4E80  }
0x293: {  	[tilespmem:s1], [sflag:$0x2] =	stream.indirect_vreg.gather [hbm4b:s5+s2], $0x80, v4, vm0, $0xb8;
	[tilespmem:$0x1C680] =	vst v63  }
0x294: {  	s6 =	simm.s32 $0x5680  }
0x295: {  	[tilespmem:s6], [sflag:$0x2] =	stream.indirect_vreg.gather [hbm4b:s4+s2], $0x80, v3, vm0, $0xb8;
	[tilespmem:$0x1C680] =	vst v63  }
0x296: {  	s12 =	simm.s32 $0x5E80  }
0x297: {  	[tilespmem:s12], [sflag:$0x2] =	stream.indirect_vreg.gather [hbm4b:s5+s2], $0x80, v3, vm0, $0xb8;
	[tilespmem:$0x1C680] =	vst v63  }
0x298: {  	v3 =	vld [tilespmem:$0x250];
	_ =	sdelay $0x4  }
0x299: {  	v61 =	vshll.u32 v3, $0x2  }
0x29a: {  	v3 =	vand.u32 $0x7, v3;
	v4 =	vand.u32 $0xFFFFFFE0, v61  }
0x29b: {  	v3 =	vor.u32 v3, v4  }
0x29c: {  	v4 =	vperm.xlane v3, v0;
	_ =	sdelay $0x1  }
0x29d: {  	v4 =	vadd.s32 v1, v4;
	_ =	sdelay $0x1  }
0x29e: {  	v3 =	vperm.xlane v3, v2;
	_ =	sdelay $0x1  }
0x29f: {  	s7 =	simm.s32 $0x6680;
	v3 =	vadd.s32 v1, v3  }
0x2a0: {  	[tilespmem:s7], [sflag:$0x2] =	stream.indirect_vreg.gather [hbm4b:s4+s2], $0x80, v4, vm0, $0xb8;
	[tilespmem:$0x1C680] =	vst v63  }
0x2a1: {  	s9 =	simm.s32 $0x6E80  }
0x2a2: {  	[tilespmem:s9], [sflag:$0x2] =	stream.indirect_vreg.gather [hbm4b:s5+s2], $0x80, v4, vm0, $0xb8;
	[tilespmem:$0x1C680] =	vst v63  }
0x2a3: {  	s15 =	simm.s32 $0x7680  }
0x2a4: {  	[tilespmem:s15], [sflag:$0x2] =	stream.indirect_vreg.gather [hbm4b:s4+s2], $0x80, v3, vm0, $0xb8;
	[tilespmem:$0x1C680] =	vst v63  }
0x2a5: {  	s15 =	simm.s32 $0x7E80  }
0x2a6: {  	[tilespmem:s15], [sflag:$0x2] =	stream.indirect_vreg.gather [hbm4b:s5+s2], $0x80, v3, vm0, $0xb8;
	[tilespmem:$0x1C680] =	vst v63  }
0x2a7: {  	v3 =	vld [tilespmem:$0x260];
	_ =	sdelay $0x4  }
0x2a8: {  	v62 =	vshll.u32 v3, $0x2  }
0x2a9: {  	v3 =	vand.u32 $0x7, v3;
	v4 =	vand.u32 $0xFFFFFFE0, v62  }
0x2aa: {  	v3 =	vor.u32 v3, v4  }
0x2ab: {  	v4 =	vperm.xlane v3, v0;
	_ =	sdelay $0x1  }
0x2ac: {  	v4 =	vadd.s32 v1, v4;
	_ =	sdelay $0x1  }
0x2ad: {  	v3 =	vperm.xlane v3, v2;
	_ =	sdelay $0x1  }
0x2ae: {  	s16 =	simm.s32 $0x8680;
	v3 =	vadd.s32 v1, v3  }
0x2af: {  	[tilespmem:s16], [sflag:$0x2] =	stream.indirect_vreg.gather [hbm4b:s4+s2], $0x80, v4, vm0, $0xb8;
	[tilespmem:$0x1C680] =	vst v63  }
0x2b0: {  	s17 =	simm.s32 $0x8E80  }
0x2b1: {  	[tilespmem:s17], [sflag:$0x2] =	stream.indirect_vreg.gather [hbm4b:s5+s2], $0x80, v4, vm0, $0xb8;
	[tilespmem:$0x1C680] =	vst v63  }
0x2b2: {  	s18 =	simm.s32 $0x9680  }
0x2b3: {  	[tilespmem:s18], [sflag:$0x2] =	stream.indirect_vreg.gather [hbm4b:s4+s2], $0x80, v3, vm0, $0xb8;
	[tilespmem:$0x1C680] =	vst v63  }
0x2b4: {  	s15 =	simm.s32 $0x9E80  }
0x2b5: {  	[tilespmem:s15], [sflag:$0x2] =	stream.indirect_vreg.gather [hbm4b:s5+s2], $0x80, v3, vm0, $0xb8;
	[tilespmem:$0x1C680] =	vst v63  }
0x2b6: {  	v3 =	vld [tilespmem:$0x270];
	_ =	sdelay $0x4  }
0x2b7: {  	v63 =	vshll.u32 v3, $0x2  }
0x2b8: {  	v3 =	vand.u32 $0x7, v3;
	v4 =	vand.u32 $0xFFFFFFE0, v63  }
0x2b9: {  	v3 =	vor.u32 v3, v4  }
0x2ba: {  	v4 =	vperm.xlane v3, v0;
	_ =	sdelay $0x1  }
0x2bb: {  	v4 =	vadd.s32 v1, v4;
	_ =	sdelay $0x1  }
0x2bc: {  	v3 =	vperm.xlane v3, v2;
	_ =	sdelay $0x1  }
0x2bd: {  	s19 =	simm.s32 $0xA680;
	v3 =	vadd.s32 v1, v3  }
0x2be: {  	[tilespmem:s19], [sflag:$0x2] =	stream.indirect_vreg.gather [hbm4b:s4+s2], $0x80, v4, vm0, $0xb8;
	[tilespmem:$0x1C680] =	vst v63  }
0x2bf: {  	s20 =	simm.s32 $0xAE80  }
0x2c0: {  	[tilespmem:s20], [sflag:$0x2] =	stream.indirect_vreg.gather [hbm4b:s5+s2], $0x80, v4, vm0, $0xb8;
	[tilespmem:$0x1C680] =	vst v63  }
0x2c1: {  	s21 =	simm.s32 $0xB680  }
0x2c2: {  	[tilespmem:s21], [sflag:$0x2] =	stream.indirect_vreg.gather [hbm4b:s4+s2], $0x80, v3, vm0, $0xb8;
	[tilespmem:$0x1C680] =	vst v63  }
0x2c3: {  	s15 =	simm.s32 $0xBE80  }
0x2c4: {  	[tilespmem:s15], [sflag:$0x2] =	stream.indirect_vreg.gather [hbm4b:s5+s2], $0x80, v3, vm0, $0xb8;
	[tilespmem:$0x1C680] =	vst v63  }
0x2c5: {  	v3 =	vld [tilespmem:$0x280];
	_ =	sdelay $0x4  }
0x2c6: {  	v8 =	vshll.u32 v3, $0x2  }
0x2c7: {  	v3 =	vand.u32 $0x7, v3;
	v4 =	vand.u32 $0xFFFFFFE0, v8  }
0x2c8: {  	v3 =	vor.u32 v3, v4  }
0x2c9: {  	v4 =	vperm.xlane v3, v0;
	_ =	sdelay $0x1  }
0x2ca: {  	v4 =	vadd.s32 v1, v4;
	_ =	sdelay $0x1  }
0x2cb: {  	v3 =	vperm.xlane v3, v2;
	_ =	sdelay $0x1  }
0x2cc: {  	s22 =	simm.s32 $0xC680;
	v3 =	vadd.s32 v1, v3  }
0x2cd: {  	[tilespmem:s22], [sflag:$0x2] =	stream.indirect_vreg.gather [hbm4b:s4+s2], $0x80, v4, vm0, $0xb8;
	[tilespmem:$0x1C680] =	vst v63  }
0x2ce: {  	s23 =	simm.s32 $0xCE80  }
0x2cf: {  	[tilespmem:s23], [sflag:$0x2] =	stream.indirect_vreg.gather [hbm4b:s5+s2], $0x80, v4, vm0, $0xb8;
	[tilespmem:$0x1C680] =	vst v63  }
0x2d0: {  	s24 =	simm.s32 $0xD680  }
0x2d1: {  	[tilespmem:s24], [sflag:$0x2] =	stream.indirect_vreg.gather [hbm4b:s4+s2], $0x80, v3, vm0, $0xb8;
	[tilespmem:$0x1C680] =	vst v63  }
0x2d2: {  	s15 =	simm.s32 $0xDE80  }
0x2d3: {  	[tilespmem:s15], [sflag:$0x2] =	stream.indirect_vreg.gather [hbm4b:s5+s2], $0x80, v3, vm0, $0xb8;
	[tilespmem:$0x1C680] =	vst v63  }
0x2d4: {  	v3 =	vld [tilespmem:$0x290];
	_ =	sdelay $0x4  }
0x2d5: {  	v9 =	vshll.u32 v3, $0x2  }
0x2d6: {  	v3 =	vand.u32 $0x7, v3;
	v4 =	vand.u32 $0xFFFFFFE0, v9  }
0x2d7: {  	v3 =	vor.u32 v3, v4  }
0x2d8: {  	v4 =	vperm.xlane v3, v0;
	_ =	sdelay $0x1  }
0x2d9: {  	v4 =	vadd.s32 v1, v4;
	_ =	sdelay $0x1  }
0x2da: {  	v3 =	vperm.xlane v3, v2;
	_ =	sdelay $0x1  }
0x2db: {  	s25 =	simm.s32 $0xE680;
	v3 =	vadd.s32 v1, v3  }
0x2dc: {  	[tilespmem:s25], [sflag:$0x2] =	stream.indirect_vreg.gather [hbm4b:s4+s2], $0x80, v4, vm0, $0xb8;
	[tilespmem:$0x1C680] =	vst v63  }
0x2dd: {  	s26 =	simm.s32 $0xEE80  }
0x2de: {  	[tilespmem:s26], [sflag:$0x2] =	stream.indirect_vreg.gather [hbm4b:s5+s2], $0x80, v4, vm0, $0xb8;
	[tilespmem:$0x1C680] =	vst v63  }
0x2df: {  	s14 =	simm.s32 $0xF680  }
0x2e0: {  	[tilespmem:s14], [sflag:$0x2] =	stream.indirect_vreg.gather [hbm4b:s4+s2], $0x80, v3, vm0, $0xb8;
	[tilespmem:$0x1C680] =	vst v63  }
0x2e1: {  	s15 =	simm.s32 $0xFE80  }
0x2e2: {  	[tilespmem:s15], [sflag:$0x2] =	stream.indirect_vreg.gather [hbm4b:s5+s2], $0x80, v3, vm0, $0xb8;
	[tilespmem:$0x1C680] =	vst v63  }
0x2e3: {  	_ =	swait.ge [sflag:s10], $0xC000  }
0x2e4: {  	[sflag:s10] =	ssyncset.done $0x0  }
0x2e5: {  	s15 =	rddreg [dreg:$0xb];
	[sflag:s10] =	ssyncadd.s32 $0xFFFF4000  }
0x2e6: {  	[hbm4b:s15+s2] =	stream.linear.scatter [tilespmem:s8], [sflag:$0x5], $0xC000, $0x38;
	[tilespmem:$0x1C680] =	vst v63  }
0x2e7: {  	_ =	swait.ge [sflag:s11], $0xC000  }
0x2e8: {  	[sflag:s11] =	ssyncset.done $0x0  }
0x2e9: {  	[sflag:s11] =	ssyncadd.s32 $0xFFFF4000  }
0x2ea: {  	v3 =	vld [tilespmem:$0x2A0];
	_ =	sdelay $0x4  }
0x2eb: {  	v10 =	vshll.u32 v3, $0x2  }
0x2ec: {  	v3 =	vand.u32 $0x7, v3;
	v4 =	vand.u32 $0xFFFFFFE0, v10  }
0x2ed: {  	v3 =	vor.u32 v3, v4  }
0x2ee: {  	v4 =	vperm.xlane v3, v0;
	_ =	sdelay $0x1  }
0x2ef: {  	v4 =	vadd.s32 v1, v4;
	_ =	sdelay $0x1  }
0x2f0: {  	v3 =	vperm.xlane v3, v2;
	_ =	sdelay $0x1  }
0x2f1: {  	v3 =	vadd.s32 v1, v3  }
0x2f2: {  	[tilespmem:s8], [sflag:$0x3] =	stream.indirect_vreg.gather [hbm4b:s4+s2], $0x80, v4, vm0, $0xb8;
	[tilespmem:$0x1C680] =	vst v63  }
0x2f3: {  	s13 =	simm.s32 $0x10E80  }
0x2f4: {  	[tilespmem:s13], [sflag:$0x3] =	stream.indirect_vreg.gather [hbm4b:s5+s2], $0x80, v4, vm0, $0xb8;
	[tilespmem:$0x1C680] =	vst v63  }
0x2f5: {  	s15 =	simm.s32 $0x11680  }
0x2f6: {  	[tilespmem:s15], [sflag:$0x3] =	stream.indirect_vreg.gather [hbm4b:s4+s2], $0x80, v3, vm0, $0xb8;
	[tilespmem:$0x1C680] =	vst v63  }
0x2f7: {  	s12 =	simm.s32 $0x11E80  }
0x2f8: {  	[tilespmem:s12], [sflag:$0x3] =	stream.indirect_vreg.gather [hbm4b:s5+s2], $0x80, v3, vm0, $0xb8;
	[tilespmem:$0x1C680] =	vst v63  }
0x2f9: {  	v3 =	vld [tilespmem:$0x2B0];
	_ =	sdelay $0x4  }
0x2fa: {  	v11 =	vshll.u32 v3, $0x2  }
0x2fb: {  	v3 =	vand.u32 $0x7, v3;
	v4 =	vand.u32 $0xFFFFFFE0, v11  }
0x2fc: {  	v3 =	vor.u32 v3, v4  }
0x2fd: {  	v4 =	vperm.xlane v3, v0;
	_ =	sdelay $0x1  }
0x2fe: {  	v4 =	vadd.s32 v1, v4;
	_ =	sdelay $0x1  }
0x2ff: {  	v3 =	vperm.xlane v3, v2;
	_ =	sdelay $0x1  }
0x300: {  	s12 =	simm.s32 $0x12680;
	v3 =	vadd.s32 v1, v3  }
0x301: {  	[tilespmem:s12], [sflag:$0x3] =	stream.indirect_vreg.gather [hbm4b:s4+s2], $0x80, v4, vm0, $0xb8;
	[tilespmem:$0x1C680] =	vst v63  }
0x302: {  	s12 =	simm.s32 $0x12E80  }
0x303: {  	[tilespmem:s12], [sflag:$0x3] =	stream.indirect_vreg.gather [hbm4b:s5+s2], $0x80, v4, vm0, $0xb8;
	[tilespmem:$0x1C680] =	vst v63  }
0x304: {  	s12 =	simm.s32 $0x13680  }
0x305: {  	[tilespmem:s12], [sflag:$0x3] =	stream.indirect_vreg.gather [hbm4b:s4+s2], $0x80, v3, vm0, $0xb8;
	[tilespmem:$0x1C680] =	vst v63  }
0x306: {  	s12 =	simm.s32 $0x13E80  }
0x307: {  	[tilespmem:s12], [sflag:$0x3] =	stream.indirect_vreg.gather [hbm4b:s5+s2], $0x80, v3, vm0, $0xb8;
	[tilespmem:$0x1C680] =	vst v63  }
0x308: {  	v3 =	vld [tilespmem:$0x2C0];
	_ =	sdelay $0x4  }
0x309: {  	v12 =	vshll.u32 v3, $0x2  }
0x30a: {  	v3 =	vand.u32 $0x7, v3;
	v4 =	vand.u32 $0xFFFFFFE0, v12  }
0x30b: {  	v3 =	vor.u32 v3, v4  }
0x30c: {  	v4 =	vperm.xlane v3, v0;
	_ =	sdelay $0x1  }
0x30d: {  	v4 =	vadd.s32 v1, v4;
	_ =	sdelay $0x1  }
0x30e: {  	v3 =	vperm.xlane v3, v2;
	_ =	sdelay $0x1  }
0x30f: {  	s29 =	simm.s32 $0x14680;
	v3 =	vadd.s32 v1, v3  }
0x310: {  	[tilespmem:s29], [sflag:$0x3] =	stream.indirect_vreg.gather [hbm4b:s4+s2], $0x80, v4, vm0, $0xb8;
	[tilespmem:$0x1C680] =	vst v63  }
0x311: {  	s12 =	simm.s32 $0x14E80  }
0x312: {  	[tilespmem:s12], [sflag:$0x3] =	stream.indirect_vreg.gather [hbm4b:s5+s2], $0x80, v4, vm0, $0xb8;
	[tilespmem:$0x1C680] =	vst v63  }
0x313: {  	s12 =	simm.s32 $0x15680  }
0x314: {  	[tilespmem:s12], [sflag:$0x3] =	stream.indirect_vreg.gather [hbm4b:s4+s2], $0x80, v3, vm0, $0xb8;
	[tilespmem:$0x1C680] =	vst v63  }
0x315: {  	s12 =	simm.s32 $0x15E80  }
0x316: {  	[tilespmem:s12], [sflag:$0x3] =	stream.indirect_vreg.gather [hbm4b:s5+s2], $0x80, v3, vm0, $0xb8;
	[tilespmem:$0x1C680] =	vst v63  }
0x317: {  	v3 =	vld [tilespmem:$0x2D0];
	_ =	sdelay $0x4  }
0x318: {  	v13 =	vshll.u32 v3, $0x2  }
0x319: {  	v3 =	vand.u32 $0x7, v3;
	v4 =	vand.u32 $0xFFFFFFE0, v13  }
0x31a: {  	v3 =	vor.u32 v3, v4  }
0x31b: {  	v4 =	vperm.xlane v3, v0;
	_ =	sdelay $0x1  }
0x31c: {  	v4 =	vadd.s32 v1, v4;
	_ =	sdelay $0x1  }
0x31d: {  	v3 =	vperm.xlane v3, v2;
	_ =	sdelay $0x1  }
0x31e: {  	s30 =	simm.s32 $0x16680;
	v3 =	vadd.s32 v1, v3  }
0x31f: {  	[tilespmem:s30], [sflag:$0x3] =	stream.indirect_vreg.gather [hbm4b:s4+s2], $0x80, v4, vm0, $0xb8;
	[tilespmem:$0x1C680] =	vst v63  }
0x320: {  	s12 =	simm.s32 $0x16E80  }
0x321: {  	[tilespmem:s12], [sflag:$0x3] =	stream.indirect_vreg.gather [hbm4b:s5+s2], $0x80, v4, vm0, $0xb8;
	[tilespmem:$0x1C680] =	vst v63  }
0x322: {  	s12 =	simm.s32 $0x17680  }
0x323: {  	[tilespmem:s12], [sflag:$0x3] =	stream.indirect_vreg.gather [hbm4b:s4+s2], $0x80, v3, vm0, $0xb8;
	[tilespmem:$0x1C680] =	vst v63  }
0x324: {  	s12 =	simm.s32 $0x17E80  }
0x325: {  	[tilespmem:s12], [sflag:$0x3] =	stream.indirect_vreg.gather [hbm4b:s5+s2], $0x80, v3, vm0, $0xb8;
	[tilespmem:$0x1C680] =	vst v63  }
0x326: {  	v3 =	vld [tilespmem:$0x2E0];
	_ =	sdelay $0x4  }
0x327: {  	v14 =	vshll.u32 v3, $0x2  }
0x328: {  	v3 =	vand.u32 $0x7, v3;
	v4 =	vand.u32 $0xFFFFFFE0, v14  }
0x329: {  	v3 =	vor.u32 v3, v4  }
0x32a: {  	v4 =	vperm.xlane v3, v0;
	_ =	sdelay $0x1  }
0x32b: {  	v4 =	vadd.s32 v1, v4;
	_ =	sdelay $0x1  }
0x32c: {  	v3 =	vperm.xlane v3, v2;
	_ =	sdelay $0x1  }
0x32d: {  	s31 =	simm.s32 $0x18680;
	v3 =	vadd.s32 v1, v3  }
0x32e: {  	[tilespmem:s31], [sflag:$0x3] =	stream.indirect_vreg.gather [hbm4b:s4+s2], $0x80, v4, vm0, $0xb8;
	[tilespmem:$0x1C680] =	vst v63  }
0x32f: {  	s12 =	simm.s32 $0x18E80  }
0x330: {  	[tilespmem:s12], [sflag:$0x3] =	stream.indirect_vreg.gather [hbm4b:s5+s2], $0x80, v4, vm0, $0xb8;
	[tilespmem:$0x1C680] =	vst v63  }
0x331: {  	s12 =	simm.s32 $0x19680  }
0x332: {  	[tilespmem:s12], [sflag:$0x3] =	stream.indirect_vreg.gather [hbm4b:s4+s2], $0x80, v3, vm0, $0xb8;
	[tilespmem:$0x1C680] =	vst v63  }
0x333: {  	s12 =	simm.s32 $0x19E80  }
0x334: {  	[tilespmem:s12], [sflag:$0x3] =	stream.indirect_vreg.gather [hbm4b:s5+s2], $0x80, v3, vm0, $0xb8;
	[tilespmem:$0x1C680] =	vst v63  }
0x335: {  	v3 =	vld [tilespmem:$0x2F0];
	_ =	sdelay $0x4  }
0x336: {  	v15 =	vshll.u32 v3, $0x2  }
0x337: {  	v3 =	vand.u32 $0x7, v3;
	v4 =	vand.u32 $0xFFFFFFE0, v15  }
0x338: {  	v3 =	vor.u32 v3, v4  }
0x339: {  	v4 =	vperm.xlane v3, v0;
	_ =	sdelay $0x1  }
0x33a: {  	v4 =	vadd.s32 v1, v4;
	_ =	sdelay $0x1  }
0x33b: {  	v3 =	vperm.xlane v3, v2;
	_ =	sdelay $0x1  }
0x33c: {  	s12 =	simm.s32 $0x1A680;
	v3 =	vadd.s32 v1, v3  }
0x33d: {  	[tilespmem:s12], [sflag:$0x3] =	stream.indirect_vreg.gather [hbm4b:s4+s2], $0x80, v4, vm0, $0xb8;
	[tilespmem:$0x1C680] =	vst v63  }
0x33e: {  	s12 =	simm.s32 $0x1AE80  }
0x33f: {  	[tilespmem:s12], [sflag:$0x3] =	stream.indirect_vreg.gather [hbm4b:s5+s2], $0x80, v4, vm0, $0xb8;
	[tilespmem:$0x1C680] =	vst v63  }
0x340: {  	s12 =	simm.s32 $0x1B680  }
0x341: {  	[tilespmem:s12], [sflag:$0x3] =	stream.indirect_vreg.gather [hbm4b:s4+s2], $0x80, v3, vm0, $0xb8;
	[tilespmem:$0x1C680] =	vst v63  }
0x342: {  	s12 =	simm.s32 $0x1BE80  }
0x343: {  	[tilespmem:s12], [sflag:$0x3] =	stream.indirect_vreg.gather [hbm4b:s5+s2], $0x80, v3, vm0, $0xb8;
	[tilespmem:$0x1C680] =	vst v63  }
0x344: {  	_ =	swait.ge [sflag:s0], $0xC000  }
0x345: {  	[sflag:s0] =	ssyncset.done $0x0  }
0x346: {  	s12 =	rddreg [dreg:$0xc];
	[sflag:s0] =	ssyncadd.s32 $0xFFFF4000  }
0x347: {  	[hbm4b:s12+s2] =	stream.linear.scatter [tilespmem:s28], [sflag:$0x4], $0xC000, $0x38;
	[tilespmem:$0x1C680] =	vst v63  }
0x348: {  	_ =	swait.ge [sflag:s3], $0xC000  }
0x349: {  	[sflag:s3] =	ssyncset.done $0x0  }
0x34a: {  	[sflag:s3] =	ssyncadd.s32 $0xFFFF4000  }
0x34b: {  	v3 =	vld [tilespmem:$0x300];
	_ =	sdelay $0x4  }
0x34c: {  	v16 =	vshll.u32 v3, $0x2  }
0x34d: {  	v3 =	vand.u32 $0x7, v3;
	v4 =	vand.u32 $0xFFFFFFE0, v16  }
0x34e: {  	v3 =	vor.u32 v3, v4  }
0x34f: {  	v4 =	vperm.xlane v3, v0;
	_ =	sdelay $0x1  }
0x350: {  	v4 =	vadd.s32 v1, v4;
	_ =	sdelay $0x1  }
0x351: {  	v3 =	vperm.xlane v3, v2;
	_ =	sdelay $0x1  }
0x352: {  	v3 =	vadd.s32 v1, v3  }
0x353: {  	[tilespmem:s28], [sflag:$0x2] =	stream.indirect_vreg.gather [hbm4b:s4+s2], $0x80, v4, vm0, $0xb8;
	[tilespmem:$0x1C680] =	vst v63  }
0x354: {  	s12 =	simm.s32 $0x4E80  }
0x355: {  	[tilespmem:s12], [sflag:$0x2] =	stream.indirect_vreg.gather [hbm4b:s5+s2], $0x80, v4, vm0, $0xb8;
	[tilespmem:$0x1C680] =	vst v63  }
0x356: {  	s6 =	simm.s32 $0x5680  }
0x357: {  	[tilespmem:s6], [sflag:$0x2] =	stream.indirect_vreg.gather [hbm4b:s4+s2], $0x80, v3, vm0, $0xb8;
	[tilespmem:$0x1C680] =	vst v63  }
0x358: {  	s12 =	simm.s32 $0x5E80  }
0x359: {  	[tilespmem:s12], [sflag:$0x2] =	stream.indirect_vreg.gather [hbm4b:s5+s2], $0x80, v3, vm0, $0xb8;
	[tilespmem:$0x1C680] =	vst v63  }
0x35a: {  	v3 =	vld [tilespmem:$0x310];
	_ =	sdelay $0x4  }
0x35b: {  	v17 =	vshll.u32 v3, $0x2  }
0x35c: {  	v3 =	vand.u32 $0x7, v3;
	v4 =	vand.u32 $0xFFFFFFE0, v17  }
0x35d: {  	v3 =	vor.u32 v3, v4  }
0x35e: {  	v4 =	vperm.xlane v3, v0;
	_ =	sdelay $0x1  }
0x35f: {  	v4 =	vadd.s32 v1, v4;
	_ =	sdelay $0x1  }
0x360: {  	v3 =	vperm.xlane v3, v2;
	_ =	sdelay $0x1  }
0x361: {  	s7 =	simm.s32 $0x6680;
	v3 =	vadd.s32 v1, v3  }
0x362: {  	[tilespmem:s7], [sflag:$0x2] =	stream.indirect_vreg.gather [hbm4b:s4+s2], $0x80, v4, vm0, $0xb8;
	[tilespmem:$0x1C680] =	vst v63  }
0x363: {  	s9 =	simm.s32 $0x6E80  }
0x364: {  	[tilespmem:s9], [sflag:$0x2] =	stream.indirect_vreg.gather [hbm4b:s5+s2], $0x80, v4, vm0, $0xb8;
	[tilespmem:$0x1C680] =	vst v63  }
0x365: {  	s1 =	simm.s32 $0x7680  }
0x366: {  	[tilespmem:s1], [sflag:$0x2] =	stream.indirect_vreg.gather [hbm4b:s4+s2], $0x80, v3, vm0, $0xb8;
	[tilespmem:$0x1C680] =	vst v63  }
0x367: {  	s12 =	simm.s32 $0x7E80  }
0x368: {  	[tilespmem:s12], [sflag:$0x2] =	stream.indirect_vreg.gather [hbm4b:s5+s2], $0x80, v3, vm0, $0xb8;
	[tilespmem:$0x1C680] =	vst v63  }
0x369: {  	v3 =	vld [tilespmem:$0x320];
	_ =	sdelay $0x4  }
0x36a: {  	v18 =	vshll.u32 v3, $0x2  }
0x36b: {  	v3 =	vand.u32 $0x7, v3;
	v4 =	vand.u32 $0xFFFFFFE0, v18  }
0x36c: {  	v3 =	vor.u32 v3, v4  }
0x36d: {  	v4 =	vperm.xlane v3, v0;
	_ =	sdelay $0x1  }
0x36e: {  	v4 =	vadd.s32 v1, v4;
	_ =	sdelay $0x1  }
0x36f: {  	v3 =	vperm.xlane v3, v2;
	_ =	sdelay $0x1  }
0x370: {  	s16 =	simm.s32 $0x8680;
	v3 =	vadd.s32 v1, v3  }
0x371: {  	[tilespmem:s16], [sflag:$0x2] =	stream.indirect_vreg.gather [hbm4b:s4+s2], $0x80, v4, vm0, $0xb8;
	[tilespmem:$0x1C680] =	vst v63  }
0x372: {  	s17 =	simm.s32 $0x8E80  }
0x373: {  	[tilespmem:s17], [sflag:$0x2] =	stream.indirect_vreg.gather [hbm4b:s5+s2], $0x80, v4, vm0, $0xb8;
	[tilespmem:$0x1C680] =	vst v63  }
0x374: {  	s18 =	simm.s32 $0x9680  }
0x375: {  	[tilespmem:s18], [sflag:$0x2] =	stream.indirect_vreg.gather [hbm4b:s4+s2], $0x80, v3, vm0, $0xb8;
	[tilespmem:$0x1C680] =	vst v63  }
0x376: {  	s16 =	simm.s32 $0x9E80  }
0x377: {  	[tilespmem:s16], [sflag:$0x2] =	stream.indirect_vreg.gather [hbm4b:s5+s2], $0x80, v3, vm0, $0xb8;
	[tilespmem:$0x1C680] =	vst v63  }
0x378: {  	v3 =	vld [tilespmem:$0x330];
	_ =	sdelay $0x4  }
0x379: {  	v19 =	vshll.u32 v3, $0x2  }
0x37a: {  	v3 =	vand.u32 $0x7, v3;
	v4 =	vand.u32 $0xFFFFFFE0, v19  }
0x37b: {  	v3 =	vor.u32 v3, v4  }
0x37c: {  	v4 =	vperm.xlane v3, v0;
	_ =	sdelay $0x1  }
0x37d: {  	v4 =	vadd.s32 v1, v4;
	_ =	sdelay $0x1  }
0x37e: {  	v3 =	vperm.xlane v3, v2;
	_ =	sdelay $0x1  }
0x37f: {  	s19 =	simm.s32 $0xA680;
	v3 =	vadd.s32 v1, v3  }
0x380: {  	[tilespmem:s19], [sflag:$0x2] =	stream.indirect_vreg.gather [hbm4b:s4+s2], $0x80, v4, vm0, $0xb8;
	[tilespmem:$0x1C680] =	vst v63  }
0x381: {  	s20 =	simm.s32 $0xAE80  }
0x382: {  	[tilespmem:s20], [sflag:$0x2] =	stream.indirect_vreg.gather [hbm4b:s5+s2], $0x80, v4, vm0, $0xb8;
	[tilespmem:$0x1C680] =	vst v63  }
0x383: {  	s21 =	simm.s32 $0xB680  }
0x384: {  	[tilespmem:s21], [sflag:$0x2] =	stream.indirect_vreg.gather [hbm4b:s4+s2], $0x80, v3, vm0, $0xb8;
	[tilespmem:$0x1C680] =	vst v63  }
0x385: {  	s12 =	simm.s32 $0xBE80  }
0x386: {  	[tilespmem:s12], [sflag:$0x2] =	stream.indirect_vreg.gather [hbm4b:s5+s2], $0x80, v3, vm0, $0xb8;
	[tilespmem:$0x1C680] =	vst v63  }
0x387: {  	v3 =	vld [tilespmem:$0x340];
	_ =	sdelay $0x4  }
0x388: {  	v20 =	vshll.u32 v3, $0x2  }
0x389: {  	v3 =	vand.u32 $0x7, v3;
	v4 =	vand.u32 $0xFFFFFFE0, v20  }
0x38a: {  	v3 =	vor.u32 v3, v4  }
0x38b: {  	v4 =	vperm.xlane v3, v0;
	_ =	sdelay $0x1  }
0x38c: {  	v4 =	vadd.s32 v1, v4;
	_ =	sdelay $0x1  }
0x38d: {  	v3 =	vperm.xlane v3, v2;
	_ =	sdelay $0x1  }
0x38e: {  	s22 =	simm.s32 $0xC680;
	v3 =	vadd.s32 v1, v3  }
0x38f: {  	[tilespmem:s22], [sflag:$0x2] =	stream.indirect_vreg.gather [hbm4b:s4+s2], $0x80, v4, vm0, $0xb8;
	[tilespmem:$0x1C680] =	vst v63  }
0x390: {  	s23 =	simm.s32 $0xCE80  }
0x391: {  	[tilespmem:s23], [sflag:$0x2] =	stream.indirect_vreg.gather [hbm4b:s5+s2], $0x80, v4, vm0, $0xb8;
	[tilespmem:$0x1C680] =	vst v63  }
0x392: {  	s24 =	simm.s32 $0xD680  }
0x393: {  	[tilespmem:s24], [sflag:$0x2] =	stream.indirect_vreg.gather [hbm4b:s4+s2], $0x80, v3, vm0, $0xb8;
	[tilespmem:$0x1C680] =	vst v63  }
0x394: {  	s16 =	simm.s32 $0xDE80  }
0x395: {  	[tilespmem:s16], [sflag:$0x2] =	stream.indirect_vreg.gather [hbm4b:s5+s2], $0x80, v3, vm0, $0xb8;
	[tilespmem:$0x1C680] =	vst v63  }
0x396: {  	v3 =	vld [tilespmem:$0x350];
	_ =	sdelay $0x4  }
0x397: {  	v21 =	vshll.u32 v3, $0x2  }
0x398: {  	v3 =	vand.u32 $0x7, v3;
	v4 =	vand.u32 $0xFFFFFFE0, v21  }
0x399: {  	v3 =	vor.u32 v3, v4  }
0x39a: {  	v4 =	vperm.xlane v3, v0;
	_ =	sdelay $0x1  }
0x39b: {  	v4 =	vadd.s32 v1, v4;
	_ =	sdelay $0x1  }
0x39c: {  	v3 =	vperm.xlane v3, v2;
	_ =	sdelay $0x1  }
0x39d: {  	s25 =	simm.s32 $0xE680;
	v3 =	vadd.s32 v1, v3  }
0x39e: {  	[tilespmem:s25], [sflag:$0x2] =	stream.indirect_vreg.gather [hbm4b:s4+s2], $0x80, v4, vm0, $0xb8;
	[tilespmem:$0x1C680] =	vst v63  }
0x39f: {  	s26 =	simm.s32 $0xEE80  }
0x3a0: {  	[tilespmem:s26], [sflag:$0x2] =	stream.indirect_vreg.gather [hbm4b:s5+s2], $0x80, v4, vm0, $0xb8;
	[tilespmem:$0x1C680] =	vst v63  }
0x3a1: {  	s14 =	simm.s32 $0xF680  }
0x3a2: {  	[tilespmem:s14], [sflag:$0x2] =	stream.indirect_vreg.gather [hbm4b:s4+s2], $0x80, v3, vm0, $0xb8;
	[tilespmem:$0x1C680] =	vst v63  }
0x3a3: {  	s12 =	simm.s32 $0xFE80  }
0x3a4: {  	[tilespmem:s12], [sflag:$0x2] =	stream.indirect_vreg.gather [hbm4b:s5+s2], $0x80, v3, vm0, $0xb8;
	[tilespmem:$0x1C680] =	vst v63  }
0x3a5: {  	_ =	swait.ge [sflag:s10], $0xC000  }
0x3a6: {  	[sflag:s10] =	ssyncset.done $0x0  }
0x3a7: {  	s14 =	rddreg [dreg:$0xd];
	[sflag:s10] =	ssyncadd.s32 $0xFFFF4000  }
0x3a8: {  	[hbm4b:s14+s2] =	stream.linear.scatter [tilespmem:s8], [sflag:$0x5], $0xC000, $0x38;
	[tilespmem:$0x1C680] =	vst v63  }
0x3a9: {  	_ =	swait.ge [sflag:s11], $0xC000  }
0x3aa: {  	[sflag:s11] =	ssyncset.done $0x0  }
0x3ab: {  	[sflag:s11] =	ssyncadd.s32 $0xFFFF4000  }
0x3ac: {  	v3 =	vld [tilespmem:$0x360];
	_ =	sdelay $0x4  }
0x3ad: {  	v22 =	vshll.u32 v3, $0x2  }
0x3ae: {  	v3 =	vand.u32 $0x7, v3;
	v4 =	vand.u32 $0xFFFFFFE0, v22  }
0x3af: {  	v3 =	vor.u32 v3, v4  }
0x3b0: {  	v4 =	vperm.xlane v3, v0;
	_ =	sdelay $0x1  }
0x3b1: {  	v4 =	vadd.s32 v1, v4;
	_ =	sdelay $0x1  }
0x3b2: {  	v3 =	vperm.xlane v3, v2;
	_ =	sdelay $0x1  }
0x3b3: {  	v3 =	vadd.s32 v1, v3  }
0x3b4: {  	[tilespmem:s8], [sflag:$0x3] =	stream.indirect_vreg.gather [hbm4b:s4+s2], $0x80, v4, vm0, $0xb8;
	[tilespmem:$0x1C680] =	vst v63  }
0x3b5: {  	s13 =	simm.s32 $0x10E80  }
0x3b6: {  	[tilespmem:s13], [sflag:$0x3] =	stream.indirect_vreg.gather [hbm4b:s5+s2], $0x80, v4, vm0, $0xb8;
	[tilespmem:$0x1C680] =	vst v63  }
0x3b7: {  	s15 =	simm.s32 $0x11680  }
0x3b8: {  	[tilespmem:s15], [sflag:$0x3] =	stream.indirect_vreg.gather [hbm4b:s4+s2], $0x80, v3, vm0, $0xb8;
	[tilespmem:$0x1C680] =	vst v63  }
0x3b9: {  	s15 =	simm.s32 $0x11E80  }
0x3ba: {  	[tilespmem:s15], [sflag:$0x3] =	stream.indirect_vreg.gather [hbm4b:s5+s2], $0x80, v3, vm0, $0xb8;
	[tilespmem:$0x1C680] =	vst v63  }
0x3bb: {  	v3 =	vld [tilespmem:$0x370];
	_ =	sdelay $0x4  }
0x3bc: {  	v23 =	vshll.u32 v3, $0x2  }
0x3bd: {  	v3 =	vand.u32 $0x7, v3;
	v4 =	vand.u32 $0xFFFFFFE0, v23  }
0x3be: {  	v3 =	vor.u32 v3, v4  }
0x3bf: {  	v4 =	vperm.xlane v3, v0;
	_ =	sdelay $0x1  }
0x3c0: {  	v4 =	vadd.s32 v1, v4;
	_ =	sdelay $0x1  }
0x3c1: {  	v3 =	vperm.xlane v3, v2;
	_ =	sdelay $0x1  }
0x3c2: {  	s14 =	simm.s32 $0x12680;
	v3 =	vadd.s32 v1, v3  }
0x3c3: {  	[tilespmem:s14], [sflag:$0x3] =	stream.indirect_vreg.gather [hbm4b:s4+s2], $0x80, v4, vm0, $0xb8;
	[tilespmem:$0x1C680] =	vst v63  }
0x3c4: {  	s15 =	simm.s32 $0x12E80  }
0x3c5: {  	[tilespmem:s15], [sflag:$0x3] =	stream.indirect_vreg.gather [hbm4b:s5+s2], $0x80, v4, vm0, $0xb8;
	[tilespmem:$0x1C680] =	vst v63  }
0x3c6: {  	s12 =	simm.s32 $0x13680  }
0x3c7: {  	[tilespmem:s12], [sflag:$0x3] =	stream.indirect_vreg.gather [hbm4b:s4+s2], $0x80, v3, vm0, $0xb8;
	[tilespmem:$0x1C680] =	vst v63  }
0x3c8: {  	s12 =	simm.s32 $0x13E80  }
0x3c9: {  	[tilespmem:s12], [sflag:$0x3] =	stream.indirect_vreg.gather [hbm4b:s5+s2], $0x80, v3, vm0, $0xb8;
	[tilespmem:$0x1C680] =	vst v63  }
0x3ca: {  	v3 =	vld [tilespmem:$0x380];
	_ =	sdelay $0x4  }
0x3cb: {  	v24 =	vshll.u32 v3, $0x2  }
0x3cc: {  	v3 =	vand.u32 $0x7, v3;
	v4 =	vand.u32 $0xFFFFFFE0, v24  }
0x3cd: {  	v3 =	vor.u32 v3, v4  }
0x3ce: {  	v4 =	vperm.xlane v3, v0;
	_ =	sdelay $0x1  }
0x3cf: {  	v4 =	vadd.s32 v1, v4;
	_ =	sdelay $0x1  }
0x3d0: {  	v3 =	vperm.xlane v3, v2;
	_ =	sdelay $0x1  }
0x3d1: {  	s29 =	simm.s32 $0x14680;
	v3 =	vadd.s32 v1, v3  }
0x3d2: {  	[tilespmem:s29], [sflag:$0x3] =	stream.indirect_vreg.gather [hbm4b:s4+s2], $0x80, v4, vm0, $0xb8;
	[tilespmem:$0x1C680] =	vst v63  }
0x3d3: {  	s12 =	simm.s32 $0x14E80  }
0x3d4: {  	[tilespmem:s12], [sflag:$0x3] =	stream.indirect_vreg.gather [hbm4b:s5+s2], $0x80, v4, vm0, $0xb8;
	[tilespmem:$0x1C680] =	vst v63  }
0x3d5: {  	s12 =	simm.s32 $0x15680  }
0x3d6: {  	[tilespmem:s12], [sflag:$0x3] =	stream.indirect_vreg.gather [hbm4b:s4+s2], $0x80, v3, vm0, $0xb8;
	[tilespmem:$0x1C680] =	vst v63  }
0x3d7: {  	s12 =	simm.s32 $0x15E80  }
0x3d8: {  	[tilespmem:s12], [sflag:$0x3] =	stream.indirect_vreg.gather [hbm4b:s5+s2], $0x80, v3, vm0, $0xb8;
	[tilespmem:$0x1C680] =	vst v63  }
0x3d9: {  	v3 =	vld [tilespmem:$0x390];
	_ =	sdelay $0x4  }
0x3da: {  	v25 =	vshll.u32 v3, $0x2  }
0x3db: {  	v3 =	vand.u32 $0x7, v3;
	v4 =	vand.u32 $0xFFFFFFE0, v25  }
0x3dc: {  	v3 =	vor.u32 v3, v4  }
0x3dd: {  	v4 =	vperm.xlane v3, v0;
	_ =	sdelay $0x1  }
0x3de: {  	v4 =	vadd.s32 v1, v4;
	_ =	sdelay $0x1  }
0x3df: {  	v3 =	vperm.xlane v3, v2;
	_ =	sdelay $0x1  }
0x3e0: {  	s30 =	simm.s32 $0x16680;
	v3 =	vadd.s32 v1, v3  }
0x3e1: {  	[tilespmem:s30], [sflag:$0x3] =	stream.indirect_vreg.gather [hbm4b:s4+s2], $0x80, v4, vm0, $0xb8;
	[tilespmem:$0x1C680] =	vst v63  }
0x3e2: {  	s12 =	simm.s32 $0x16E80  }
0x3e3: {  	[tilespmem:s12], [sflag:$0x3] =	stream.indirect_vreg.gather [hbm4b:s5+s2], $0x80, v4, vm0, $0xb8;
	[tilespmem:$0x1C680] =	vst v63  }
0x3e4: {  	s12 =	simm.s32 $0x17680  }
0x3e5: {  	[tilespmem:s12], [sflag:$0x3] =	stream.indirect_vreg.gather [hbm4b:s4+s2], $0x80, v3, vm0, $0xb8;
	[tilespmem:$0x1C680] =	vst v63  }
0x3e6: {  	s12 =	simm.s32 $0x17E80  }
0x3e7: {  	[tilespmem:s12], [sflag:$0x3] =	stream.indirect_vreg.gather [hbm4b:s5+s2], $0x80, v3, vm0, $0xb8;
	[tilespmem:$0x1C680] =	vst v63  }
0x3e8: {  	v3 =	vld [tilespmem:$0x3A0];
	_ =	sdelay $0x4  }
0x3e9: {  	v26 =	vshll.u32 v3, $0x2  }
0x3ea: {  	v3 =	vand.u32 $0x7, v3;
	v4 =	vand.u32 $0xFFFFFFE0, v26  }
0x3eb: {  	v3 =	vor.u32 v3, v4  }
0x3ec: {  	v4 =	vperm.xlane v3, v0;
	_ =	sdelay $0x1  }
0x3ed: {  	v4 =	vadd.s32 v1, v4;
	_ =	sdelay $0x1  }
0x3ee: {  	v3 =	vperm.xlane v3, v2;
	_ =	sdelay $0x1  }
0x3ef: {  	s31 =	simm.s32 $0x18680;
	v3 =	vadd.s32 v1, v3  }
0x3f0: {  	[tilespmem:s31], [sflag:$0x3] =	stream.indirect_vreg.gather [hbm4b:s4+s2], $0x80, v4, vm0, $0xb8;
	[tilespmem:$0x1C680] =	vst v63  }
0x3f1: {  	s12 =	simm.s32 $0x18E80  }
0x3f2: {  	[tilespmem:s12], [sflag:$0x3] =	stream.indirect_vreg.gather [hbm4b:s5+s2], $0x80, v4, vm0, $0xb8;
	[tilespmem:$0x1C680] =	vst v63  }
0x3f3: {  	s12 =	simm.s32 $0x19680  }
0x3f4: {  	[tilespmem:s12], [sflag:$0x3] =	stream.indirect_vreg.gather [hbm4b:s4+s2], $0x80, v3, vm0, $0xb8;
	[tilespmem:$0x1C680] =	vst v63  }
0x3f5: {  	s12 =	simm.s32 $0x19E80  }
0x3f6: {  	[tilespmem:s12], [sflag:$0x3] =	stream.indirect_vreg.gather [hbm4b:s5+s2], $0x80, v3, vm0, $0xb8;
	[tilespmem:$0x1C680] =	vst v63  }
0x3f7: {  	v3 =	vld [tilespmem:$0x3B0];
	_ =	sdelay $0x4  }
0x3f8: {  	v27 =	vshll.u32 v3, $0x2  }
0x3f9: {  	v3 =	vand.u32 $0x7, v3;
	v4 =	vand.u32 $0xFFFFFFE0, v27  }
0x3fa: {  	v3 =	vor.u32 v3, v4  }
0x3fb: {  	v4 =	vperm.xlane v3, v0;
	_ =	sdelay $0x1  }
0x3fc: {  	v4 =	vadd.s32 v1, v4;
	_ =	sdelay $0x1  }
0x3fd: {  	v3 =	vperm.xlane v3, v2;
	_ =	sdelay $0x1  }
0x3fe: {  	s12 =	simm.s32 $0x1A680;
	v3 =	vadd.s32 v1, v3  }
0x3ff: {  	[tilespmem:s12], [sflag:$0x3] =	stream.indirect_vreg.gather [hbm4b:s4+s2], $0x80, v4, vm0, $0xb8;
	[tilespmem:$0x1C680] =	vst v63  }
0x400: {  	s12 =	simm.s32 $0x1AE80  }
0x401: {  	[tilespmem:s12], [sflag:$0x3] =	stream.indirect_vreg.gather [hbm4b:s5+s2], $0x80, v4, vm0, $0xb8;
	[tilespmem:$0x1C680] =	vst v63  }
0x402: {  	s12 =	simm.s32 $0x1B680  }
0x403: {  	[tilespmem:s12], [sflag:$0x3] =	stream.indirect_vreg.gather [hbm4b:s4+s2], $0x80, v3, vm0, $0xb8;
	[tilespmem:$0x1C680] =	vst v63  }
0x404: {  	s12 =	simm.s32 $0x1BE80  }
0x405: {  	[tilespmem:s12], [sflag:$0x3] =	stream.indirect_vreg.gather [hbm4b:s5+s2], $0x80, v3, vm0, $0xb8;
	[tilespmem:$0x1C680] =	vst v63  }
0x406: {  	_ =	swait.ge [sflag:s0], $0xC000  }
0x407: {  	[sflag:s0] =	ssyncset.done $0x0  }
0x408: {  	s12 =	rddreg [dreg:$0xe];
	[sflag:s0] =	ssyncadd.s32 $0xFFFF4000  }
0x409: {  	[hbm4b:s12+s2] =	stream.linear.scatter [tilespmem:s28], [sflag:$0x4], $0xC000, $0x38;
	[tilespmem:$0x1C680] =	vst v63  }
0x40a: {  	_ =	swait.ge [sflag:s3], $0xC000  }
0x40b: {  	[sflag:s3] =	ssyncset.done $0x0  }
0x40c: {  	[sflag:s3] =	ssyncadd.s32 $0xFFFF4000  }
0x40d: {  	v3 =	vld [tilespmem:$0x3C0];
	_ =	sdelay $0x4  }
0x40e: {  	v28 =	vshll.u32 v3, $0x2  }
0x40f: {  	v3 =	vand.u32 $0x7, v3;
	v4 =	vand.u32 $0xFFFFFFE0, v28  }
0x410: {  	v3 =	vor.u32 v3, v4  }
0x411: {  	v4 =	vperm.xlane v3, v0;
	_ =	sdelay $0x1  }
0x412: {  	v4 =	vadd.s32 v1, v4;
	_ =	sdelay $0x1  }
0x413: {  	v3 =	vperm.xlane v3, v2;
	_ =	sdelay $0x1  }
0x414: {  	v3 =	vadd.s32 v1, v3  }
0x415: {  	[tilespmem:s28], [sflag:$0x2] =	stream.indirect_vreg.gather [hbm4b:s4+s2], $0x80, v4, vm0, $0xb8;
	[tilespmem:$0x1C680] =	vst v63  }
0x416: {  	s12 =	simm.s32 $0x4E80  }
0x417: {  	[tilespmem:s12], [sflag:$0x2] =	stream.indirect_vreg.gather [hbm4b:s5+s2], $0x80, v4, vm0, $0xb8;
	[tilespmem:$0x1C680] =	vst v63  }
0x418: {  	s12 =	simm.s32 $0x5680  }
0x419: {  	[tilespmem:s12], [sflag:$0x2] =	stream.indirect_vreg.gather [hbm4b:s4+s2], $0x80, v3, vm0, $0xb8;
	[tilespmem:$0x1C680] =	vst v63  }
0x41a: {  	s12 =	simm.s32 $0x5E80  }
0x41b: {  	[tilespmem:s12], [sflag:$0x2] =	stream.indirect_vreg.gather [hbm4b:s5+s2], $0x80, v3, vm0, $0xb8;
	[tilespmem:$0x1C680] =	vst v63  }
0x41c: {  	v3 =	vld [tilespmem:$0x3D0];
	_ =	sdelay $0x4  }
0x41d: {  	v29 =	vshll.u32 v3, $0x2  }
0x41e: {  	v3 =	vand.u32 $0x7, v3;
	v4 =	vand.u32 $0xFFFFFFE0, v29  }
0x41f: {  	v3 =	vor.u32 v3, v4  }
0x420: {  	v4 =	vperm.xlane v3, v0;
	_ =	sdelay $0x1  }
0x421: {  	v4 =	vadd.s32 v1, v4;
	_ =	sdelay $0x1  }
0x422: {  	v3 =	vperm.xlane v3, v2;
	_ =	sdelay $0x1  }
0x423: {  	s7 =	simm.s32 $0x6680;
	v3 =	vadd.s32 v1, v3  }
0x424: {  	[tilespmem:s7], [sflag:$0x2] =	stream.indirect_vreg.gather [hbm4b:s4+s2], $0x80, v4, vm0, $0xb8;
	[tilespmem:$0x1C680] =	vst v63  }
0x425: {  	s9 =	simm.s32 $0x6E80  }
0x426: {  	[tilespmem:s9], [sflag:$0x2] =	stream.indirect_vreg.gather [hbm4b:s5+s2], $0x80, v4, vm0, $0xb8;
	[tilespmem:$0x1C680] =	vst v63  }
0x427: {  	s6 =	simm.s32 $0x7680  }
0x428: {  	[tilespmem:s6], [sflag:$0x2] =	stream.indirect_vreg.gather [hbm4b:s4+s2], $0x80, v3, vm0, $0xb8;
	[tilespmem:$0x1C680] =	vst v63  }
0x429: {  	s9 =	simm.s32 $0x7E80  }
0x42a: {  	[tilespmem:s9], [sflag:$0x2] =	stream.indirect_vreg.gather [hbm4b:s5+s2], $0x80, v3, vm0, $0xb8;
	[tilespmem:$0x1C680] =	vst v63  }
0x42b: {  	v3 =	vld [tilespmem:$0x3E0];
	_ =	sdelay $0x4  }
0x42c: {  	v30 =	vshll.u32 v3, $0x2  }
0x42d: {  	v3 =	vand.u32 $0x7, v3;
	v4 =	vand.u32 $0xFFFFFFE0, v30  }
0x42e: {  	v3 =	vor.u32 v3, v4  }
0x42f: {  	v4 =	vperm.xlane v3, v0;
	_ =	sdelay $0x1  }
0x430: {  	v4 =	vadd.s32 v1, v4;
	_ =	sdelay $0x1  }
0x431: {  	v3 =	vperm.xlane v3, v2;
	_ =	sdelay $0x1  }
0x432: {  	s12 =	simm.s32 $0x8680;
	v3 =	vadd.s32 v1, v3  }
0x433: {  	[tilespmem:s12], [sflag:$0x2] =	stream.indirect_vreg.gather [hbm4b:s4+s2], $0x80, v4, vm0, $0xb8;
	[tilespmem:$0x1C680] =	vst v63  }
0x434: {  	s17 =	simm.s32 $0x8E80  }
0x435: {  	[tilespmem:s17], [sflag:$0x2] =	stream.indirect_vreg.gather [hbm4b:s5+s2], $0x80, v4, vm0, $0xb8;
	[tilespmem:$0x1C680] =	vst v63  }
0x436: {  	s18 =	simm.s32 $0x9680  }
0x437: {  	[tilespmem:s18], [sflag:$0x2] =	stream.indirect_vreg.gather [hbm4b:s4+s2], $0x80, v3, vm0, $0xb8;
	[tilespmem:$0x1C680] =	vst v63  }
0x438: {  	s18 =	simm.s32 $0x9E80  }
0x439: {  	[tilespmem:s18], [sflag:$0x2] =	stream.indirect_vreg.gather [hbm4b:s5+s2], $0x80, v3, vm0, $0xb8;
	[tilespmem:$0x1C680] =	vst v63  }
0x43a: {  	v3 =	vld [tilespmem:$0x3F0];
	_ =	sdelay $0x4  }
0x43b: {  	v31 =	vshll.u32 v3, $0x2  }
0x43c: {  	v3 =	vand.u32 $0x7, v3;
	v4 =	vand.u32 $0xFFFFFFE0, v31  }
0x43d: {  	v3 =	vor.u32 v3, v4  }
0x43e: {  	v4 =	vperm.xlane v3, v0;
	_ =	sdelay $0x1  }
0x43f: {  	v4 =	vadd.s32 v1, v4;
	_ =	sdelay $0x1  }
0x440: {  	v3 =	vperm.xlane v3, v2;
	_ =	sdelay $0x1  }
0x441: {  	s19 =	simm.s32 $0xA680;
	v3 =	vadd.s32 v1, v3  }
0x442: {  	[tilespmem:s19], [sflag:$0x2] =	stream.indirect_vreg.gather [hbm4b:s4+s2], $0x80, v4, vm0, $0xb8;
	[tilespmem:$0x1C680] =	vst v63  }
0x443: {  	s20 =	simm.s32 $0xAE80  }
0x444: {  	[tilespmem:s20], [sflag:$0x2] =	stream.indirect_vreg.gather [hbm4b:s5+s2], $0x80, v4, vm0, $0xb8;
	[tilespmem:$0x1C680] =	vst v63  }
0x445: {  	s21 =	simm.s32 $0xB680  }
0x446: {  	[tilespmem:s21], [sflag:$0x2] =	stream.indirect_vreg.gather [hbm4b:s4+s2], $0x80, v3, vm0, $0xb8;
	[tilespmem:$0x1C680] =	vst v63  }
0x447: {  	s21 =	simm.s32 $0xBE80  }
0x448: {  	[tilespmem:s21], [sflag:$0x2] =	stream.indirect_vreg.gather [hbm4b:s5+s2], $0x80, v3, vm0, $0xb8;
	[tilespmem:$0x1C680] =	vst v63  }
0x449: {  	v3 =	vld [tilespmem:$0x400];
	_ =	sdelay $0x4  }
0x44a: {  	v32 =	vshll.u32 v3, $0x2  }
0x44b: {  	v3 =	vand.u32 $0x7, v3;
	v4 =	vand.u32 $0xFFFFFFE0, v32  }
0x44c: {  	v3 =	vor.u32 v3, v4  }
0x44d: {  	v4 =	vperm.xlane v3, v0;
	_ =	sdelay $0x1  }
0x44e: {  	v4 =	vadd.s32 v1, v4;
	_ =	sdelay $0x1  }
0x44f: {  	v3 =	vperm.xlane v3, v2;
	_ =	sdelay $0x1  }
0x450: {  	s22 =	simm.s32 $0xC680;
	v3 =	vadd.s32 v1, v3  }
0x451: {  	[tilespmem:s22], [sflag:$0x2] =	stream.indirect_vreg.gather [hbm4b:s4+s2], $0x80, v4, vm0, $0xb8;
	[tilespmem:$0x1C680] =	vst v63  }
0x452: {  	s23 =	simm.s32 $0xCE80  }
0x453: {  	[tilespmem:s23], [sflag:$0x2] =	stream.indirect_vreg.gather [hbm4b:s5+s2], $0x80, v4, vm0, $0xb8;
	[tilespmem:$0x1C680] =	vst v63  }
0x454: {  	s24 =	simm.s32 $0xD680  }
0x455: {  	[tilespmem:s24], [sflag:$0x2] =	stream.indirect_vreg.gather [hbm4b:s4+s2], $0x80, v3, vm0, $0xb8;
	[tilespmem:$0x1C680] =	vst v63  }
0x456: {  	s24 =	simm.s32 $0xDE80  }
0x457: {  	[tilespmem:s24], [sflag:$0x2] =	stream.indirect_vreg.gather [hbm4b:s5+s2], $0x80, v3, vm0, $0xb8;
	[tilespmem:$0x1C680] =	vst v63  }
0x458: {  	v3 =	vld [tilespmem:$0x410];
	_ =	sdelay $0x4  }
0x459: {  	v33 =	vshll.u32 v3, $0x2  }
0x45a: {  	v3 =	vand.u32 $0x7, v3;
	v4 =	vand.u32 $0xFFFFFFE0, v33  }
0x45b: {  	v3 =	vor.u32 v3, v4  }
0x45c: {  	v4 =	vperm.xlane v3, v0;
	_ =	sdelay $0x1  }
0x45d: {  	v4 =	vadd.s32 v1, v4;
	_ =	sdelay $0x1  }
0x45e: {  	v3 =	vperm.xlane v3, v2;
	_ =	sdelay $0x1  }
0x45f: {  	s25 =	simm.s32 $0xE680;
	v3 =	vadd.s32 v1, v3  }
0x460: {  	[tilespmem:s25], [sflag:$0x2] =	stream.indirect_vreg.gather [hbm4b:s4+s2], $0x80, v4, vm0, $0xb8;
	[tilespmem:$0x1C680] =	vst v63  }
0x461: {  	s26 =	simm.s32 $0xEE80  }
0x462: {  	[tilespmem:s26], [sflag:$0x2] =	stream.indirect_vreg.gather [hbm4b:s5+s2], $0x80, v4, vm0, $0xb8;
	[tilespmem:$0x1C680] =	vst v63  }
0x463: {  	s16 =	simm.s32 $0xF680  }
0x464: {  	[tilespmem:s16], [sflag:$0x2] =	stream.indirect_vreg.gather [hbm4b:s4+s2], $0x80, v3, vm0, $0xb8;
	[tilespmem:$0x1C680] =	vst v63  }
0x465: {  	s26 =	simm.s32 $0xFE80  }
0x466: {  	[tilespmem:s26], [sflag:$0x2] =	stream.indirect_vreg.gather [hbm4b:s5+s2], $0x80, v3, vm0, $0xb8;
	[tilespmem:$0x1C680] =	vst v63  }
0x467: {  	_ =	swait.ge [sflag:s10], $0xC000  }
0x468: {  	[sflag:s10] =	ssyncset.done $0x0  }
0x469: {  	s9 =	rddreg [dreg:$0xf];
	[sflag:s10] =	ssyncadd.s32 $0xFFFF4000  }
0x46a: {  	[hbm4b:s9+s2] =	stream.linear.scatter [tilespmem:s8], [sflag:$0x5], $0xC000, $0x38;
	[tilespmem:$0x1C680] =	vst v63  }
0x46b: {  	_ =	swait.ge [sflag:s11], $0xC000  }
0x46c: {  	[sflag:s11] =	ssyncset.done $0x0  }
0x46d: {  	[sflag:s11] =	ssyncadd.s32 $0xFFFF4000  }
0x46e: {  	v3 =	vld [tilespmem:$0x420];
	_ =	sdelay $0x4  }
0x46f: {  	v34 =	vshll.u32 v3, $0x2  }
0x470: {  	v3 =	vand.u32 $0x7, v3;
	v4 =	vand.u32 $0xFFFFFFE0, v34  }
0x471: {  	v3 =	vor.u32 v3, v4  }
0x472: {  	v4 =	vperm.xlane v3, v0;
	_ =	sdelay $0x1  }
0x473: {  	v4 =	vadd.s32 v1, v4;
	_ =	sdelay $0x1  }
0x474: {  	v3 =	vperm.xlane v3, v2;
	_ =	sdelay $0x1  }
0x475: {  	v3 =	vadd.s32 v1, v3  }
0x476: {  	[tilespmem:s8], [sflag:$0x3] =	stream.indirect_vreg.gather [hbm4b:s4+s2], $0x80, v4, vm0, $0xb8;
	[tilespmem:$0x1C680] =	vst v63  }
0x477: {  	s1 =	simm.s32 $0x10E80  }
0x478: {  	[tilespmem:s1], [sflag:$0x3] =	stream.indirect_vreg.gather [hbm4b:s5+s2], $0x80, v4, vm0, $0xb8;
	[tilespmem:$0x1C680] =	vst v63  }
0x479: {  	s13 =	simm.s32 $0x11680  }
0x47a: {  	[tilespmem:s13], [sflag:$0x3] =	stream.indirect_vreg.gather [hbm4b:s4+s2], $0x80, v3, vm0, $0xb8;
	[tilespmem:$0x1C680] =	vst v63  }
0x47b: {  	s13 =	simm.s32 $0x11E80  }
0x47c: {  	[tilespmem:s13], [sflag:$0x3] =	stream.indirect_vreg.gather [hbm4b:s5+s2], $0x80, v3, vm0, $0xb8;
	[tilespmem:$0x1C680] =	vst v63  }
0x47d: {  	v3 =	vld [tilespmem:$0x430];
	_ =	sdelay $0x4  }
0x47e: {  	v35 =	vshll.u32 v3, $0x2  }
0x47f: {  	v3 =	vand.u32 $0x7, v3;
	v4 =	vand.u32 $0xFFFFFFE0, v35  }
0x480: {  	v3 =	vor.u32 v3, v4  }
0x481: {  	v4 =	vperm.xlane v3, v0;
	_ =	sdelay $0x1  }
0x482: {  	v4 =	vadd.s32 v1, v4;
	_ =	sdelay $0x1  }
0x483: {  	v3 =	vperm.xlane v3, v2;
	_ =	sdelay $0x1  }
0x484: {  	s14 =	simm.s32 $0x12680;
	v3 =	vadd.s32 v1, v3  }
0x485: {  	[tilespmem:s14], [sflag:$0x3] =	stream.indirect_vreg.gather [hbm4b:s4+s2], $0x80, v4, vm0, $0xb8;
	[tilespmem:$0x1C680] =	vst v63  }
0x486: {  	s15 =	simm.s32 $0x12E80  }
0x487: {  	[tilespmem:s15], [sflag:$0x3] =	stream.indirect_vreg.gather [hbm4b:s5+s2], $0x80, v4, vm0, $0xb8;
	[tilespmem:$0x1C680] =	vst v63  }
0x488: {  	s14 =	simm.s32 $0x13680  }
0x489: {  	[tilespmem:s14], [sflag:$0x3] =	stream.indirect_vreg.gather [hbm4b:s4+s2], $0x80, v3, vm0, $0xb8;
	[tilespmem:$0x1C680] =	vst v63  }
0x48a: {  	s15 =	simm.s32 $0x13E80  }
0x48b: {  	[tilespmem:s15], [sflag:$0x3] =	stream.indirect_vreg.gather [hbm4b:s5+s2], $0x80, v3, vm0, $0xb8;
	[tilespmem:$0x1C680] =	vst v63  }
0x48c: {  	v3 =	vld [tilespmem:$0x440];
	_ =	sdelay $0x4  }
0x48d: {  	v36 =	vshll.u32 v3, $0x2  }
0x48e: {  	v3 =	vand.u32 $0x7, v3;
	v4 =	vand.u32 $0xFFFFFFE0, v36  }
0x48f: {  	v3 =	vor.u32 v3, v4  }
0x490: {  	v4 =	vperm.xlane v3, v0;
	_ =	sdelay $0x1  }
0x491: {  	v4 =	vadd.s32 v1, v4;
	_ =	sdelay $0x1  }
0x492: {  	v3 =	vperm.xlane v3, v2;
	_ =	sdelay $0x1  }
0x493: {  	s29 =	simm.s32 $0x14680;
	v3 =	vadd.s32 v1, v3  }
0x494: {  	[tilespmem:s29], [sflag:$0x3] =	stream.indirect_vreg.gather [hbm4b:s4+s2], $0x80, v4, vm0, $0xb8;
	[tilespmem:$0x1C680] =	vst v63  }
0x495: {  	s18 =	simm.s32 $0x14E80  }
0x496: {  	[tilespmem:s18], [sflag:$0x3] =	stream.indirect_vreg.gather [hbm4b:s5+s2], $0x80, v4, vm0, $0xb8;
	[tilespmem:$0x1C680] =	vst v63  }
0x497: {  	s19 =	simm.s32 $0x15680  }
0x498: {  	[tilespmem:s19], [sflag:$0x3] =	stream.indirect_vreg.gather [hbm4b:s4+s2], $0x80, v3, vm0, $0xb8;
	[tilespmem:$0x1C680] =	vst v63  }
0x499: {  	s20 =	simm.s32 $0x15E80  }
0x49a: {  	[tilespmem:s20], [sflag:$0x3] =	stream.indirect_vreg.gather [hbm4b:s5+s2], $0x80, v3, vm0, $0xb8;
	[tilespmem:$0x1C680] =	vst v63  }
0x49b: {  	v3 =	vld [tilespmem:$0x450];
	_ =	sdelay $0x4  }
0x49c: {  	v37 =	vshll.u32 v3, $0x2  }
0x49d: {  	v3 =	vand.u32 $0x7, v3;
	v4 =	vand.u32 $0xFFFFFFE0, v37  }
0x49e: {  	v3 =	vor.u32 v3, v4  }
0x49f: {  	v4 =	vperm.xlane v3, v0;
	_ =	sdelay $0x1  }
0x4a0: {  	v4 =	vadd.s32 v1, v4;
	_ =	sdelay $0x1  }
0x4a1: {  	v3 =	vperm.xlane v3, v2;
	_ =	sdelay $0x1  }
0x4a2: {  	s30 =	simm.s32 $0x16680;
	v3 =	vadd.s32 v1, v3  }
0x4a3: {  	[tilespmem:s30], [sflag:$0x3] =	stream.indirect_vreg.gather [hbm4b:s4+s2], $0x80, v4, vm0, $0xb8;
	[tilespmem:$0x1C680] =	vst v63  }
0x4a4: {  	s21 =	simm.s32 $0x16E80  }
0x4a5: {  	[tilespmem:s21], [sflag:$0x3] =	stream.indirect_vreg.gather [hbm4b:s5+s2], $0x80, v4, vm0, $0xb8;
	[tilespmem:$0x1C680] =	vst v63  }
0x4a6: {  	s22 =	simm.s32 $0x17680  }
0x4a7: {  	[tilespmem:s22], [sflag:$0x3] =	stream.indirect_vreg.gather [hbm4b:s4+s2], $0x80, v3, vm0, $0xb8;
	[tilespmem:$0x1C680] =	vst v63  }
0x4a8: {  	s23 =	simm.s32 $0x17E80  }
0x4a9: {  	[tilespmem:s23], [sflag:$0x3] =	stream.indirect_vreg.gather [hbm4b:s5+s2], $0x80, v3, vm0, $0xb8;
	[tilespmem:$0x1C680] =	vst v63  }
0x4aa: {  	v3 =	vld [tilespmem:$0x460];
	_ =	sdelay $0x4  }
0x4ab: {  	v38 =	vshll.u32 v3, $0x2  }
0x4ac: {  	v3 =	vand.u32 $0x7, v3;
	v4 =	vand.u32 $0xFFFFFFE0, v38  }
0x4ad: {  	v3 =	vor.u32 v3, v4  }
0x4ae: {  	v4 =	vperm.xlane v3, v0;
	_ =	sdelay $0x1  }
0x4af: {  	v4 =	vadd.s32 v1, v4;
	_ =	sdelay $0x1  }
0x4b0: {  	v3 =	vperm.xlane v3, v2;
	_ =	sdelay $0x1  }
0x4b1: {  	s31 =	simm.s32 $0x18680;
	v3 =	vadd.s32 v1, v3  }
0x4b2: {  	[tilespmem:s31], [sflag:$0x3] =	stream.indirect_vreg.gather [hbm4b:s4+s2], $0x80, v4, vm0, $0xb8;
	[tilespmem:$0x1C680] =	vst v63  }
0x4b3: {  	s24 =	simm.s32 $0x18E80  }
0x4b4: {  	[tilespmem:s24], [sflag:$0x3] =	stream.indirect_vreg.gather [hbm4b:s5+s2], $0x80, v4, vm0, $0xb8;
	[tilespmem:$0x1C680] =	vst v63  }
0x4b5: {  	s25 =	simm.s32 $0x19680  }
0x4b6: {  	[tilespmem:s25], [sflag:$0x3] =	stream.indirect_vreg.gather [hbm4b:s4+s2], $0x80, v3, vm0, $0xb8;
	[tilespmem:$0x1C680] =	vst v63  }
0x4b7: {  	s26 =	simm.s32 $0x19E80  }
0x4b8: {  	[tilespmem:s26], [sflag:$0x3] =	stream.indirect_vreg.gather [hbm4b:s5+s2], $0x80, v3, vm0, $0xb8;
	[tilespmem:$0x1C680] =	vst v63  }
0x4b9: {  	v3 =	vld [tilespmem:$0x470];
	_ =	sdelay $0x4  }
0x4ba: {  	v39 =	vshll.u32 v3, $0x2  }
0x4bb: {  	v3 =	vand.u32 $0x7, v3;
	v4 =	vand.u32 $0xFFFFFFE0, v39  }
0x4bc: {  	v3 =	vor.u32 v3, v4  }
0x4bd: {  	v4 =	vperm.xlane v3, v0;
	_ =	sdelay $0x1  }
0x4be: {  	v4 =	vadd.s32 v1, v4;
	_ =	sdelay $0x1  }
0x4bf: {  	v3 =	vperm.xlane v3, v2;
	_ =	sdelay $0x1  }
0x4c0: {  	s29 =	simm.s32 $0x1A680;
	v3 =	vadd.s32 v1, v3  }
0x4c1: {  	[tilespmem:s29], [sflag:$0x3] =	stream.indirect_vreg.gather [hbm4b:s4+s2], $0x80, v4, vm0, $0xb8;
	[tilespmem:$0x1C680] =	vst v63  }
0x4c2: {  	s30 =	simm.s32 $0x1AE80  }
0x4c3: {  	[tilespmem:s30], [sflag:$0x3] =	stream.indirect_vreg.gather [hbm4b:s5+s2], $0x80, v4, vm0, $0xb8;
	[tilespmem:$0x1C680] =	vst v63  }
0x4c4: {  	s31 =	simm.s32 $0x1B680  }
0x4c5: {  	[tilespmem:s31], [sflag:$0x3] =	stream.indirect_vreg.gather [hbm4b:s4+s2], $0x80, v3, vm0, $0xb8;
	[tilespmem:$0x1C680] =	vst v63  }
0x4c6: {  	s6 =	simm.s32 $0x1BE80  }
0x4c7: {  	[tilespmem:s6], [sflag:$0x3] =	stream.indirect_vreg.gather [hbm4b:s5+s2], $0x80, v3, vm0, $0xb8;
	[tilespmem:$0x1C680] =	vst v63  }
0x4c8: {  	_ =	swait.ge [sflag:s0], $0xC000  }
0x4c9: {  	[sflag:s0] =	ssyncset.done $0x0  }
0x4ca: {  	s9 =	rddreg [dreg:$0x10];
	[sflag:s0] =	ssyncadd.s32 $0xFFFF4000  }
0x4cb: {  	[hbm4b:s9+s2] =	stream.linear.scatter [tilespmem:s28], [sflag:$0x4], $0xC000, $0x38;
	[tilespmem:$0x1C680] =	vst v63  }
0x4cc: {  	_ =	swait.ge [sflag:s3], $0xC000  }
0x4cd: {  	[sflag:s3] =	ssyncset.done $0x0  }
0x4ce: {  	[sflag:s3] =	ssyncadd.s32 $0xFFFF4000  }
0x4cf: {  	v3 =	vld [tilespmem:$0x480];
	_ =	sdelay $0x4  }
0x4d0: {  	v40 =	vshll.u32 v3, $0x2  }
0x4d1: {  	v3 =	vand.u32 $0x7, v3;
	v4 =	vand.u32 $0xFFFFFFE0, v40  }
0x4d2: {  	v3 =	vor.u32 v3, v4  }
0x4d3: {  	v4 =	vperm.xlane v3, v0;
	_ =	sdelay $0x1  }
0x4d4: {  	v4 =	vadd.s32 v1, v4;
	_ =	sdelay $0x1  }
0x4d5: {  	v3 =	vperm.xlane v3, v2;
	_ =	sdelay $0x1  }
0x4d6: {  	v3 =	vadd.s32 v1, v3  }
0x4d7: {  	[tilespmem:s28], [sflag:$0x2] =	stream.indirect_vreg.gather [hbm4b:s4+s2], $0x80, v4, vm0, $0xb8;
	[tilespmem:$0x1C680] =	vst v63  }
0x4d8: {  	s12 =	simm.s32 $0x4E80  }
0x4d9: {  	[tilespmem:s12], [sflag:$0x2] =	stream.indirect_vreg.gather [hbm4b:s5+s2], $0x80, v4, vm0, $0xb8;
	[tilespmem:$0x1C680] =	vst v63  }
0x4da: {  	s13 =	simm.s32 $0x5680  }
0x4db: {  	[tilespmem:s13], [sflag:$0x2] =	stream.indirect_vreg.gather [hbm4b:s4+s2], $0x80, v3, vm0, $0xb8;
	[tilespmem:$0x1C680] =	vst v63  }
0x4dc: {  	s14 =	simm.s32 $0x5E80  }
0x4dd: {  	[tilespmem:s14], [sflag:$0x2] =	stream.indirect_vreg.gather [hbm4b:s5+s2], $0x80, v3, vm0, $0xb8;
	[tilespmem:$0x1C680] =	vst v63  }
0x4de: {  	v3 =	vld [tilespmem:$0x490];
	_ =	sdelay $0x4  }
0x4df: {  	v41 =	vshll.u32 v3, $0x2  }
0x4e0: {  	v3 =	vand.u32 $0x7, v3;
	v4 =	vand.u32 $0xFFFFFFE0, v41  }
0x4e1: {  	v3 =	vor.u32 v3, v4  }
0x4e2: {  	v4 =	vperm.xlane v3, v0;
	_ =	sdelay $0x1  }
0x4e3: {  	v4 =	vadd.s32 v1, v4;
	_ =	sdelay $0x1  }
0x4e4: {  	v3 =	vperm.xlane v3, v2;
	_ =	sdelay $0x1  }
0x4e5: {  	s15 =	simm.s32 $0x6680;
	v3 =	vadd.s32 v1, v3  }
0x4e6: {  	[tilespmem:s15], [sflag:$0x2] =	stream.indirect_vreg.gather [hbm4b:s4+s2], $0x80, v4, vm0, $0xb8;
	[tilespmem:$0x1C680] =	vst v63  }
0x4e7: {  	s18 =	simm.s32 $0x6E80  }
0x4e8: {  	[tilespmem:s18], [sflag:$0x2] =	stream.indirect_vreg.gather [hbm4b:s5+s2], $0x80, v4, vm0, $0xb8;
	[tilespmem:$0x1C680] =	vst v63  }
0x4e9: {  	s7 =	simm.s32 $0x7680  }
0x4ea: {  	[tilespmem:s7], [sflag:$0x2] =	stream.indirect_vreg.gather [hbm4b:s4+s2], $0x80, v3, vm0, $0xb8;
	[tilespmem:$0x1C680] =	vst v63  }
0x4eb: {  	s19 =	simm.s32 $0x7E80  }
0x4ec: {  	[tilespmem:s19], [sflag:$0x2] =	stream.indirect_vreg.gather [hbm4b:s5+s2], $0x80, v3, vm0, $0xb8;
	[tilespmem:$0x1C680] =	vst v63  }
0x4ed: {  	v3 =	vld [tilespmem:$0x4A0];
	_ =	sdelay $0x4  }
0x4ee: {  	v42 =	vshll.u32 v3, $0x2  }
0x4ef: {  	v3 =	vand.u32 $0x7, v3;
	v4 =	vand.u32 $0xFFFFFFE0, v42  }
0x4f0: {  	v3 =	vor.u32 v3, v4  }
0x4f1: {  	v4 =	vperm.xlane v3, v0;
	_ =	sdelay $0x1  }
0x4f2: {  	v4 =	vadd.s32 v1, v4;
	_ =	sdelay $0x1  }
0x4f3: {  	v3 =	vperm.xlane v3, v2;
	_ =	sdelay $0x1  }
0x4f4: {  	s20 =	simm.s32 $0x8680;
	v3 =	vadd.s32 v1, v3  }
0x4f5: {  	[tilespmem:s20], [sflag:$0x2] =	stream.indirect_vreg.gather [hbm4b:s4+s2], $0x80, v4, vm0, $0xb8;
	[tilespmem:$0x1C680] =	vst v63  }
0x4f6: {  	s21 =	simm.s32 $0x8E80  }
0x4f7: {  	[tilespmem:s21], [sflag:$0x2] =	stream.indirect_vreg.gather [hbm4b:s5+s2], $0x80, v4, vm0, $0xb8;
	[tilespmem:$0x1C680] =	vst v63  }
0x4f8: {  	s22 =	simm.s32 $0x9680  }
0x4f9: {  	[tilespmem:s22], [sflag:$0x2] =	stream.indirect_vreg.gather [hbm4b:s4+s2], $0x80, v3, vm0, $0xb8;
	[tilespmem:$0x1C680] =	vst v63  }
0x4fa: {  	s23 =	simm.s32 $0x9E80  }
0x4fb: {  	[tilespmem:s23], [sflag:$0x2] =	stream.indirect_vreg.gather [hbm4b:s5+s2], $0x80, v3, vm0, $0xb8;
	[tilespmem:$0x1C680] =	vst v63  }
0x4fc: {  	v3 =	vld [tilespmem:$0x4B0];
	_ =	sdelay $0x4  }
0x4fd: {  	v43 =	vshll.u32 v3, $0x2  }
0x4fe: {  	v3 =	vand.u32 $0x7, v3;
	v4 =	vand.u32 $0xFFFFFFE0, v43  }
0x4ff: {  	v3 =	vor.u32 v3, v4  }
0x500: {  	v4 =	vperm.xlane v3, v0;
	_ =	sdelay $0x1  }
0x501: {  	v4 =	vadd.s32 v1, v4;
	_ =	sdelay $0x1  }
0x502: {  	v3 =	vperm.xlane v3, v2;
	_ =	sdelay $0x1  }
0x503: {  	s24 =	simm.s32 $0xA680;
	v3 =	vadd.s32 v1, v3  }
0x504: {  	[tilespmem:s24], [sflag:$0x2] =	stream.indirect_vreg.gather [hbm4b:s4+s2], $0x80, v4, vm0, $0xb8;
	[tilespmem:$0x1C680] =	vst v63  }
0x505: {  	s25 =	simm.s32 $0xAE80  }
0x506: {  	[tilespmem:s25], [sflag:$0x2] =	stream.indirect_vreg.gather [hbm4b:s5+s2], $0x80, v4, vm0, $0xb8;
	[tilespmem:$0x1C680] =	vst v63  }
0x507: {  	s26 =	simm.s32 $0xB680  }
0x508: {  	[tilespmem:s26], [sflag:$0x2] =	stream.indirect_vreg.gather [hbm4b:s4+s2], $0x80, v3, vm0, $0xb8;
	[tilespmem:$0x1C680] =	vst v63  }
0x509: {  	s29 =	simm.s32 $0xBE80  }
0x50a: {  	[tilespmem:s29], [sflag:$0x2] =	stream.indirect_vreg.gather [hbm4b:s5+s2], $0x80, v3, vm0, $0xb8;
	[tilespmem:$0x1C680] =	vst v63  }
0x50b: {  	v3 =	vld [tilespmem:$0x4C0];
	_ =	sdelay $0x4  }
0x50c: {  	v44 =	vshll.u32 v3, $0x2  }
0x50d: {  	v3 =	vand.u32 $0x7, v3;
	v4 =	vand.u32 $0xFFFFFFE0, v44  }
0x50e: {  	v3 =	vor.u32 v3, v4  }
0x50f: {  	v4 =	vperm.xlane v3, v0;
	_ =	sdelay $0x1  }
0x510: {  	v4 =	vadd.s32 v1, v4;
	_ =	sdelay $0x1  }
0x511: {  	v3 =	vperm.xlane v3, v2;
	_ =	sdelay $0x1  }
0x512: {  	s30 =	simm.s32 $0xC680;
	v3 =	vadd.s32 v1, v3  }
0x513: {  	[tilespmem:s30], [sflag:$0x2] =	stream.indirect_vreg.gather [hbm4b:s4+s2], $0x80, v4, vm0, $0xb8;
	[tilespmem:$0x1C680] =	vst v63  }
0x514: {  	s31 =	simm.s32 $0xCE80  }
0x515: {  	[tilespmem:s31], [sflag:$0x2] =	stream.indirect_vreg.gather [hbm4b:s5+s2], $0x80, v4, vm0, $0xb8;
	[tilespmem:$0x1C680] =	vst v63  }
0x516: {  	s14 =	simm.s32 $0xD680  }
0x517: {  	[tilespmem:s14], [sflag:$0x2] =	stream.indirect_vreg.gather [hbm4b:s4+s2], $0x80, v3, vm0, $0xb8;
	[tilespmem:$0x1C680] =	vst v63  }
0x518: {  	s15 =	simm.s32 $0xDE80  }
0x519: {  	[tilespmem:s15], [sflag:$0x2] =	stream.indirect_vreg.gather [hbm4b:s5+s2], $0x80, v3, vm0, $0xb8;
	[tilespmem:$0x1C680] =	vst v63  }
0x51a: {  	v3 =	vld [tilespmem:$0x4D0];
	_ =	sdelay $0x4  }
0x51b: {  	v45 =	vshll.u32 v3, $0x2  }
0x51c: {  	v3 =	vand.u32 $0x7, v3;
	v4 =	vand.u32 $0xFFFFFFE0, v45  }
0x51d: {  	v3 =	vor.u32 v3, v4  }
0x51e: {  	v4 =	vperm.xlane v3, v0;
	_ =	sdelay $0x1  }
0x51f: {  	v4 =	vadd.s32 v1, v4;
	_ =	sdelay $0x1  }
0x520: {  	v3 =	vperm.xlane v3, v2;
	_ =	sdelay $0x1  }
0x521: {  	s29 =	simm.s32 $0xE680;
	v3 =	vadd.s32 v1, v3  }
0x522: {  	[tilespmem:s29], [sflag:$0x2] =	stream.indirect_vreg.gather [hbm4b:s4+s2], $0x80, v4, vm0, $0xb8;
	[tilespmem:$0x1C680] =	vst v63  }
0x523: {  	s30 =	simm.s32 $0xEE80  }
0x524: {  	[tilespmem:s30], [sflag:$0x2] =	stream.indirect_vreg.gather [hbm4b:s5+s2], $0x80, v4, vm0, $0xb8;
	[tilespmem:$0x1C680] =	vst v63  }
0x525: {  	s17 =	simm.s32 $0xF680  }
0x526: {  	[tilespmem:s17], [sflag:$0x2] =	stream.indirect_vreg.gather [hbm4b:s4+s2], $0x80, v3, vm0, $0xb8;
	[tilespmem:$0x1C680] =	vst v63  }
0x527: {  	s31 =	simm.s32 $0xFE80  }
0x528: {  	[tilespmem:s31], [sflag:$0x2] =	stream.indirect_vreg.gather [hbm4b:s5+s2], $0x80, v3, vm0, $0xb8;
	[tilespmem:$0x1C680] =	vst v63  }
0x529: {  	_ =	swait.ge [sflag:s10], $0xC000  }
0x52a: {  	[sflag:s10] =	ssyncset.done $0x0  }
0x52b: {  	s14 =	rddreg [dreg:$0x11];
	[sflag:s10] =	ssyncadd.s32 $0xFFFF4000  }
0x52c: {  	[hbm4b:s14+s2] =	stream.linear.scatter [tilespmem:s8], [sflag:$0x5], $0xC000, $0x38;
	[tilespmem:$0x1C680] =	vst v63  }
0x52d: {  	_ =	swait.ge [sflag:s11], $0xC000  }
0x52e: {  	[sflag:s11] =	ssyncset.done $0x0  }
0x52f: {  	[sflag:s11] =	ssyncadd.s32 $0xFFFF4000  }
0x530: {  	v3 =	vld [tilespmem:$0x4E0];
	_ =	sdelay $0x4  }
0x531: {  	v46 =	vshll.u32 v3, $0x2  }
0x532: {  	v3 =	vand.u32 $0x7, v3;
	v4 =	vand.u32 $0xFFFFFFE0, v46  }
0x533: {  	v3 =	vor.u32 v3, v4  }
0x534: {  	v4 =	vperm.xlane v3, v0;
	_ =	sdelay $0x1  }
0x535: {  	v4 =	vadd.s32 v1, v4;
	_ =	sdelay $0x1  }
0x536: {  	v3 =	vperm.xlane v3, v2;
	_ =	sdelay $0x1  }
0x537: {  	v3 =	vadd.s32 v1, v3  }
0x538: {  	[tilespmem:s8], [sflag:$0x3] =	stream.indirect_vreg.gather [hbm4b:s4+s2], $0x80, v4, vm0, $0xb8;
	[tilespmem:$0x1C680] =	vst v63  }
0x539: {  	s16 =	simm.s32 $0x10E80  }
0x53a: {  	[tilespmem:s16], [sflag:$0x3] =	stream.indirect_vreg.gather [hbm4b:s5+s2], $0x80, v4, vm0, $0xb8;
	[tilespmem:$0x1C680] =	vst v63  }
0x53b: {  	s17 =	simm.s32 $0x11680  }
0x53c: {  	[tilespmem:s17], [sflag:$0x3] =	stream.indirect_vreg.gather [hbm4b:s4+s2], $0x80, v3, vm0, $0xb8;
	[tilespmem:$0x1C680] =	vst v63  }
0x53d: {  	s31 =	simm.s32 $0x11E80  }
0x53e: {  	[tilespmem:s31], [sflag:$0x3] =	stream.indirect_vreg.gather [hbm4b:s5+s2], $0x80, v3, vm0, $0xb8;
	[tilespmem:$0x1C680] =	vst v63  }
0x53f: {  	v3 =	vld [tilespmem:$0x4F0];
	_ =	sdelay $0x4  }
0x540: {  	v47 =	vshll.u32 v3, $0x2  }
0x541: {  	v3 =	vand.u32 $0x7, v3;
	v4 =	vand.u32 $0xFFFFFFE0, v47  }
0x542: {  	v3 =	vor.u32 v3, v4  }
0x543: {  	v4 =	vperm.xlane v3, v0;
	_ =	sdelay $0x1  }
0x544: {  	v4 =	vadd.s32 v1, v4;
	_ =	sdelay $0x1  }
0x545: {  	v3 =	vperm.xlane v3, v2;
	_ =	sdelay $0x1  }
0x546: {  	s17 =	simm.s32 $0x12680;
	v3 =	vadd.s32 v1, v3  }
0x547: {  	[tilespmem:s17], [sflag:$0x3] =	stream.indirect_vreg.gather [hbm4b:s4+s2], $0x80, v4, vm0, $0xb8;
	[tilespmem:$0x1C680] =	vst v63  }
0x548: {  	s31 =	simm.s32 $0x12E80  }
0x549: {  	[tilespmem:s31], [sflag:$0x3] =	stream.indirect_vreg.gather [hbm4b:s5+s2], $0x80, v4, vm0, $0xb8;
	[tilespmem:$0x1C680] =	vst v63  }
0x54a: {  	s12 =	simm.s32 $0x13680  }
0x54b: {  	[tilespmem:s12], [sflag:$0x3] =	stream.indirect_vreg.gather [hbm4b:s4+s2], $0x80, v3, vm0, $0xb8;
	[tilespmem:$0x1C680] =	vst v63  }
0x54c: {  	s12 =	simm.s32 $0x13E80  }
0x54d: {  	[tilespmem:s12], [sflag:$0x3] =	stream.indirect_vreg.gather [hbm4b:s5+s2], $0x80, v3, vm0, $0xb8;
	[tilespmem:$0x1C680] =	vst v63  }
0x54e: {  	v3 =	vld [tilespmem:$0x500];
	_ =	sdelay $0x4  }
0x54f: {  	v48 =	vshll.u32 v3, $0x2  }
0x550: {  	v3 =	vand.u32 $0x7, v3;
	v4 =	vand.u32 $0xFFFFFFE0, v48  }
0x551: {  	v3 =	vor.u32 v3, v4  }
0x552: {  	v4 =	vperm.xlane v3, v0;
	_ =	sdelay $0x1  }
0x553: {  	v4 =	vadd.s32 v1, v4;
	_ =	sdelay $0x1  }
0x554: {  	v3 =	vperm.xlane v3, v2;
	_ =	sdelay $0x1  }
0x555: {  	s12 =	simm.s32 $0x14680;
	v3 =	vadd.s32 v1, v3  }
0x556: {  	[tilespmem:s12], [sflag:$0x3] =	stream.indirect_vreg.gather [hbm4b:s4+s2], $0x80, v4, vm0, $0xb8;
	[tilespmem:$0x1C680] =	vst v63  }
0x557: {  	s12 =	simm.s32 $0x14E80  }
0x558: {  	[tilespmem:s12], [sflag:$0x3] =	stream.indirect_vreg.gather [hbm4b:s5+s2], $0x80, v4, vm0, $0xb8;
	[tilespmem:$0x1C680] =	vst v63  }
0x559: {  	s12 =	simm.s32 $0x15680  }
0x55a: {  	[tilespmem:s12], [sflag:$0x3] =	stream.indirect_vreg.gather [hbm4b:s4+s2], $0x80, v3, vm0, $0xb8;
	[tilespmem:$0x1C680] =	vst v63  }
0x55b: {  	s12 =	simm.s32 $0x15E80  }
0x55c: {  	[tilespmem:s12], [sflag:$0x3] =	stream.indirect_vreg.gather [hbm4b:s5+s2], $0x80, v3, vm0, $0xb8;
	[tilespmem:$0x1C680] =	vst v63  }
0x55d: {  	v3 =	vld [tilespmem:$0x510];
	_ =	sdelay $0x4  }
0x55e: {  	v49 =	vshll.u32 v3, $0x2  }
0x55f: {  	v3 =	vand.u32 $0x7, v3;
	v4 =	vand.u32 $0xFFFFFFE0, v49  }
0x560: {  	v3 =	vor.u32 v3, v4  }
0x561: {  	v4 =	vperm.xlane v3, v0;
	_ =	sdelay $0x1  }
0x562: {  	v4 =	vadd.s32 v1, v4;
	_ =	sdelay $0x1  }
0x563: {  	v3 =	vperm.xlane v3, v2;
	_ =	sdelay $0x1  }
0x564: {  	s12 =	simm.s32 $0x16680;
	v3 =	vadd.s32 v1, v3  }
0x565: {  	[tilespmem:s12], [sflag:$0x3] =	stream.indirect_vreg.gather [hbm4b:s4+s2], $0x80, v4, vm0, $0xb8;
	[tilespmem:$0x1C680] =	vst v63  }
0x566: {  	s12 =	simm.s32 $0x16E80  }
0x567: {  	[tilespmem:s12], [sflag:$0x3] =	stream.indirect_vreg.gather [hbm4b:s5+s2], $0x80, v4, vm0, $0xb8;
	[tilespmem:$0x1C680] =	vst v63  }
0x568: {  	s12 =	simm.s32 $0x17680  }
0x569: {  	[tilespmem:s12], [sflag:$0x3] =	stream.indirect_vreg.gather [hbm4b:s4+s2], $0x80, v3, vm0, $0xb8;
	[tilespmem:$0x1C680] =	vst v63  }
0x56a: {  	s12 =	simm.s32 $0x17E80  }
0x56b: {  	[tilespmem:s12], [sflag:$0x3] =	stream.indirect_vreg.gather [hbm4b:s5+s2], $0x80, v3, vm0, $0xb8;
	[tilespmem:$0x1C680] =	vst v63  }
0x56c: {  	v3 =	vld [tilespmem:$0x520];
	_ =	sdelay $0x4  }
0x56d: {  	v50 =	vshll.u32 v3, $0x2  }
0x56e: {  	v3 =	vand.u32 $0x7, v3;
	v4 =	vand.u32 $0xFFFFFFE0, v50  }
0x56f: {  	v3 =	vor.u32 v3, v4  }
0x570: {  	v4 =	vperm.xlane v3, v0;
	_ =	sdelay $0x1  }
0x571: {  	v4 =	vadd.s32 v1, v4;
	_ =	sdelay $0x1  }
0x572: {  	v3 =	vperm.xlane v3, v2;
	_ =	sdelay $0x1  }
0x573: {  	s12 =	simm.s32 $0x18680;
	v3 =	vadd.s32 v1, v3  }
0x574: {  	[tilespmem:s12], [sflag:$0x3] =	stream.indirect_vreg.gather [hbm4b:s4+s2], $0x80, v4, vm0, $0xb8;
	[tilespmem:$0x1C680] =	vst v63  }
0x575: {  	s12 =	simm.s32 $0x18E80  }
0x576: {  	[tilespmem:s12], [sflag:$0x3] =	stream.indirect_vreg.gather [hbm4b:s5+s2], $0x80, v4, vm0, $0xb8;
	[tilespmem:$0x1C680] =	vst v63  }
0x577: {  	s12 =	simm.s32 $0x19680  }
0x578: {  	[tilespmem:s12], [sflag:$0x3] =	stream.indirect_vreg.gather [hbm4b:s4+s2], $0x80, v3, vm0, $0xb8;
	[tilespmem:$0x1C680] =	vst v63  }
0x579: {  	s12 =	simm.s32 $0x19E80  }
0x57a: {  	[tilespmem:s12], [sflag:$0x3] =	stream.indirect_vreg.gather [hbm4b:s5+s2], $0x80, v3, vm0, $0xb8;
	[tilespmem:$0x1C680] =	vst v63  }
0x57b: {  	v3 =	vld [tilespmem:$0x530];
	_ =	sdelay $0x4  }
0x57c: {  	v51 =	vshll.u32 v3, $0x2  }
0x57d: {  	v3 =	vand.u32 $0x7, v3;
	v4 =	vand.u32 $0xFFFFFFE0, v51  }
0x57e: {  	v3 =	vor.u32 v3, v4  }
0x57f: {  	v4 =	vperm.xlane v3, v0;
	_ =	sdelay $0x1  }
0x580: {  	v4 =	vadd.s32 v1, v4;
	_ =	sdelay $0x1  }
0x581: {  	v3 =	vperm.xlane v3, v2;
	_ =	sdelay $0x1  }
0x582: {  	s12 =	simm.s32 $0x1A680;
	v3 =	vadd.s32 v1, v3  }
0x583: {  	[tilespmem:s12], [sflag:$0x3] =	stream.indirect_vreg.gather [hbm4b:s4+s2], $0x80, v4, vm0, $0xb8;
	[tilespmem:$0x1C680] =	vst v63  }
0x584: {  	s12 =	simm.s32 $0x1AE80  }
0x585: {  	[tilespmem:s12], [sflag:$0x3] =	stream.indirect_vreg.gather [hbm4b:s5+s2], $0x80, v4, vm0, $0xb8;
	[tilespmem:$0x1C680] =	vst v63  }
0x586: {  	s12 =	simm.s32 $0x1B680  }
0x587: {  	[tilespmem:s12], [sflag:$0x3] =	stream.indirect_vreg.gather [hbm4b:s4+s2], $0x80, v3, vm0, $0xb8;
	[tilespmem:$0x1C680] =	vst v63  }
0x588: {  	s12 =	simm.s32 $0x1BE80  }
0x589: {  	[tilespmem:s12], [sflag:$0x3] =	stream.indirect_vreg.gather [hbm4b:s5+s2], $0x80, v3, vm0, $0xb8;
	[tilespmem:$0x1C680] =	vst v63  }
0x58a: {  	_ =	swait.ge [sflag:s0], $0xC000  }
0x58b: {  	[sflag:s0] =	ssyncset.done $0x0  }
0x58c: {  	s12 =	rddreg [dreg:$0x12];
	[sflag:s0] =	ssyncadd.s32 $0xFFFF4000  }
0x58d: {  	[hbm4b:s12+s2] =	stream.linear.scatter [tilespmem:s28], [sflag:$0x4], $0xC000, $0x38;
	[tilespmem:$0x1C680] =	vst v63  }
0x58e: {  	_ =	swait.ge [sflag:s3], $0xC000  }
0x58f: {  	[sflag:s3] =	ssyncset.done $0x0  }
0x590: {  	[sflag:s3] =	ssyncadd.s32 $0xFFFF4000  }
0x591: {  	v3 =	vld [tilespmem:$0x540];
	_ =	sdelay $0x4  }
0x592: {  	v52 =	vshll.u32 v3, $0x2  }
0x593: {  	v3 =	vand.u32 $0x7, v3;
	v4 =	vand.u32 $0xFFFFFFE0, v52  }
0x594: {  	v3 =	vor.u32 v3, v4  }
0x595: {  	v4 =	vperm.xlane v3, v0;
	_ =	sdelay $0x1  }
0x596: {  	v4 =	vadd.s32 v1, v4;
	_ =	sdelay $0x1  }
0x597: {  	v3 =	vperm.xlane v3, v2;
	_ =	sdelay $0x1  }
0x598: {  	v3 =	vadd.s32 v1, v3  }
0x599: {  	[tilespmem:s28], [sflag:$0x2] =	stream.indirect_vreg.gather [hbm4b:s4+s2], $0x80, v4, vm0, $0xb8;
	[tilespmem:$0x1C680] =	vst v63  }
0x59a: {  	s1 =	simm.s32 $0x4E80  }
0x59b: {  	[tilespmem:s1], [sflag:$0x2] =	stream.indirect_vreg.gather [hbm4b:s5+s2], $0x80, v4, vm0, $0xb8;
	[tilespmem:$0x1C680] =	vst v63  }
0x59c: {  	s6 =	simm.s32 $0x5680  }
0x59d: {  	[tilespmem:s6], [sflag:$0x2] =	stream.indirect_vreg.gather [hbm4b:s4+s2], $0x80, v3, vm0, $0xb8;
	[tilespmem:$0x1C680] =	vst v63  }
0x59e: {  	s12 =	simm.s32 $0x5E80  }
0x59f: {  	[tilespmem:s12], [sflag:$0x2] =	stream.indirect_vreg.gather [hbm4b:s5+s2], $0x80, v3, vm0, $0xb8;
	[tilespmem:$0x1C680] =	vst v63  }
0x5a0: {  	v3 =	vld [tilespmem:$0x550];
	_ =	sdelay $0x4  }
0x5a1: {  	v53 =	vshll.u32 v3, $0x2  }
0x5a2: {  	v3 =	vand.u32 $0x7, v3;
	v4 =	vand.u32 $0xFFFFFFE0, v53  }
0x5a3: {  	v3 =	vor.u32 v3, v4  }
0x5a4: {  	v4 =	vperm.xlane v3, v0;
	_ =	sdelay $0x1  }
0x5a5: {  	v4 =	vadd.s32 v1, v4;
	_ =	sdelay $0x1  }
0x5a6: {  	v3 =	vperm.xlane v3, v2;
	_ =	sdelay $0x1  }
0x5a7: {  	s9 =	simm.s32 $0x6680;
	v3 =	vadd.s32 v1, v3  }
0x5a8: {  	[tilespmem:s9], [sflag:$0x2] =	stream.indirect_vreg.gather [hbm4b:s4+s2], $0x80, v4, vm0, $0xb8;
	[tilespmem:$0x1C680] =	vst v63  }
0x5a9: {  	s13 =	simm.s32 $0x6E80  }
0x5aa: {  	[tilespmem:s13], [sflag:$0x2] =	stream.indirect_vreg.gather [hbm4b:s5+s2], $0x80, v4, vm0, $0xb8;
	[tilespmem:$0x1C680] =	vst v63  }
0x5ab: {  	s7 =	simm.s32 $0x7680  }
0x5ac: {  	[tilespmem:s7], [sflag:$0x2] =	stream.indirect_vreg.gather [hbm4b:s4+s2], $0x80, v3, vm0, $0xb8;
	[tilespmem:$0x1C680] =	vst v63  }
0x5ad: {  	s13 =	simm.s32 $0x7E80  }
0x5ae: {  	[tilespmem:s13], [sflag:$0x2] =	stream.indirect_vreg.gather [hbm4b:s5+s2], $0x80, v3, vm0, $0xb8;
	[tilespmem:$0x1C680] =	vst v63  }
0x5af: {  	v3 =	vld [tilespmem:$0x560];
	_ =	sdelay $0x4  }
0x5b0: {  	v54 =	vshll.u32 v3, $0x2  }
0x5b1: {  	v3 =	vand.u32 $0x7, v3;
	v4 =	vand.u32 $0xFFFFFFE0, v54  }
0x5b2: {  	v3 =	vor.u32 v3, v4  }
0x5b3: {  	v4 =	vperm.xlane v3, v0;
	_ =	sdelay $0x1  }
0x5b4: {  	v4 =	vadd.s32 v1, v4;
	_ =	sdelay $0x1  }
0x5b5: {  	v3 =	vperm.xlane v3, v2;
	_ =	sdelay $0x1  }
0x5b6: {  	s18 =	simm.s32 $0x8680;
	v3 =	vadd.s32 v1, v3  }
0x5b7: {  	[tilespmem:s18], [sflag:$0x2] =	stream.indirect_vreg.gather [hbm4b:s4+s2], $0x80, v4, vm0, $0xb8;
	[tilespmem:$0x1C680] =	vst v63  }
0x5b8: {  	s19 =	simm.s32 $0x8E80  }
0x5b9: {  	[tilespmem:s19], [sflag:$0x2] =	stream.indirect_vreg.gather [hbm4b:s5+s2], $0x80, v4, vm0, $0xb8;
	[tilespmem:$0x1C680] =	vst v63  }
0x5ba: {  	s20 =	simm.s32 $0x9680  }
0x5bb: {  	[tilespmem:s20], [sflag:$0x2] =	stream.indirect_vreg.gather [hbm4b:s4+s2], $0x80, v3, vm0, $0xb8;
	[tilespmem:$0x1C680] =	vst v63  }
0x5bc: {  	s19 =	simm.s32 $0x9E80  }
0x5bd: {  	[tilespmem:s19], [sflag:$0x2] =	stream.indirect_vreg.gather [hbm4b:s5+s2], $0x80, v3, vm0, $0xb8;
	[tilespmem:$0x1C680] =	vst v63  }
0x5be: {  	v3 =	vld [tilespmem:$0x570];
	_ =	sdelay $0x4  }
0x5bf: {  	v55 =	vshll.u32 v3, $0x2  }
0x5c0: {  	v3 =	vand.u32 $0x7, v3;
	v4 =	vand.u32 $0xFFFFFFE0, v55  }
0x5c1: {  	v3 =	vor.u32 v3, v4  }
0x5c2: {  	v4 =	vperm.xlane v3, v0;
	_ =	sdelay $0x1  }
0x5c3: {  	v4 =	vadd.s32 v1, v4;
	_ =	sdelay $0x1  }
0x5c4: {  	v3 =	vperm.xlane v3, v2;
	_ =	sdelay $0x1  }
0x5c5: {  	s21 =	simm.s32 $0xA680;
	v3 =	vadd.s32 v1, v3  }
0x5c6: {  	[tilespmem:s21], [sflag:$0x2] =	stream.indirect_vreg.gather [hbm4b:s4+s2], $0x80, v4, vm0, $0xb8;
	[tilespmem:$0x1C680] =	vst v63  }
0x5c7: {  	s22 =	simm.s32 $0xAE80  }
0x5c8: {  	[tilespmem:s22], [sflag:$0x2] =	stream.indirect_vreg.gather [hbm4b:s5+s2], $0x80, v4, vm0, $0xb8;
	[tilespmem:$0x1C680] =	vst v63  }
0x5c9: {  	s23 =	simm.s32 $0xB680  }
0x5ca: {  	[tilespmem:s23], [sflag:$0x2] =	stream.indirect_vreg.gather [hbm4b:s4+s2], $0x80, v3, vm0, $0xb8;
	[tilespmem:$0x1C680] =	vst v63  }
0x5cb: {  	s20 =	simm.s32 $0xBE80  }
0x5cc: {  	[tilespmem:s20], [sflag:$0x2] =	stream.indirect_vreg.gather [hbm4b:s5+s2], $0x80, v3, vm0, $0xb8;
	[tilespmem:$0x1C680] =	vst v63  }
0x5cd: {  	v3 =	vld [tilespmem:$0x580];
	_ =	sdelay $0x4  }
0x5ce: {  	v56 =	vshll.u32 v3, $0x2  }
0x5cf: {  	v3 =	vand.u32 $0x7, v3;
	v4 =	vand.u32 $0xFFFFFFE0, v56  }
0x5d0: {  	v3 =	vor.u32 v3, v4  }
0x5d1: {  	v4 =	vperm.xlane v3, v0;
	_ =	sdelay $0x1  }
0x5d2: {  	v4 =	vadd.s32 v1, v4;
	_ =	sdelay $0x1  }
0x5d3: {  	v3 =	vperm.xlane v3, v2;
	_ =	sdelay $0x1  }
0x5d4: {  	s24 =	simm.s32 $0xC680;
	v3 =	vadd.s32 v1, v3  }
0x5d5: {  	[tilespmem:s24], [sflag:$0x2] =	stream.indirect_vreg.gather [hbm4b:s4+s2], $0x80, v4, vm0, $0xb8;
	[tilespmem:$0x1C680] =	vst v63  }
0x5d6: {  	s25 =	simm.s32 $0xCE80  }
0x5d7: {  	[tilespmem:s25], [sflag:$0x2] =	stream.indirect_vreg.gather [hbm4b:s5+s2], $0x80, v4, vm0, $0xb8;
	[tilespmem:$0x1C680] =	vst v63  }
0x5d8: {  	s26 =	simm.s32 $0xD680  }
0x5d9: {  	[tilespmem:s26], [sflag:$0x2] =	stream.indirect_vreg.gather [hbm4b:s4+s2], $0x80, v3, vm0, $0xb8;
	[tilespmem:$0x1C680] =	vst v63  }
0x5da: {  	s21 =	simm.s32 $0xDE80  }
0x5db: {  	[tilespmem:s21], [sflag:$0x2] =	stream.indirect_vreg.gather [hbm4b:s5+s2], $0x80, v3, vm0, $0xb8;
	[tilespmem:$0x1C680] =	vst v63  }
0x5dc: {  	v3 =	vld [tilespmem:$0x590];
	_ =	sdelay $0x4  }
0x5dd: {  	v57 =	vshll.u32 v3, $0x2  }
0x5de: {  	v3 =	vand.u32 $0x7, v3;
	v4 =	vand.u32 $0xFFFFFFE0, v57  }
0x5df: {  	v3 =	vor.u32 v3, v4  }
0x5e0: {  	v4 =	vperm.xlane v3, v0;
	_ =	sdelay $0x1  }
0x5e1: {  	v4 =	vadd.s32 v1, v4;
	_ =	sdelay $0x1  }
0x5e2: {  	v3 =	vperm.xlane v3, v2;
	_ =	sdelay $0x1  }
0x5e3: {  	s29 =	simm.s32 $0xE680;
	v3 =	vadd.s32 v1, v3  }
0x5e4: {  	[tilespmem:s29], [sflag:$0x2] =	stream.indirect_vreg.gather [hbm4b:s4+s2], $0x80, v4, vm0, $0xb8;
	[tilespmem:$0x1C680] =	vst v63  }
0x5e5: {  	s30 =	simm.s32 $0xEE80  }
0x5e6: {  	[tilespmem:s30], [sflag:$0x2] =	stream.indirect_vreg.gather [hbm4b:s5+s2], $0x80, v4, vm0, $0xb8;
	[tilespmem:$0x1C680] =	vst v63  }
0x5e7: {  	s15 =	simm.s32 $0xF680  }
0x5e8: {  	[tilespmem:s15], [sflag:$0x2] =	stream.indirect_vreg.gather [hbm4b:s4+s2], $0x80, v3, vm0, $0xb8;
	[tilespmem:$0x1C680] =	vst v63  }
0x5e9: {  	s22 =	simm.s32 $0xFE80  }
0x5ea: {  	[tilespmem:s22], [sflag:$0x2] =	stream.indirect_vreg.gather [hbm4b:s5+s2], $0x80, v3, vm0, $0xb8;
	[tilespmem:$0x1C680] =	vst v63  }
0x5eb: {  	_ =	swait.ge [sflag:s10], $0xC000  }
0x5ec: {  	[sflag:s10] =	ssyncset.done $0x0  }
0x5ed: {  	s23 =	rddreg [dreg:$0x13];
	[sflag:s10] =	ssyncadd.s32 $0xFFFF4000  }
0x5ee: {  	[hbm4b:s23+s2] =	stream.linear.scatter [tilespmem:s8], [sflag:$0x5], $0xC000, $0x38;
	[tilespmem:$0x1C680] =	vst v63  }
0x5ef: {  	_ =	swait.ge [sflag:s11], $0xC000  }
0x5f0: {  	[sflag:s11] =	ssyncset.done $0x0  }
0x5f1: {  	[sflag:s11] =	ssyncadd.s32 $0xFFFF4000  }
0x5f2: {  	v3 =	vld [tilespmem:$0x5A0];
	_ =	sdelay $0x4  }
0x5f3: {  	v58 =	vshll.u32 v3, $0x2  }
0x5f4: {  	v3 =	vand.u32 $0x7, v3;
	v4 =	vand.u32 $0xFFFFFFE0, v58  }
0x5f5: {  	v3 =	vor.u32 v3, v4  }
0x5f6: {  	v4 =	vperm.xlane v3, v0;
	_ =	sdelay $0x1  }
0x5f7: {  	v4 =	vadd.s32 v1, v4;
	_ =	sdelay $0x1  }
0x5f8: {  	v3 =	vperm.xlane v3, v2;
	_ =	sdelay $0x1  }
0x5f9: {  	v3 =	vadd.s32 v1, v3  }
0x5fa: {  	[tilespmem:s8], [sflag:$0x3] =	stream.indirect_vreg.gather [hbm4b:s4+s2], $0x80, v4, vm0, $0xb8;
	[tilespmem:$0x1C680] =	vst v63  }
0x5fb: {  	s14 =	simm.s32 $0x10E80  }
0x5fc: {  	[tilespmem:s14], [sflag:$0x3] =	stream.indirect_vreg.gather [hbm4b:s5+s2], $0x80, v4, vm0, $0xb8;
	[tilespmem:$0x1C680] =	vst v63  }
0x5fd: {  	s16 =	simm.s32 $0x11680  }
0x5fe: {  	[tilespmem:s16], [sflag:$0x3] =	stream.indirect_vreg.gather [hbm4b:s4+s2], $0x80, v3, vm0, $0xb8;
	[tilespmem:$0x1C680] =	vst v63  }
0x5ff: {  	s24 =	simm.s32 $0x11E80  }
0x600: {  	[tilespmem:s24], [sflag:$0x3] =	stream.indirect_vreg.gather [hbm4b:s5+s2], $0x80, v3, vm0, $0xb8;
	[tilespmem:$0x1C680] =	vst v63  }
0x601: {  	v3 =	vld [tilespmem:$0x5B0];
	_ =	sdelay $0x4  }
0x602: {  	v59 =	vshll.u32 v3, $0x2  }
0x603: {  	v3 =	vand.u32 $0x7, v3;
	v4 =	vand.u32 $0xFFFFFFE0, v59  }
0x604: {  	v3 =	vor.u32 v3, v4  }
0x605: {  	v4 =	vperm.xlane v3, v0;
	_ =	sdelay $0x1  }
0x606: {  	v4 =	vadd.s32 v1, v4;
	_ =	sdelay $0x1  }
0x607: {  	v3 =	vperm.xlane v3, v2;
	_ =	sdelay $0x1  }
0x608: {  	s17 =	simm.s32 $0x12680;
	v3 =	vadd.s32 v1, v3  }
0x609: {  	[tilespmem:s17], [sflag:$0x3] =	stream.indirect_vreg.gather [hbm4b:s4+s2], $0x80, v4, vm0, $0xb8;
	[tilespmem:$0x1C680] =	vst v63  }
0x60a: {  	s31 =	simm.s32 $0x12E80  }
0x60b: {  	[tilespmem:s31], [sflag:$0x3] =	stream.indirect_vreg.gather [hbm4b:s5+s2], $0x80, v4, vm0, $0xb8;
	[tilespmem:$0x1C680] =	vst v63  }
0x60c: {  	s25 =	simm.s32 $0x13680  }
0x60d: {  	[tilespmem:s25], [sflag:$0x3] =	stream.indirect_vreg.gather [hbm4b:s4+s2], $0x80, v3, vm0, $0xb8;
	[tilespmem:$0x1C680] =	vst v63  }
0x60e: {  	s26 =	simm.s32 $0x13E80  }
0x60f: {  	[tilespmem:s26], [sflag:$0x3] =	stream.indirect_vreg.gather [hbm4b:s5+s2], $0x80, v3, vm0, $0xb8;
	[tilespmem:$0x1C680] =	vst v63  }
0x610: {  	v3 =	vld [tilespmem:$0x5C0];
	_ =	sdelay $0x4  }
0x611: {  	v60 =	vshll.u32 v3, $0x2  }
0x612: {  	v3 =	vand.u32 $0x7, v3;
	v4 =	vand.u32 $0xFFFFFFE0, v60  }
0x613: {  	v3 =	vor.u32 v3, v4  }
0x614: {  	v4 =	vperm.xlane v3, v0;
	_ =	sdelay $0x1  }
0x615: {  	v4 =	vadd.s32 v1, v4;
	_ =	sdelay $0x1  }
0x616: {  	v3 =	vperm.xlane v3, v2;
	_ =	sdelay $0x1  }
0x617: {  	s29 =	simm.s32 $0x14680;
	v3 =	vadd.s32 v1, v3  }
0x618: {  	[tilespmem:s29], [sflag:$0x3] =	stream.indirect_vreg.gather [hbm4b:s4+s2], $0x80, v4, vm0, $0xb8;
	[tilespmem:$0x1C680] =	vst v63  }
0x619: {  	s30 =	simm.s32 $0x14E80  }
0x61a: {  	[tilespmem:s30], [sflag:$0x3] =	stream.indirect_vreg.gather [hbm4b:s5+s2], $0x80, v4, vm0, $0xb8;
	[tilespmem:$0x1C680] =	vst v63  }
0x61b: {  	s31 =	simm.s32 $0x15680  }
0x61c: {  	[tilespmem:s31], [sflag:$0x3] =	stream.indirect_vreg.gather [hbm4b:s4+s2], $0x80, v3, vm0, $0xb8;
	[tilespmem:$0x1C680] =	vst v63  }
0x61d: {  	s7 =	simm.s32 $0x15E80  }
0x61e: {  	[tilespmem:s7], [sflag:$0x3] =	stream.indirect_vreg.gather [hbm4b:s5+s2], $0x80, v3, vm0, $0xb8;
	[tilespmem:$0x1C680] =	vst v63  }
0x61f: {  	v3 =	vld [tilespmem:$0x5D0];
	_ =	sdelay $0x4  }
0x620: {  	v61 =	vshll.u32 v3, $0x2  }
0x621: {  	v3 =	vand.u32 $0x7, v3;
	v4 =	vand.u32 $0xFFFFFFE0, v61  }
0x622: {  	v3 =	vor.u32 v3, v4  }
0x623: {  	v4 =	vperm.xlane v3, v0;
	_ =	sdelay $0x1  }
0x624: {  	v4 =	vadd.s32 v1, v4;
	_ =	sdelay $0x1  }
0x625: {  	v3 =	vperm.xlane v3, v2;
	_ =	sdelay $0x1  }
0x626: {  	s9 =	simm.s32 $0x16680;
	v3 =	vadd.s32 v1, v3  }
0x627: {  	[tilespmem:s9], [sflag:$0x3] =	stream.indirect_vreg.gather [hbm4b:s4+s2], $0x80, v4, vm0, $0xb8;
	[tilespmem:$0x1C680] =	vst v63  }
0x628: {  	s12 =	simm.s32 $0x16E80  }
0x629: {  	[tilespmem:s12], [sflag:$0x3] =	stream.indirect_vreg.gather [hbm4b:s5+s2], $0x80, v4, vm0, $0xb8;
	[tilespmem:$0x1C680] =	vst v63  }
0x62a: {  	s13 =	simm.s32 $0x17680  }
0x62b: {  	[tilespmem:s13], [sflag:$0x3] =	stream.indirect_vreg.gather [hbm4b:s4+s2], $0x80, v3, vm0, $0xb8;
	[tilespmem:$0x1C680] =	vst v63  }
0x62c: {  	s14 =	simm.s32 $0x17E80  }
0x62d: {  	[tilespmem:s14], [sflag:$0x3] =	stream.indirect_vreg.gather [hbm4b:s5+s2], $0x80, v3, vm0, $0xb8;
	[tilespmem:$0x1C680] =	vst v63  }
0x62e: {  	v3 =	vld [tilespmem:$0x5E0];
	_ =	sdelay $0x4  }
0x62f: {  	v62 =	vshll.u32 v3, $0x2  }
0x630: {  	v3 =	vand.u32 $0x7, v3;
	v4 =	vand.u32 $0xFFFFFFE0, v62  }
0x631: {  	v3 =	vor.u32 v3, v4  }
0x632: {  	v4 =	vperm.xlane v3, v0;
	_ =	sdelay $0x1  }
0x633: {  	v4 =	vadd.s32 v1, v4;
	_ =	sdelay $0x1  }
0x634: {  	v3 =	vperm.xlane v3, v2;
	_ =	sdelay $0x1  }
0x635: {  	s15 =	simm.s32 $0x18680;
	v3 =	vadd.s32 v1, v3  }
0x636: {  	[tilespmem:s15], [sflag:$0x3] =	stream.indirect_vreg.gather [hbm4b:s4+s2], $0x80, v4, vm0, $0xb8;
	[tilespmem:$0x1C680] =	vst v63  }
0x637: {  	s16 =	simm.s32 $0x18E80  }
0x638: {  	[tilespmem:s16], [sflag:$0x3] =	stream.indirect_vreg.gather [hbm4b:s5+s2], $0x80, v4, vm0, $0xb8;
	[tilespmem:$0x1C680] =	vst v63  }
0x639: {  	s17 =	simm.s32 $0x19680  }
0x63a: {  	[tilespmem:s17], [sflag:$0x3] =	stream.indirect_vreg.gather [hbm4b:s4+s2], $0x80, v3, vm0, $0xb8;
	[tilespmem:$0x1C680] =	vst v63  }
0x63b: {  	s18 =	simm.s32 $0x19E80  }
0x63c: {  	[tilespmem:s18], [sflag:$0x3] =	stream.indirect_vreg.gather [hbm4b:s5+s2], $0x80, v3, vm0, $0xb8;
	[tilespmem:$0x1C680] =	vst v63  }
0x63d: {  	v3 =	vld [tilespmem:$0x5F0];
	_ =	sdelay $0x4  }
0x63e: {  	v63 =	vshll.u32 v3, $0x2  }
0x63f: {  	v3 =	vand.u32 $0x7, v3;
	v4 =	vand.u32 $0xFFFFFFE0, v63  }
0x640: {  	v3 =	vor.u32 v3, v4  }
0x641: {  	v4 =	vperm.xlane v3, v0;
	_ =	sdelay $0x1  }
0x642: {  	v4 =	vadd.s32 v1, v4;
	_ =	sdelay $0x1  }
0x643: {  	v3 =	vperm.xlane v3, v2;
	_ =	sdelay $0x1  }
0x644: {  	s19 =	simm.s32 $0x1A680;
	v3 =	vadd.s32 v1, v3  }
0x645: {  	[tilespmem:s19], [sflag:$0x3] =	stream.indirect_vreg.gather [hbm4b:s4+s2], $0x80, v4, vm0, $0xb8;
	[tilespmem:$0x1C680] =	vst v63  }
0x646: {  	s20 =	simm.s32 $0x1AE80  }
0x647: {  	[tilespmem:s20], [sflag:$0x3] =	stream.indirect_vreg.gather [hbm4b:s5+s2], $0x80, v4, vm0, $0xb8;
	[tilespmem:$0x1C680] =	vst v63  }
0x648: {  	s21 =	simm.s32 $0x1B680  }
0x649: {  	[tilespmem:s21], [sflag:$0x3] =	stream.indirect_vreg.gather [hbm4b:s4+s2], $0x80, v3, vm0, $0xb8;
	[tilespmem:$0x1C680] =	vst v63  }
0x64a: {  	s22 =	simm.s32 $0x1BE80  }
0x64b: {  	[tilespmem:s22], [sflag:$0x3] =	stream.indirect_vreg.gather [hbm4b:s5+s2], $0x80, v3, vm0, $0xb8;
	[tilespmem:$0x1C680] =	vst v63  }
0x64c: {  	s6 =	sld [smem:$0x7FD];
	_ =	swait.ge [sflag:s0], $0xC000  }
0x64d: {  	[sflag:s0] =	ssyncset.done $0x0  }
0x64e: {  	s23 =	rddreg [dreg:$0x14];
	[sflag:s0] =	ssyncadd.s32 $0xFFFF4000  }
0x64f: {  	[hbm4b:s23+s2] =	stream.linear.scatter [tilespmem:s28], [sflag:$0x4], $0xC000, $0x38;
	[tilespmem:$0x1C680] =	vst v63  }
0x650: {  	_ =	swait.ge [sflag:s10], $0xC000  }
0x651: {  	[sflag:s10] =	ssyncset.done $0x0  }
0x652: {  	s24 =	rddreg [dreg:$0x15];
	[sflag:s10] =	ssyncadd.s32 $0xFFFF4000  }
0x653: {  	[hbm4b:s24+s2] =	stream.linear.scatter [tilespmem:s8], [sflag:$0x5], $0xC000, $0x38;
	[tilespmem:$0x1C680] =	vst v63  }
0x654: {  	_ =	swait.ge [sflag:s3], $0xC000  }
0x655: {  	[sflag:s3] =	ssyncset.done $0x0  }
0x656: {  	[sflag:s3] =	ssyncadd.s32 $0xFFFF4000  }
0x657: {  	_ =	swait.ge [sflag:s11], $0xC000  }
0x658: {  	[sflag:s11] =	ssyncset.done $0x0  }
0x659: {  	s25 =	simm.s32 $0x1;
	[sflag:s11] =	ssyncadd.s32 $0xFFFF4000  }
0x65a: {  	p0 =	sne.s32 s6, $0x1;
	_ =	swait.ge [sflag:s25], $0x4000  }
0x65b: {  	s29 =	simm.s32 $0x680;
	s30 =	simm.s32 $0x6;
	[sflag:s25] =	ssyncset.done $0x0  }
.Ltmp0:
0x65c: {  	s26 =	rddreg [dreg:$0x16];
	[sflag:s25] =	ssyncadd.s32 $0xFFFFC000;
	(pc) =	sbr.rel @p0 .LBB2_1-.Ltmp0, $4  }
0x65d: {  	[hbm4b:s26+s2] =	stream.linear.scatter [tilespmem:s29], [sflag:$0x6], $0x4000, $0x38;
	[tilespmem:$0x1C680] =	vst v63  }
0x65e: {  	_ =	swait.ge [sflag:s30], $0x4000  }
0x65f: {  	s31 =	simm.s32 $0x6;
	[sflag:s30] =	ssyncset.done $0x0  }
0x660: {  	s6 =	sadd.s32 $0xFFFFFFFF, s6;
	[sflag:s31] =	ssyncadd.s32 $0xFFFFC000  }
0x661: {  	_ =	sfence.sel $0x180000  }
0x662: {  	[bflag:$0x0] =	sbarrier.arrive $0xFFFF  }
0x663: {  	_ =	strace $0x9000004A  }
0x664: {  	s0 =	stileid.u32;
	[bflag:$0x2] =	sbarrier.arrive $0xFFFF  }
0x665: {  	p0 =	sne.s32 s0, $0x0;
	s0 =	rddreg [dreg:$0x4]  }
0x666: {  	s0 =	sadd.s32 @!p0 $0x100000, s0  }
0x667: {  	[sflag:s0] =	ssyncadd.tile.s32 @!p0 $0x1;
	_ =	shalt  }
.Lfunc_end2:
_tile_overlayer_lowered:
.L_overlay_start_2:
0x668: {  	(tag) =	ssettag $0x2  }
0x669: {  	s0 =	rddreg [dreg:$0x0];
	s2 =	stileid.u32  }
0x66a: {  	s1 =	rddreg [dreg:$0x1];
	p0 =	sne.s32 s2, $0x0  }
0x66b: {  	s3 =	rddreg [dreg:$0x2];
	[bflag:$0x3] =	sbarrier.arrive $0xFFFF;
	s2 =	simm.s32 @!p0 $0x1C06  }
0x66c: {  	[timem:s3], [sflag:s2] =	dma.local @!p0 [hbm:s0], s1  }
0x66d: {  	s0 =	simm.s32 @!p0 $0x6  }
0x66e: {  	_ =	swait.ge @!p0 [sflag:s0], s1  }
0x66f: {  	s1 =	ssub.s32 @!p0 $0x0, s1;
	[sflag:s0] =	ssyncset.done @!p0 $0x0  }
0x670: {  	[sflag:s0] =	ssyncadd.s32 @!p0 s1  }
0x671: {  	[bflag:$0x3] =	sbarrier.arrive $0xFFFF  }
0x672: {  	_ =	shalt  }

</sc_bundles>
